<compile_context>
chip_gen: v7x
topology: tpu7x:2x2x1
jax: 0.10.2.dev20260603
libtpu: 0.0.44.dev20260713+nightly
codegen_flags: <defaults>
</compile_context>

<pallas_src>
import functools

import jax
import jax.numpy as jnp
from jax import lax
from jax.experimental import pallas as pl
from jax.experimental.pallas import tpu as pltpu
from jax.experimental.pallas import tpu_sc as plsc

N = 10000
E = 320000
D = 128
K = 8
FW = 2 * K

NSUB = 16
NCORE = 2
NP = 10240
ROWS_PT = NP // NSUB
CH = 2000
EDG_PT = E // (NSUB * NCORE)
NCH = EDG_PT // CH


def _project_body(nodes_ref, mask_ref, w1_ref, w23_ref, out_ref):
    t = nodes_ref[...] * mask_ref[...]
    h = jnp.dot(t, w1_ref[...], preferred_element_type=jnp.float32)
    out_ref[...] = jnp.dot(h, w23_ref[...], preferred_element_type=jnp.float32)


def _project(nodes, mask, W1, W23):
    TN = 2000
    return pl.pallas_call(
        _project_body,
        grid=(N // TN,),
        in_specs=[
            pl.BlockSpec((TN, D), lambda i: (i, 0)),
            pl.BlockSpec((TN, 1), lambda i: (i, 0)),
            pl.BlockSpec((D, D), lambda i: (0, 0)),
            pl.BlockSpec((D, FW), lambda i: (0, 0)),
        ],
        out_specs=pl.BlockSpec((TN, FW), lambda i: (i, 0)),
        out_shape=jax.ShapeDtypeStruct((NP, FW), jnp.float32),
    )(nodes, mask, W1, W23)


def _pipelined_round(ei_hbm, gather_src, acc_sh, g_sh, ebase,
                     idx_s, idx_d, rows, ones, si, sd, sg, ss, sgg):
    do_deg = g_sh is not None

    def _issue_idx(k):
        base = ebase + k * CH
        pltpu.async_copy(ei_hbm.at[0, pl.ds(base, CH)], idx_s[k % 2],
                         si[k % 2])
        pltpu.async_copy(ei_hbm.at[1, pl.ds(base, CH)], idx_d[k % 3],
                         sd[k % 3])

    def _wait_scatters(k):
        b = k % 2
        pltpu.make_async_copy(rows[b], acc_sh.at[idx_d[k % 3]], ss[b]).wait()
        if do_deg:
            pltpu.make_async_copy(ones, g_sh.at[idx_d[k % 3]], sgg[b]).wait()

    _issue_idx(0)
    _issue_idx(1)
    pltpu.make_async_copy(ei_hbm.at[0, pl.ds(ebase, CH)],
                          idx_s[0], si[0]).wait()
    pltpu.async_copy(gather_src.at[idx_s[0]], rows[0], sg[0])
    for k in range(NCH):
        b = k % 2
        nb = 1 - b
        if k + 1 < NCH:
            if k >= 1:
                _wait_scatters(k - 1)
            pltpu.make_async_copy(ei_hbm.at[0, pl.ds(ebase, CH)],
                                  idx_s[nb], si[nb]).wait()
            pltpu.async_copy(gather_src.at[idx_s[nb]], rows[nb], sg[nb])
        pltpu.make_async_copy(gather_src.at[idx_s[b]], rows[b], sg[b]).wait()
        pltpu.make_async_copy(ei_hbm.at[1, pl.ds(ebase, CH)],
                              idx_d[k % 3], sd[k % 3]).wait()
        pltpu.async_copy(rows[b], acc_sh.at[idx_d[k % 3]], ss[b], add=True)
        if do_deg:
            pltpu.async_copy(ones, g_sh.at[idx_d[k % 3]], sgg[b], add=True)
        if k + 2 < NCH:
            _issue_idx(k + 2)
    _wait_scatters(NCH - 2)
    _wait_scatters(NCH - 1)


def _sc_round1_body(ei_hbm, m_hbm,
                    s_part, d_part,
                    s_sh, g_sh,
                    idx_s0, idx_s1, idx_d0, idx_d1, idx_d2,
                    rows0, rows1, ones,
                    si0, si1, sd0, sd1, sd2, sg0, sg1, ss0, ss1, sgg0, sgg1):
    cid = lax.axis_index("c")
    sid = lax.axis_index("s")
    nbase = sid * ROWS_PT
    ebase = (cid * NSUB + sid) * EDG_PT

    def _zero_row(i, _):
        rows0[i, :] = jnp.zeros((FW,), jnp.float32)
        return 0
    lax.fori_loop(0, ROWS_PT, _zero_row, 0)

    def _one_row(i, _):
        ones[i, :] = jnp.ones((FW,), jnp.float32)
        return 0
    lax.fori_loop(0, CH, _one_row, 0)

    zsrc = rows0.at[pl.ds(0, ROWS_PT)]
    pltpu.sync_copy(zsrc, s_sh.at[pl.ds(nbase, ROWS_PT)])
    pltpu.sync_copy(zsrc, g_sh.at[pl.ds(nbase, ROWS_PT)])
    plsc.subcore_barrier()

    _pipelined_round(ei_hbm, m_hbm, s_sh, g_sh, ebase,
                     (idx_s0, idx_s1), (idx_d0, idx_d1, idx_d2),
                     (rows0, rows1), ones,
                     (si0, si1), (sd0, sd1, sd2), (sg0, sg1),
                     (ss0, ss1), (sgg0, sgg1))
    plsc.subcore_barrier()

    buf = rows0.at[pl.ds(0, ROWS_PT)]
    pltpu.sync_copy(s_sh.at[pl.ds(nbase, ROWS_PT)], buf)
    pltpu.sync_copy(buf, s_part.at[cid, pl.ds(nbase, ROWS_PT)])
    pltpu.sync_copy(g_sh.at[pl.ds(nbase, ROWS_PT)], buf)
    pltpu.sync_copy(buf, d_part.at[cid, pl.ds(nbase, ROWS_PT)])


def _sc_round1(edge_index, M):
    mesh = plsc.VectorSubcoreMesh(
        core_axis_name="c", subcore_axis_name="s", num_cores=NCORE)
    f = functools.partial(
        pl.kernel,
        out_type=(
            jax.ShapeDtypeStruct((NCORE, NP, FW), jnp.float32),
            jax.ShapeDtypeStruct((NCORE, NP, FW), jnp.float32),
        ),
        mesh=mesh,
        scratch_types=[
            pltpu.VMEM_SHARED((NP, FW), jnp.float32),
            pltpu.VMEM_SHARED((NP, FW), jnp.float32),
            pltpu.VMEM((CH,), jnp.int32),
            pltpu.VMEM((CH,), jnp.int32),
            pltpu.VMEM((CH,), jnp.int32),
            pltpu.VMEM((CH,), jnp.int32),
            pltpu.VMEM((CH,), jnp.int32),
            pltpu.VMEM((CH, FW), jnp.float32),
            pltpu.VMEM((CH, FW), jnp.float32),
            pltpu.VMEM((CH, FW), jnp.float32),
        ] + [pltpu.SemaphoreType.DMA] * 11,
        compiler_params=pltpu.CompilerParams(use_tc_tiling_on_sc=False),
    )(_sc_round1_body)
    return f(edge_index, M)


def _sc_round2_body(ei_hbm, s_part, d_part,
                    z_hbm, c_part, d_hbm,
                    z_sh, c_sh,
                    idx_s0, idx_s1, idx_d0, idx_d1, idx_d2,
                    rows0, rows1,
                    si0, si1, sd0, sd1, sd2, sg0, sg1, ss0, ss1):
    cid = lax.axis_index("c")
    sid = lax.axis_index("s")
    nbase = sid * ROWS_PT
    ebase = (cid * NSUB + sid) * EDG_PT

    a = rows0.at[pl.ds(0, ROWS_PT)]
    b = rows0.at[pl.ds(ROWS_PT, ROWS_PT)]
    c = rows1.at[pl.ds(0, ROWS_PT)]
    d = rows1.at[pl.ds(ROWS_PT, ROWS_PT)]
    pltpu.sync_copy(s_part.at[0, pl.ds(nbase, ROWS_PT)], a)
    pltpu.sync_copy(s_part.at[1, pl.ds(nbase, ROWS_PT)], b)
    pltpu.sync_copy(d_part.at[0, pl.ds(nbase, ROWS_PT)], c)
    pltpu.sync_copy(d_part.at[1, pl.ds(nbase, ROWS_PT)], d)

    def _combine(i, _):
        dsum = rows1[i, :] + rows1[ROWS_PT + i, :]
        s = rows0[i, :] + rows0[ROWS_PT + i, :]
        rows0[i, :] = s / jnp.maximum(dsum, 1.0)
        rows0[ROWS_PT + i, :] = dsum
        rows1[i, :] = jnp.zeros((FW,), jnp.float32)
        return 0
    lax.fori_loop(0, ROWS_PT, _combine, 0)

    pltpu.sync_copy(a, z_sh.at[pl.ds(nbase, ROWS_PT)])
    pltpu.sync_copy(c, c_sh.at[pl.ds(nbase, ROWS_PT)])

    @pl.when(cid == 0)
    def _():
        pltpu.sync_copy(a, z_hbm.at[pl.ds(nbase, ROWS_PT)])
        pltpu.sync_copy(b, d_hbm.at[pl.ds(nbase, ROWS_PT)])
    plsc.subcore_barrier()

    _pipelined_round(ei_hbm, z_sh, c_sh, None, ebase,
                     (idx_s0, idx_s1), (idx_d0, idx_d1, idx_d2),
                     (rows0, rows1), None,
                     (si0, si1), (sd0, sd1, sd2), (sg0, sg1),
                     (ss0, ss1), None)
    plsc.subcore_barrier()

    buf = rows0.at[pl.ds(0, ROWS_PT)]
    pltpu.sync_copy(c_sh.at[pl.ds(nbase, ROWS_PT)], buf)
    pltpu.sync_copy(buf, c_part.at[cid, pl.ds(nbase, ROWS_PT)])


def _sc_round2(edge_index, s_part, d_part):
    mesh = plsc.VectorSubcoreMesh(
        core_axis_name="c", subcore_axis_name="s", num_cores=NCORE)
    f = functools.partial(
        pl.kernel,
        out_type=(
            jax.ShapeDtypeStruct((NP, FW), jnp.float32),
            jax.ShapeDtypeStruct((NCORE, NP, FW), jnp.float32),
            jax.ShapeDtypeStruct((NP, FW), jnp.float32),
        ),
        mesh=mesh,
        scratch_types=[
            pltpu.VMEM_SHARED((NP, FW), jnp.float32),
            pltpu.VMEM_SHARED((NP, FW), jnp.float32),
            pltpu.VMEM((CH,), jnp.int32),
            pltpu.VMEM((CH,), jnp.int32),
            pltpu.VMEM((CH,), jnp.int32),
            pltpu.VMEM((CH,), jnp.int32),
            pltpu.VMEM((CH,), jnp.int32),
            pltpu.VMEM((CH, FW), jnp.float32),
            pltpu.VMEM((CH, FW), jnp.float32),
        ] + [pltpu.SemaphoreType.DMA] * 9,
        compiler_params=pltpu.CompilerParams(use_tc_tiling_on_sc=False),
    )(_sc_round2_body)
    return f(edge_index, s_part, d_part)


RC = NP // (NSUB * NCORE)
OC = RC // 2


def _sc_ln_body(c_part, d_hbm, z_hbm, lnsb_hbm,
                outp,
                cbuf0, cbuf1, dbuf, zbuf, obuf, lnv):
    cid = lax.axis_index("c")
    sid = lax.axis_index("s")
    w = cid * NSUB + sid
    nbase = w * RC
    obase = w * OC
    pltpu.sync_copy(c_part.at[0, pl.ds(nbase, RC)], cbuf0)
    pltpu.sync_copy(c_part.at[1, pl.ds(nbase, RC)], cbuf1)
    pltpu.sync_copy(d_hbm.at[pl.ds(nbase, RC)], dbuf)
    pltpu.sync_copy(z_hbm.at[pl.ds(nbase, RC)], zbuf)
    pltpu.sync_copy(lnsb_hbm, lnv)

    lane = lax.iota(jnp.int32, FW)
    mfirst = lane < K
    shfwd = jnp.minimum(lane + K, FW - 1)
    shback = jnp.maximum(lane - K, 0)
    lnvv = lnv[...]
    scalev = lnvv
    biasv = lnvv.at[shfwd].get(mode="promise_in_bounds")
    sh8 = jnp.bitwise_xor(lane, 8)
    sh4 = jnp.bitwise_xor(lane, 4)
    sh2 = jnp.bitwise_xor(lane, 2)
    sh1 = jnp.bitwise_xor(lane, 1)

    def _lanesum(v):
        for p in (sh8, sh4, sh2, sh1):
            v = v + v.at[p].get(mode="promise_in_bounds")
        return v

    def _row(r):
        cv = cbuf0[r, :] + cbuf1[r, :]
        degv = jnp.maximum(dbuf[r, :], 1.0)
        zv = zbuf[r, :]
        z3 = zv.at[shfwd].get(mode="promise_in_bounds")
        x = cv / degv + z3
        xm = jnp.where(mfirst, x, 0.0)
        mu = _lanesum(xm) * (1.0 / K)
        dx = jnp.where(mfirst, x - mu, 0.0)
        var = _lanesum(dx * dx) * (1.0 / K)
        tv = var + 1e-5
        ti = lax.bitcast_convert_type(tv, jnp.int32)
        y = lax.bitcast_convert_type(
            jnp.int32(0x5F3759DF) - lax.shift_right_logical(ti, 1),
            jnp.float32)
        for _ in range(3):
            y = y * (1.5 - 0.5 * tv * y * y)
        return jnp.maximum(dx * y * scalev + biasv, 0.0)

    def _pair(i, _):
        o0 = _row(2 * i)
        o1 = _row(2 * i + 1)
        o1s = o1.at[shback].get(mode="promise_in_bounds")
        obuf[i, :] = jnp.where(mfirst, o0, o1s)
        return 0
    lax.fori_loop(0, OC, _pair, 0)
    pltpu.sync_copy(obuf, outp.at[pl.ds(obase, OC)])


def _sc_ln(C_part, deg, Z, lnsb):
    mesh = plsc.VectorSubcoreMesh(
        core_axis_name="c", subcore_axis_name="s", num_cores=NCORE)
    f = functools.partial(
        pl.kernel,
        out_type=jax.ShapeDtypeStruct((NP // 2, FW), jnp.float32),
        mesh=mesh,
        scratch_types=[
            pltpu.VMEM((RC, FW), jnp.float32),
            pltpu.VMEM((RC, FW), jnp.float32),
            pltpu.VMEM((RC, FW), jnp.float32),
            pltpu.VMEM((RC, FW), jnp.float32),
            pltpu.VMEM((OC, FW), jnp.float32),
            pltpu.VMEM((FW,), jnp.float32),
        ],
        compiler_params=pltpu.CompilerParams(use_tc_tiling_on_sc=False),
    )(_sc_ln_body)
    return f(C_part, deg, Z, lnsb)


def kernel(nodes, mask, none_selected, edge_index, W1, W2, W3, ln_scale, ln_bias):
    del none_selected
    W23 = jnp.concatenate([W2, W3], axis=1)
    M = _project(nodes, mask, W1, W23)
    S_part, D_part = _sc_round1(edge_index, M)
    Z, C_part, deg = _sc_round2(edge_index, S_part, D_part)
    lnsb = jnp.concatenate([ln_scale, ln_bias])
    packed = _sc_ln(C_part, deg, Z, lnsb)
    return packed.reshape(NP, K)[:N]

# --- scband reference (transcript-rebuilt; emitter-appended) ---
"""Pipeline reference for scband-kmeans-hrminner-module-44813688767188 (READ-ONLY COPY).

The authoritative reference and input builder live on the scoring server;
editing this copy changes nothing except your own understanding.
"""

import jax, jax.numpy as jnp
import numpy as np

N = 10000
E = 320000
D = 128
K = 8


def setup_inputs(seed: int = 0) -> dict:
    key = jax.random.key(seed)
    ks = jax.random.split(key, 8)
    nodes = jax.random.normal(ks[0], (N, D), dtype=jnp.float32)
    mask = jax.random.uniform(ks[1], (N, 1), dtype=jnp.float32)
    none_selected = jnp.zeros((N, 1), dtype=jnp.float32)
    edge_index = jax.random.randint(ks[2], (2, E), 0, N, dtype=jnp.int32)
    # learned parameters: weighting_module (GNN d->d), center_module (GNN d->k),
    # mask_module (combines center_mask and weighted features -> k), layer norm params
    W1 = jax.random.normal(ks[3], (D, D), dtype=jnp.float32) * 0.05
    W2 = jax.random.normal(ks[4], (D, K), dtype=jnp.float32) * 0.05
    W3 = jax.random.normal(ks[5], (D, K), dtype=jnp.float32) * 0.05
    ln_scale = jnp.ones((K,), dtype=jnp.float32)
    ln_bias = jnp.zeros((K,), dtype=jnp.float32)
    return {"nodes": nodes, "mask": mask, "none_selected": none_selected,
            "edge_index": edge_index, "W1": W1, "W2": W2, "W3": W3,
            "ln_scale": ln_scale, "ln_bias": ln_bias}


def reference(nodes, mask, none_selected, edge_index, W1, W2, W3, ln_scale, ln_bias):
    # Faithful translation of KMeansHead._forward_single:
    #   masked_features = nodes * mask
    #   weighted = weighting_module(masked, edge_index)      (mean-aggr GNN conv d->d)
    #   center_mask = center_module(weighted, edge_index)    (mean-aggr GNN conv d->k)
    #   output_mask = mask_module(center_mask, weighted, edge_index)
    #   output_mask = norm(output_mask); output_mask = act(output_mask)
    src = edge_index[0]
    dst = edge_index[1]
    n = nodes.shape[0]
    masked = nodes * mask
    ones = jnp.ones(src.shape, dtype=nodes.dtype)
    deg = jax.ops.segment_sum(ones, dst, num_segments=n)
    deg = jnp.maximum(deg, 1.0)
    # weighting_module: gather neighbor features, scatter-add to dst, normalize, project
    agg1 = jax.ops.segment_sum(jnp.take(masked, src, axis=0), dst, num_segments=n)
    weighted = (agg1 / deg[:, None]) @ W1
    # center_module: second message-passing round, project to k cluster logits
    agg2 = jax.ops.segment_sum(jnp.take(weighted, src, axis=0), dst, num_segments=n)
    center_mask = (agg2 / deg[:, None]) @ W2
    # mask_module: combine center logits with node-local projection of weighted features
    output_mask = center_mask + weighted @ W3
    # norm (layer_norm over cluster dim)
    mu = jnp.mean(output_mask, axis=-1, keepdims=True)
    var = jnp.var(output_mask, axis=-1, keepdims=True)
    output_mask = (output_mask - mu) / jnp.sqrt(var + 1e-5) * ln_scale + ln_bias
    # act
    output_mask = jax.nn.relu(output_mask)
    return output_mask

if __name__ == "__main__":
    import jax
    _d = setup_inputs()
    print(jax.jit(kernel)(*tuple(_d.values())))

</pallas_src>

<mosaic_0001>
#map = affine_map<(d0, d1) -> (0, 0, 0)>
#map1 = affine_map<(d0, d1) -> (0, 0)>
#map2 = affine_map<(d0, d1) -> (0)>
module attributes {stable_mosaic.version = 14 : i64} {
  func.func @_sc_ln_body(%arg0: i32, %arg1: i32, %arg2: memref<2x10240x16xf32, #tpu.memory_space<hbm>>, %arg3: memref<10240x16xf32, #tpu.memory_space<hbm>>, %arg4: memref<10240x16xf32, #tpu.memory_space<hbm>>, %arg5: memref<16xf32, #tpu.memory_space<hbm>>, %arg6: memref<5120x16xf32, #tpu.memory_space<hbm>>, %arg7: memref<320x16xf32, #tpu.memory_space<vmem>>, %arg8: memref<320x16xf32, #tpu.memory_space<vmem>>, %arg9: memref<320x16xf32, #tpu.memory_space<vmem>>, %arg10: memref<320x16xf32, #tpu.memory_space<vmem>>, %arg11: memref<160x16xf32, #tpu.memory_space<vmem>>, %arg12: memref<16xf32, #tpu.memory_space<vmem>>) attributes {dimension_semantics = [#tpu.dimension_semantics<core_parallel>, #tpu.dimension_semantics<subcore_parallel>], iteration_bounds = array<i64: 2, 16>, scalar_prefetch = 0 : i64, scratch_operands = 6 : i64, tpu.core_type = #tpu.core_type<sc_vector_subcore>, window_params = [{transform_indices = #map}, {transform_indices = #map1}, {transform_indices = #map1}, {transform_indices = #map2}, {transform_indices = #map1}]} {
    %mul3A = arith.constant 16 : i32
    %mul3A_0 = arith.muli %arg0, %mul3A : i32
    %add3A = arith.addi %mul3A_0, %arg1 : i32
    %mul3A_1 = arith.constant 320 : i32
    %mul3A_2 = arith.muli %add3A, %mul3A_1 : i32
    %mul3A_3 = arith.constant 160 : i32
    %mul3A_4 = arith.muli %add3A, %mul3A_3 : i32
    %run_scoped3A = arith.constant 0 : i32
    "tpu.region"() ({
      %run_scoped3A_43 = tpu.sem_alloc : memref<!tpu.dma_semaphore, #tpu.memory_space<semaphore_mem>>
      %dma_start3A = arith.constant 0 : i32
      %dma_start3A_44 = tpu.memref_slice %arg2[%run_scoped3A, %mul3A_2, %dma_start3A] : memref<2x10240x16xf32, #tpu.memory_space<hbm>> -> memref<1x320x16xf32, #tpu.memory_space<hbm>>
      %dma_start3A_45 = tpu.memref_squeeze %dma_start3A_44 : memref<1x320x16xf32, #tpu.memory_space<hbm>> -> memref<320x16xf32, #tpu.memory_space<hbm>>
      %dma_start3A_46 = arith.constant 0 : i32
      %dma_start3A_47 = tpu.memref_slice %arg2[%run_scoped3A, %mul3A_2, %dma_start3A_46] : memref<2x10240x16xf32, #tpu.memory_space<hbm>> -> memref<1x320x16xf32, #tpu.memory_space<hbm>>
      %dma_start3A_48 = tpu.memref_squeeze %dma_start3A_47 : memref<1x320x16xf32, #tpu.memory_space<hbm>> -> memref<320x16xf32, #tpu.memory_space<hbm>>
      tpu.enqueue_dma source(%dma_start3A_48 : memref<320x16xf32, #tpu.memory_space<hbm>>) target(%arg7 : memref<320x16xf32, #tpu.memory_space<vmem>>) target_semaphore(%run_scoped3A_43 : memref<!tpu.dma_semaphore, #tpu.memory_space<semaphore_mem>>)
      %dma_wait3A = arith.constant 0 : i32
      %dma_wait3A_49 = tpu.memref_slice %arg2[%run_scoped3A, %mul3A_2, %dma_wait3A] : memref<2x10240x16xf32, #tpu.memory_space<hbm>> -> memref<1x320x16xf32, #tpu.memory_space<hbm>>
      %dma_wait3A_50 = tpu.memref_squeeze %dma_wait3A_49 : memref<1x320x16xf32, #tpu.memory_space<hbm>> -> memref<320x16xf32, #tpu.memory_space<hbm>>
      %dma_wait3A_51 = arith.constant 0 : i32
      %dma_wait3A_52 = tpu.memref_slice %arg2[%run_scoped3A, %mul3A_2, %dma_wait3A_51] : memref<2x10240x16xf32, #tpu.memory_space<hbm>> -> memref<1x320x16xf32, #tpu.memory_space<hbm>>
      %dma_wait3A_53 = tpu.memref_squeeze %dma_wait3A_52 : memref<1x320x16xf32, #tpu.memory_space<hbm>> -> memref<320x16xf32, #tpu.memory_space<hbm>>
      tpu.wait_dma2 semaphore(%run_scoped3A_43 : memref<!tpu.dma_semaphore, #tpu.memory_space<semaphore_mem>>) src(%dma_wait3A_53 : memref<320x16xf32, #tpu.memory_space<hbm>>) dst(%arg7 : memref<320x16xf32, #tpu.memory_space<vmem>>)
      tpu.yield
    }) : () -> ()
    %run_scoped3A_5 = arith.constant 1 : i32
    "tpu.region"() ({
      %run_scoped3A_43 = tpu.sem_alloc : memref<!tpu.dma_semaphore, #tpu.memory_space<semaphore_mem>>
      %dma_start3A = arith.constant 0 : i32
      %dma_start3A_44 = tpu.memref_slice %arg2[%run_scoped3A_5, %mul3A_2, %dma_start3A] : memref<2x10240x16xf32, #tpu.memory_space<hbm>> -> memref<1x320x16xf32, #tpu.memory_space<hbm>>
      %dma_start3A_45 = tpu.memref_squeeze %dma_start3A_44 : memref<1x320x16xf32, #tpu.memory_space<hbm>> -> memref<320x16xf32, #tpu.memory_space<hbm>>
      %dma_start3A_46 = arith.constant 0 : i32
      %dma_start3A_47 = tpu.memref_slice %arg2[%run_scoped3A_5, %mul3A_2, %dma_start3A_46] : memref<2x10240x16xf32, #tpu.memory_space<hbm>> -> memref<1x320x16xf32, #tpu.memory_space<hbm>>
      %dma_start3A_48 = tpu.memref_squeeze %dma_start3A_47 : memref<1x320x16xf32, #tpu.memory_space<hbm>> -> memref<320x16xf32, #tpu.memory_space<hbm>>
      tpu.enqueue_dma source(%dma_start3A_48 : memref<320x16xf32, #tpu.memory_space<hbm>>) target(%arg8 : memref<320x16xf32, #tpu.memory_space<vmem>>) target_semaphore(%run_scoped3A_43 : memref<!tpu.dma_semaphore, #tpu.memory_space<semaphore_mem>>)
      %dma_wait3A = arith.constant 0 : i32
      %dma_wait3A_49 = tpu.memref_slice %arg2[%run_scoped3A_5, %mul3A_2, %dma_wait3A] : memref<2x10240x16xf32, #tpu.memory_space<hbm>> -> memref<1x320x16xf32, #tpu.memory_space<hbm>>
      %dma_wait3A_50 = tpu.memref_squeeze %dma_wait3A_49 : memref<1x320x16xf32, #tpu.memory_space<hbm>> -> memref<320x16xf32, #tpu.memory_space<hbm>>
      %dma_wait3A_51 = arith.constant 0 : i32
      %dma_wait3A_52 = tpu.memref_slice %arg2[%run_scoped3A_5, %mul3A_2, %dma_wait3A_51] : memref<2x10240x16xf32, #tpu.memory_space<hbm>> -> memref<1x320x16xf32, #tpu.memory_space<hbm>>
      %dma_wait3A_53 = tpu.memref_squeeze %dma_wait3A_52 : memref<1x320x16xf32, #tpu.memory_space<hbm>> -> memref<320x16xf32, #tpu.memory_space<hbm>>
      tpu.wait_dma2 semaphore(%run_scoped3A_43 : memref<!tpu.dma_semaphore, #tpu.memory_space<semaphore_mem>>) src(%dma_wait3A_53 : memref<320x16xf32, #tpu.memory_space<hbm>>) dst(%arg8 : memref<320x16xf32, #tpu.memory_space<vmem>>)
      tpu.yield
    }) : () -> ()
    "tpu.region"() ({
      %run_scoped3A_43 = tpu.sem_alloc : memref<!tpu.dma_semaphore, #tpu.memory_space<semaphore_mem>>
      %dma_start3A = arith.constant 0 : i32
      %dma_start3A_44 = tpu.memref_slice %arg3[%mul3A_2, %dma_start3A] : memref<10240x16xf32, #tpu.memory_space<hbm>> -> memref<320x16xf32, #tpu.memory_space<hbm>>
      %dma_start3A_45 = arith.constant 0 : i32
      %dma_start3A_46 = tpu.memref_slice %arg3[%mul3A_2, %dma_start3A_45] : memref<10240x16xf32, #tpu.memory_space<hbm>> -> memref<320x16xf32, #tpu.memory_space<hbm>>
      tpu.enqueue_dma source(%dma_start3A_46 : memref<320x16xf32, #tpu.memory_space<hbm>>) target(%arg9 : memref<320x16xf32, #tpu.memory_space<vmem>>) target_semaphore(%run_scoped3A_43 : memref<!tpu.dma_semaphore, #tpu.memory_space<semaphore_mem>>)
      %dma_wait3A = arith.constant 0 : i32
      %dma_wait3A_47 = tpu.memref_slice %arg3[%mul3A_2, %dma_wait3A] : memref<10240x16xf32, #tpu.memory_space<hbm>> -> memref<320x16xf32, #tpu.memory_space<hbm>>
      %dma_wait3A_48 = arith.constant 0 : i32
      %dma_wait3A_49 = tpu.memref_slice %arg3[%mul3A_2, %dma_wait3A_48] : memref<10240x16xf32, #tpu.memory_space<hbm>> -> memref<320x16xf32, #tpu.memory_space<hbm>>
      tpu.wait_dma2 semaphore(%run_scoped3A_43 : memref<!tpu.dma_semaphore, #tpu.memory_space<semaphore_mem>>) src(%dma_wait3A_49 : memref<320x16xf32, #tpu.memory_space<hbm>>) dst(%arg9 : memref<320x16xf32, #tpu.memory_space<vmem>>)
      tpu.yield
    }) : () -> ()
    "tpu.region"() ({
      %run_scoped3A_43 = tpu.sem_alloc : memref<!tpu.dma_semaphore, #tpu.memory_space<semaphore_mem>>
      %dma_start3A = arith.constant 0 : i32
      %dma_start3A_44 = tpu.memref_slice %arg4[%mul3A_2, %dma_start3A] : memref<10240x16xf32, #tpu.memory_space<hbm>> -> memref<320x16xf32, #tpu.memory_space<hbm>>
      %dma_start3A_45 = arith.constant 0 : i32
      %dma_start3A_46 = tpu.memref_slice %arg4[%mul3A_2, %dma_start3A_45] : memref<10240x16xf32, #tpu.memory_space<hbm>> -> memref<320x16xf32, #tpu.memory_space<hbm>>
      tpu.enqueue_dma source(%dma_start3A_46 : memref<320x16xf32, #tpu.memory_space<hbm>>) target(%arg10 : memref<320x16xf32, #tpu.memory_space<vmem>>) target_semaphore(%run_scoped3A_43 : memref<!tpu.dma_semaphore, #tpu.memory_space<semaphore_mem>>)
      %dma_wait3A = arith.constant 0 : i32
      %dma_wait3A_47 = tpu.memref_slice %arg4[%mul3A_2, %dma_wait3A] : memref<10240x16xf32, #tpu.memory_space<hbm>> -> memref<320x16xf32, #tpu.memory_space<hbm>>
      %dma_wait3A_48 = arith.constant 0 : i32
      %dma_wait3A_49 = tpu.memref_slice %arg4[%mul3A_2, %dma_wait3A_48] : memref<10240x16xf32, #tpu.memory_space<hbm>> -> memref<320x16xf32, #tpu.memory_space<hbm>>
      tpu.wait_dma2 semaphore(%run_scoped3A_43 : memref<!tpu.dma_semaphore, #tpu.memory_space<semaphore_mem>>) src(%dma_wait3A_49 : memref<320x16xf32, #tpu.memory_space<hbm>>) dst(%arg10 : memref<320x16xf32, #tpu.memory_space<vmem>>)
      tpu.yield
    }) : () -> ()
    "tpu.region"() ({
      %run_scoped3A_43 = tpu.sem_alloc : memref<!tpu.dma_semaphore, #tpu.memory_space<semaphore_mem>>
      tpu.enqueue_dma source(%arg5 : memref<16xf32, #tpu.memory_space<hbm>>) target(%arg12 : memref<16xf32, #tpu.memory_space<vmem>>) target_semaphore(%run_scoped3A_43 : memref<!tpu.dma_semaphore, #tpu.memory_space<semaphore_mem>>)
      tpu.wait_dma2 semaphore(%run_scoped3A_43 : memref<!tpu.dma_semaphore, #tpu.memory_space<semaphore_mem>>) src(%arg5 : memref<16xf32, #tpu.memory_space<hbm>>) dst(%arg12 : memref<16xf32, #tpu.memory_space<vmem>>)
      tpu.yield
    }) : () -> ()
    %iota3A = tpu.iota {dimensions = array<i32: 0>} : vector<16xi32>
    %lt3A = arith.constant 8 : i32
    %lt3A_6 = vector.broadcast %lt3A : i32 to vector<16xi32>
    %lt3A_7 = arith.cmpi slt, %iota3A, %lt3A_6 : vector<16xi32>
    %add3A_8 = arith.constant 8 : i32
    %add3A_9 = vector.broadcast %add3A_8 : i32 to vector<16xi32>
    %add3A_10 = arith.addi %iota3A, %add3A_9 : vector<16xi32>
    %min3A = arith.constant 15 : i32
    %min3A_11 = vector.broadcast %min3A : i32 to vector<16xi32>
    %min3A_12 = arith.minsi %add3A_10, %min3A_11 : vector<16xi32>
    %sub3A = arith.constant 8 : i32
    %sub3A_13 = vector.broadcast %sub3A : i32 to vector<16xi32>
    %sub3A_14 = arith.subi %iota3A, %sub3A_13 : vector<16xi32>
    %max3A = arith.constant 0 : i32
    %max3A_15 = vector.broadcast %max3A : i32 to vector<16xi32>
    %max3A_16 = arith.maxsi %sub3A_14, %max3A_15 : vector<16xi32>
    %get3A = arith.constant 0 : index
    %get3A_17 = tpu.vector_load %arg12[%get3A] {strides = array<i32>} : memref<16xf32, #tpu.memory_space<vmem>>, vector<16xf32>,
    %get3A_18 = vector.shape_cast %get3A_17 : vector<16xf32> to vector<16xf32>
    %lt3A_19 = arith.constant 0 : i32
    %lt3A_20 = vector.broadcast %lt3A_19 : i32 to vector<16xi32>
    %lt3A_21 = arith.cmpi slt, %min3A_12, %lt3A_20 : vector<16xi32>
    %add3A_22 = arith.constant 16 : i32
    %add3A_23 = vector.broadcast %add3A_22 : i32 to vector<16xi32>
    %add3A_24 = arith.addi %min3A_12, %add3A_23 : vector<16xi32>
    %select_n3A = arith.select %lt3A_21, %add3A_24, %min3A_12 : vector<16xi1>, vector<16xi32>
    %broadcast_in_dim3A = vector.shape_cast %select_n3A : vector<16xi32> to vector<16x1xi32>
    %gather3A = vector.shape_cast %broadcast_in_dim3A : vector<16x1xi32> to vector<16xi32>
    %gather3A_25 = tpu.dynamic_gather %get3A_18[%gather3A] in [0] : vector<16xf32>, vector<16xi32> -> vector<16xf32>
    %xor3A = arith.constant 8 : i32
    %xor3A_26 = vector.broadcast %xor3A : i32 to vector<16xi32>
    %xor3A_27 = arith.xori %iota3A, %xor3A_26 : vector<16xi32>
    %xor3A_28 = arith.constant 4 : i32
    %xor3A_29 = vector.broadcast %xor3A_28 : i32 to vector<16xi32>
    %xor3A_30 = arith.xori %iota3A, %xor3A_29 : vector<16xi32>
    %xor3A_31 = arith.constant 2 : i32
    %xor3A_32 = vector.broadcast %xor3A_31 : i32 to vector<16xi32>
    %xor3A_33 = arith.xori %iota3A, %xor3A_32 : vector<16xi32>
    %xor3A_34 = arith.constant 1 : i32
    %xor3A_35 = vector.broadcast %xor3A_34 : i32 to vector<16xi32>
    %xor3A_36 = arith.xori %iota3A, %xor3A_35 : vector<16xi32>
    %scan3A = arith.constant 0 : i32
    %scan3A_37 = arith.constant 0 : i32
    %scan3A_38 = arith.constant 160 : i32
    %scan3A_39 = arith.addi %scan3A_37, %scan3A_38 : i32
    %scan3A_40 = arith.constant 1 : i32
    %scan3A_41 = scf.for %scan3A_43 = %scan3A_37 to %scan3A_39 step %scan3A_40 iter_args(%scan3A_44 = %scan3A) -> (i32)  : i32 {
      %mul3A_45 = arith.constant 2 : i32
      %mul3A_46 = arith.muli %mul3A_45, %scan3A_43 : i32
      %get3A_47 = arith.index_cast %mul3A_46 : i32 to index
      %get3A_48 = arith.constant 0 : index
      %get3A_49 = tpu.vector_load %arg7[%get3A_47, %get3A_48] {strides = array<i32>} : memref<320x16xf32, #tpu.memory_space<vmem>>, vector<1x16xf32>,
      %get3A_50 = vector.shape_cast %get3A_49 : vector<1x16xf32> to vector<16xf32>
      %get3A_51 = arith.index_cast %mul3A_46 : i32 to index
      %get3A_52 = arith.constant 0 : index
      %get3A_53 = tpu.vector_load %arg8[%get3A_51, %get3A_52] {strides = array<i32>} : memref<320x16xf32, #tpu.memory_space<vmem>>, vector<1x16xf32>,
      %get3A_54 = vector.shape_cast %get3A_53 : vector<1x16xf32> to vector<16xf32>
      %add3A_55 = arith.addf %get3A_50, %get3A_54 : vector<16xf32>
      %get3A_56 = arith.index_cast %mul3A_46 : i32 to index
      %get3A_57 = arith.constant 0 : index
      %get3A_58 = tpu.vector_load %arg9[%get3A_56, %get3A_57] {strides = array<i32>} : memref<320x16xf32, #tpu.memory_space<vmem>>, vector<1x16xf32>,
      %get3A_59 = vector.shape_cast %get3A_58 : vector<1x16xf32> to vector<16xf32>
      %max3A_60 = arith.constant 1.000000e+00 : f32
      %max3A_61 = vector.broadcast %max3A_60 : f32 to vector<16xf32>
      %max3A_62 = arith.maximumf %get3A_59, %max3A_61 : vector<16xf32>
      %get3A_63 = arith.index_cast %mul3A_46 : i32 to index
      %get3A_64 = arith.constant 0 : index
      %get3A_65 = tpu.vector_load %arg10[%get3A_63, %get3A_64] {strides = array<i32>} : memref<320x16xf32, #tpu.memory_space<vmem>>, vector<1x16xf32>,
      %get3A_66 = vector.shape_cast %get3A_65 : vector<1x16xf32> to vector<16xf32>
      %lt3A_67 = arith.constant 0 : i32
      %lt3A_68 = vector.broadcast %lt3A_67 : i32 to vector<16xi32>
      %lt3A_69 = arith.cmpi slt, %min3A_12, %lt3A_68 : vector<16xi32>
      %add3A_70 = arith.constant 16 : i32
      %add3A_71 = vector.broadcast %add3A_70 : i32 to vector<16xi32>
      %add3A_72 = arith.addi %min3A_12, %add3A_71 : vector<16xi32>
      %select_n3A_73 = arith.select %lt3A_69, %add3A_72, %min3A_12 : vector<16xi1>, vector<16xi32>
      %broadcast_in_dim3A_74 = vector.shape_cast %select_n3A_73 : vector<16xi32> to vector<16x1xi32>
      %gather3A_75 = vector.shape_cast %broadcast_in_dim3A_74 : vector<16x1xi32> to vector<16xi32>
      %gather3A_76 = tpu.dynamic_gather %get3A_66[%gather3A_75] in [0] : vector<16xf32>, vector<16xi32> -> vector<16xf32>
      %div3A = arith.divf %add3A_55, %max3A_62 : vector<16xf32>
      %add3A_77 = arith.addf %div3A, %gather3A_76 : vector<16xf32>
      %jit3A = arith.constant 0.000000e+00 : f32
      %broadcast_in_dim3A_78 = vector.broadcast %jit3A : f32 to vector<16xf32>
      %select_n3A_79 = arith.select %lt3A_7, %add3A_77, %broadcast_in_dim3A_78 : vector<16xi1>, vector<16xf32>
      %lt3A_80 = arith.constant 0 : i32
      %lt3A_81 = vector.broadcast %lt3A_80 : i32 to vector<16xi32>
      %lt3A_82 = arith.cmpi slt, %xor3A_27, %lt3A_81 : vector<16xi32>
      %add3A_83 = arith.constant 16 : i32
      %add3A_84 = vector.broadcast %add3A_83 : i32 to vector<16xi32>
      %add3A_85 = arith.addi %xor3A_27, %add3A_84 : vector<16xi32>
      %select_n3A_86 = arith.select %lt3A_82, %add3A_85, %xor3A_27 : vector<16xi1>, vector<16xi32>
      %broadcast_in_dim3A_87 = vector.shape_cast %select_n3A_86 : vector<16xi32> to vector<16x1xi32>
      %gather3A_88 = vector.shape_cast %broadcast_in_dim3A_87 : vector<16x1xi32> to vector<16xi32>
      %gather3A_89 = tpu.dynamic_gather %select_n3A_79[%gather3A_88] in [0] : vector<16xf32>, vector<16xi32> -> vector<16xf32>
      %add3A_90 = arith.addf %select_n3A_79, %gather3A_89 : vector<16xf32>
      %lt3A_91 = arith.constant 0 : i32
      %lt3A_92 = vector.broadcast %lt3A_91 : i32 to vector<16xi32>
      %lt3A_93 = arith.cmpi slt, %xor3A_30, %lt3A_92 : vector<16xi32>
      %add3A_94 = arith.constant 16 : i32
      %add3A_95 = vector.broadcast %add3A_94 : i32 to vector<16xi32>
      %add3A_96 = arith.addi %xor3A_30, %add3A_95 : vector<16xi32>
      %select_n3A_97 = arith.select %lt3A_93, %add3A_96, %xor3A_30 : vector<16xi1>, vector<16xi32>
      %broadcast_in_dim3A_98 = vector.shape_cast %select_n3A_97 : vector<16xi32> to vector<16x1xi32>
      %gather3A_99 = vector.shape_cast %broadcast_in_dim3A_98 : vector<16x1xi32> to vector<16xi32>
      %gather3A_100 = tpu.dynamic_gather %add3A_90[%gather3A_99] in [0] : vector<16xf32>, vector<16xi32> -> vector<16xf32>
      %add3A_101 = arith.addf %add3A_90, %gather3A_100 : vector<16xf32>
      %lt3A_102 = arith.constant 0 : i32
      %lt3A_103 = vector.broadcast %lt3A_102 : i32 to vector<16xi32>
      %lt3A_104 = arith.cmpi slt, %xor3A_33, %lt3A_103 : vector<16xi32>
      %add3A_105 = arith.constant 16 : i32
      %add3A_106 = vector.broadcast %add3A_105 : i32 to vector<16xi32>
      %add3A_107 = arith.addi %xor3A_33, %add3A_106 : vector<16xi32>
      %select_n3A_108 = arith.select %lt3A_104, %add3A_107, %xor3A_33 : vector<16xi1>, vector<16xi32>
      %broadcast_in_dim3A_109 = vector.shape_cast %select_n3A_108 : vector<16xi32> to vector<16x1xi32>
      %gather3A_110 = vector.shape_cast %broadcast_in_dim3A_109 : vector<16x1xi32> to vector<16xi32>
      %gather3A_111 = tpu.dynamic_gather %add3A_101[%gather3A_110] in [0] : vector<16xf32>, vector<16xi32> -> vector<16xf32>
      %add3A_112 = arith.addf %add3A_101, %gather3A_111 : vector<16xf32>
      %lt3A_113 = arith.constant 0 : i32
      %lt3A_114 = vector.broadcast %lt3A_113 : i32 to vector<16xi32>
      %lt3A_115 = arith.cmpi slt, %xor3A_36, %lt3A_114 : vector<16xi32>
      %add3A_116 = arith.constant 16 : i32
      %add3A_117 = vector.broadcast %add3A_116 : i32 to vector<16xi32>
      %add3A_118 = arith.addi %xor3A_36, %add3A_117 : vector<16xi32>
      %select_n3A_119 = arith.select %lt3A_115, %add3A_118, %xor3A_36 : vector<16xi1>, vector<16xi32>
      %broadcast_in_dim3A_120 = vector.shape_cast %select_n3A_119 : vector<16xi32> to vector<16x1xi32>
      %gather3A_121 = vector.shape_cast %broadcast_in_dim3A_120 : vector<16x1xi32> to vector<16xi32>
      %gather3A_122 = tpu.dynamic_gather %add3A_112[%gather3A_121] in [0] : vector<16xf32>, vector<16xi32> -> vector<16xf32>
      %add3A_123 = arith.addf %add3A_112, %gather3A_122 : vector<16xf32>
      %mul3A_124 = arith.constant 1.250000e-01 : f32
      %mul3A_125 = vector.broadcast %mul3A_124 : f32 to vector<16xf32>
      %mul3A_126 = arith.mulf %add3A_123, %mul3A_125 : vector<16xf32>
      %sub3A_127 = arith.subf %add3A_77, %mul3A_126 : vector<16xf32>
      %jit3A_128 = arith.constant 0.000000e+00 : f32
      %broadcast_in_dim3A_129 = vector.broadcast %jit3A_128 : f32 to vector<16xf32>
      %select_n3A_130 = arith.select %lt3A_7, %sub3A_127, %broadcast_in_dim3A_129 : vector<16xi1>, vector<16xf32>
      %mul3A_131 = arith.mulf %select_n3A_130, %select_n3A_130 : vector<16xf32>
      %lt3A_132 = arith.constant 0 : i32
      %lt3A_133 = vector.broadcast %lt3A_132 : i32 to vector<16xi32>
      %lt3A_134 = arith.cmpi slt, %xor3A_27, %lt3A_133 : vector<16xi32>
      %add3A_135 = arith.constant 16 : i32
      %add3A_136 = vector.broadcast %add3A_135 : i32 to vector<16xi32>
      %add3A_137 = arith.addi %xor3A_27, %add3A_136 : vector<16xi32>
      %select_n3A_138 = arith.select %lt3A_134, %add3A_137, %xor3A_27 : vector<16xi1>, vector<16xi32>
      %broadcast_in_dim3A_139 = vector.shape_cast %select_n3A_138 : vector<16xi32> to vector<16x1xi32>
      %gather3A_140 = vector.shape_cast %broadcast_in_dim3A_139 : vector<16x1xi32> to vector<16xi32>
      %gather3A_141 = tpu.dynamic_gather %mul3A_131[%gather3A_140] in [0] : vector<16xf32>, vector<16xi32> -> vector<16xf32>
      %add3A_142 = arith.addf %mul3A_131, %gather3A_141 : vector<16xf32>
      %lt3A_143 = arith.constant 0 : i32
      %lt3A_144 = vector.broadcast %lt3A_143 : i32 to vector<16xi32>
      %lt3A_145 = arith.cmpi slt, %xor3A_30, %lt3A_144 : vector<16xi32>
      %add3A_146 = arith.constant 16 : i32
      %add3A_147 = vector.broadcast %add3A_146 : i32 to vector<16xi32>
      %add3A_148 = arith.addi %xor3A_30, %add3A_147 : vector<16xi32>
      %select_n3A_149 = arith.select %lt3A_145, %add3A_148, %xor3A_30 : vector<16xi1>, vector<16xi32>
      %broadcast_in_dim3A_150 = vector.shape_cast %select_n3A_149 : vector<16xi32> to vector<16x1xi32>
      %gather3A_151 = vector.shape_cast %broadcast_in_dim3A_150 : vector<16x1xi32> to vector<16xi32>
      %gather3A_152 = tpu.dynamic_gather %add3A_142[%gather3A_151] in [0] : vector<16xf32>, vector<16xi32> -> vector<16xf32>
      %add3A_153 = arith.addf %add3A_142, %gather3A_152 : vector<16xf32>
      %lt3A_154 = arith.constant 0 : i32
      %lt3A_155 = vector.broadcast %lt3A_154 : i32 to vector<16xi32>
      %lt3A_156 = arith.cmpi slt, %xor3A_33, %lt3A_155 : vector<16xi32>
      %add3A_157 = arith.constant 16 : i32
      %add3A_158 = vector.broadcast %add3A_157 : i32 to vector<16xi32>
      %add3A_159 = arith.addi %xor3A_33, %add3A_158 : vector<16xi32>
      %select_n3A_160 = arith.select %lt3A_156, %add3A_159, %xor3A_33 : vector<16xi1>, vector<16xi32>
      %broadcast_in_dim3A_161 = vector.shape_cast %select_n3A_160 : vector<16xi32> to vector<16x1xi32>
      %gather3A_162 = vector.shape_cast %broadcast_in_dim3A_161 : vector<16x1xi32> to vector<16xi32>
      %gather3A_163 = tpu.dynamic_gather %add3A_153[%gather3A_162] in [0] : vector<16xf32>, vector<16xi32> -> vector<16xf32>
      %add3A_164 = arith.addf %add3A_153, %gather3A_163 : vector<16xf32>
      %lt3A_165 = arith.constant 0 : i32
      %lt3A_166 = vector.broadcast %lt3A_165 : i32 to vector<16xi32>
      %lt3A_167 = arith.cmpi slt, %xor3A_36, %lt3A_166 : vector<16xi32>
      %add3A_168 = arith.constant 16 : i32
      %add3A_169 = vector.broadcast %add3A_168 : i32 to vector<16xi32>
      %add3A_170 = arith.addi %xor3A_36, %add3A_169 : vector<16xi32>
      %select_n3A_171 = arith.select %lt3A_167, %add3A_170, %xor3A_36 : vector<16xi1>, vector<16xi32>
      %broadcast_in_dim3A_172 = vector.shape_cast %select_n3A_171 : vector<16xi32> to vector<16x1xi32>
      %gather3A_173 = vector.shape_cast %broadcast_in_dim3A_172 : vector<16x1xi32> to vector<16xi32>
      %gather3A_174 = tpu.dynamic_gather %add3A_164[%gather3A_173] in [0] : vector<16xf32>, vector<16xi32> -> vector<16xf32>
      %add3A_175 = arith.addf %add3A_164, %gather3A_174 : vector<16xf32>
      %mul3A_176 = arith.constant 1.250000e-01 : f32
      %mul3A_177 = vector.broadcast %mul3A_176 : f32 to vector<16xf32>
      %mul3A_178 = arith.mulf %add3A_175, %mul3A_177 : vector<16xf32>
      %add3A_179 = arith.constant 9.99999974E-6 : f32
      %add3A_180 = vector.broadcast %add3A_179 : f32 to vector<16xf32>
      %add3A_181 = arith.addf %mul3A_178, %add3A_180 : vector<16xf32>
      %bitcast_convert_type3A = tpu.bitcast %add3A_181 : vector<16xf32> -> vector<16xi32>
      %shift_right_logical3A = arith.constant 1 : i32
      %shift_right_logical3A_182 = vector.broadcast %shift_right_logical3A : i32 to vector<16xi32>
      %shift_right_logical3A_183 = arith.shrui %bitcast_convert_type3A, %shift_right_logical3A_182 : vector<16xi32>
      %sub3A_184 = arith.constant 1597463007 : i32
      %sub3A_185 = vector.broadcast %sub3A_184 : i32 to vector<16xi32>
      %sub3A_186 = arith.subi %sub3A_185, %shift_right_logical3A_183 : vector<16xi32>
      %bitcast_convert_type3A_187 = tpu.bitcast %sub3A_186 : vector<16xi32> -> vector<16xf32>
      %mul3A_188 = arith.constant 5.000000e-01 : f32
      %mul3A_189 = vector.broadcast %mul3A_188 : f32 to vector<16xf32>
      %mul3A_190 = arith.mulf %mul3A_189, %add3A_181 : vector<16xf32>
      %mul3A_191 = arith.mulf %mul3A_190, %bitcast_convert_type3A_187 : vector<16xf32>
      %mul3A_192 = arith.mulf %mul3A_191, %bitcast_convert_type3A_187 : vector<16xf32>
      %sub3A_193 = arith.constant 1.500000e+00 : f32
      %sub3A_194 = vector.broadcast %sub3A_193 : f32 to vector<16xf32>
      %sub3A_195 = arith.subf %sub3A_194, %mul3A_192 : vector<16xf32>
      %mul3A_196 = arith.mulf %bitcast_convert_type3A_187, %sub3A_195 : vector<16xf32>
      %mul3A_197 = arith.constant 5.000000e-01 : f32
      %mul3A_198 = vector.broadcast %mul3A_197 : f32 to vector<16xf32>
      %mul3A_199 = arith.mulf %mul3A_198, %add3A_181 : vector<16xf32>
      %mul3A_200 = arith.mulf %mul3A_199, %mul3A_196 : vector<16xf32>
      %mul3A_201 = arith.mulf %mul3A_200, %mul3A_196 : vector<16xf32>
      %sub3A_202 = arith.constant 1.500000e+00 : f32
      %sub3A_203 = vector.broadcast %sub3A_202 : f32 to vector<16xf32>
      %sub3A_204 = arith.subf %sub3A_203, %mul3A_201 : vector<16xf32>
      %mul3A_205 = arith.mulf %mul3A_196, %sub3A_204 : vector<16xf32>
      %mul3A_206 = arith.constant 5.000000e-01 : f32
      %mul3A_207 = vector.broadcast %mul3A_206 : f32 to vector<16xf32>
      %mul3A_208 = arith.mulf %mul3A_207, %add3A_181 : vector<16xf32>
      %mul3A_209 = arith.mulf %mul3A_208, %mul3A_205 : vector<16xf32>
      %mul3A_210 = arith.mulf %mul3A_209, %mul3A_205 : vector<16xf32>
      %sub3A_211 = arith.constant 1.500000e+00 : f32
      %sub3A_212 = vector.broadcast %sub3A_211 : f32 to vector<16xf32>
      %sub3A_213 = arith.subf %sub3A_212, %mul3A_210 : vector<16xf32>
      %mul3A_214 = arith.mulf %mul3A_205, %sub3A_213 : vector<16xf32>
      %mul3A_215 = arith.mulf %select_n3A_130, %mul3A_214 : vector<16xf32>
      %mul3A_216 = arith.mulf %mul3A_215, %get3A_18 : vector<16xf32>
      %add3A_217 = arith.addf %mul3A_216, %gather3A_25 : vector<16xf32>
      %max3A_218 = arith.constant 0.000000e+00 : f32
      %max3A_219 = vector.broadcast %max3A_218 : f32 to vector<16xf32>
      %max3A_220 = arith.maximumf %add3A_217, %max3A_219 : vector<16xf32>
      %mul3A_221 = arith.constant 2 : i32
      %mul3A_222 = arith.muli %mul3A_221, %scan3A_43 : i32
      %add3A_223 = arith.constant 1 : i32
      %add3A_224 = arith.addi %mul3A_222, %add3A_223 : i32
      %get3A_225 = arith.index_cast %add3A_224 : i32 to index
      %get3A_226 = arith.constant 0 : index
      %get3A_227 = tpu.vector_load %arg7[%get3A_225, %get3A_226] {strides = array<i32>} : memref<320x16xf32, #tpu.memory_space<vmem>>, vector<1x16xf32>,
      %get3A_228 = vector.shape_cast %get3A_227 : vector<1x16xf32> to vector<16xf32>
      %get3A_229 = arith.index_cast %add3A_224 : i32 to index
      %get3A_230 = arith.constant 0 : index
      %get3A_231 = tpu.vector_load %arg8[%get3A_229, %get3A_230] {strides = array<i32>} : memref<320x16xf32, #tpu.memory_space<vmem>>, vector<1x16xf32>,
      %get3A_232 = vector.shape_cast %get3A_231 : vector<1x16xf32> to vector<16xf32>
      %add3A_233 = arith.addf %get3A_228, %get3A_232 : vector<16xf32>
      %get3A_234 = arith.index_cast %add3A_224 : i32 to index
      %get3A_235 = arith.constant 0 : index
      %get3A_236 = tpu.vector_load %arg9[%get3A_234, %get3A_235] {strides = array<i32>} : memref<320x16xf32, #tpu.memory_space<vmem>>, vector<1x16xf32>,
      %get3A_237 = vector.shape_cast %get3A_236 : vector<1x16xf32> to vector<16xf32>
      %max3A_238 = arith.constant 1.000000e+00 : f32
      %max3A_239 = vector.broadcast %max3A_238 : f32 to vector<16xf32>
      %max3A_240 = arith.maximumf %get3A_237, %max3A_239 : vector<16xf32>
      %get3A_241 = arith.index_cast %add3A_224 : i32 to index
      %get3A_242 = arith.constant 0 : index
      %get3A_243 = tpu.vector_load %arg10[%get3A_241, %get3A_242] {strides = array<i32>} : memref<320x16xf32, #tpu.memory_space<vmem>>, vector<1x16xf32>,
      %get3A_244 = vector.shape_cast %get3A_243 : vector<1x16xf32> to vector<16xf32>
      %lt3A_245 = arith.constant 0 : i32
      %lt3A_246 = vector.broadcast %lt3A_245 : i32 to vector<16xi32>
      %lt3A_247 = arith.cmpi slt, %min3A_12, %lt3A_246 : vector<16xi32>
      %add3A_248 = arith.constant 16 : i32
      %add3A_249 = vector.broadcast %add3A_248 : i32 to vector<16xi32>
      %add3A_250 = arith.addi %min3A_12, %add3A_249 : vector<16xi32>
      %select_n3A_251 = arith.select %lt3A_247, %add3A_250, %min3A_12 : vector<16xi1>, vector<16xi32>
      %broadcast_in_dim3A_252 = vector.shape_cast %select_n3A_251 : vector<16xi32> to vector<16x1xi32>
      %gather3A_253 = vector.shape_cast %broadcast_in_dim3A_252 : vector<16x1xi32> to vector<16xi32>
      %gather3A_254 = tpu.dynamic_gather %get3A_244[%gather3A_253] in [0] : vector<16xf32>, vector<16xi32> -> vector<16xf32>
      %div3A_255 = arith.divf %add3A_233, %max3A_240 : vector<16xf32>
      %add3A_256 = arith.addf %div3A_255, %gather3A_254 : vector<16xf32>
      %jit3A_257 = arith.constant 0.000000e+00 : f32
      %broadcast_in_dim3A_258 = vector.broadcast %jit3A_257 : f32 to vector<16xf32>
      %select_n3A_259 = arith.select %lt3A_7, %add3A_256, %broadcast_in_dim3A_258 : vector<16xi1>, vector<16xf32>
      %lt3A_260 = arith.constant 0 : i32
      %lt3A_261 = vector.broadcast %lt3A_260 : i32 to vector<16xi32>
      %lt3A_262 = arith.cmpi slt, %xor3A_27, %lt3A_261 : vector<16xi32>
      %add3A_263 = arith.constant 16 : i32
      %add3A_264 = vector.broadcast %add3A_263 : i32 to vector<16xi32>
      %add3A_265 = arith.addi %xor3A_27, %add3A_264 : vector<16xi32>
      %select_n3A_266 = arith.select %lt3A_262, %add3A_265, %xor3A_27 : vector<16xi1>, vector<16xi32>
      %broadcast_in_dim3A_267 = vector.shape_cast %select_n3A_266 : vector<16xi32> to vector<16x1xi32>
      %gather3A_268 = vector.shape_cast %broadcast_in_dim3A_267 : vector<16x1xi32> to vector<16xi32>
      %gather3A_269 = tpu.dynamic_gather %select_n3A_259[%gather3A_268] in [0] : vector<16xf32>, vector<16xi32> -> vector<16xf32>
      %add3A_270 = arith.addf %select_n3A_259, %gather3A_269 : vector<16xf32>
      %lt3A_271 = arith.constant 0 : i32
      %lt3A_272 = vector.broadcast %lt3A_271 : i32 to vector<16xi32>
      %lt3A_273 = arith.cmpi slt, %xor3A_30, %lt3A_272 : vector<16xi32>
      %add3A_274 = arith.constant 16 : i32
      %add3A_275 = vector.broadcast %add3A_274 : i32 to vector<16xi32>
      %add3A_276 = arith.addi %xor3A_30, %add3A_275 : vector<16xi32>
      %select_n3A_277 = arith.select %lt3A_273, %add3A_276, %xor3A_30 : vector<16xi1>, vector<16xi32>
      %broadcast_in_dim3A_278 = vector.shape_cast %select_n3A_277 : vector<16xi32> to vector<16x1xi32>
      %gather3A_279 = vector.shape_cast %broadcast_in_dim3A_278 : vector<16x1xi32> to vector<16xi32>
      %gather3A_280 = tpu.dynamic_gather %add3A_270[%gather3A_279] in [0] : vector<16xf32>, vector<16xi32> -> vector<16xf32>
      %add3A_281 = arith.addf %add3A_270, %gather3A_280 : vector<16xf32>
      %lt3A_282 = arith.constant 0 : i32
      %lt3A_283 = vector.broadcast %lt3A_282 : i32 to vector<16xi32>
      %lt3A_284 = arith.cmpi slt, %xor3A_33, %lt3A_283 : vector<16xi32>
      %add3A_285 = arith.constant 16 : i32
      %add3A_286 = vector.broadcast %add3A_285 : i32 to vector<16xi32>
      %add3A_287 = arith.addi %xor3A_33, %add3A_286 : vector<16xi32>
      %select_n3A_288 = arith.select %lt3A_284, %add3A_287, %xor3A_33 : vector<16xi1>, vector<16xi32>
      %broadcast_in_dim3A_289 = vector.shape_cast %select_n3A_288 : vector<16xi32> to vector<16x1xi32>
      %gather3A_290 = vector.shape_cast %broadcast_in_dim3A_289 : vector<16x1xi32> to vector<16xi32>
      %gather3A_291 = tpu.dynamic_gather %add3A_281[%gather3A_290] in [0] : vector<16xf32>, vector<16xi32> -> vector<16xf32>
      %add3A_292 = arith.addf %add3A_281, %gather3A_291 : vector<16xf32>
      %lt3A_293 = arith.constant 0 : i32
      %lt3A_294 = vector.broadcast %lt3A_293 : i32 to vector<16xi32>
      %lt3A_295 = arith.cmpi slt, %xor3A_36, %lt3A_294 : vector<16xi32>
      %add3A_296 = arith.constant 16 : i32
      %add3A_297 = vector.broadcast %add3A_296 : i32 to vector<16xi32>
      %add3A_298 = arith.addi %xor3A_36, %add3A_297 : vector<16xi32>
      %select_n3A_299 = arith.select %lt3A_295, %add3A_298, %xor3A_36 : vector<16xi1>, vector<16xi32>
      %broadcast_in_dim3A_300 = vector.shape_cast %select_n3A_299 : vector<16xi32> to vector<16x1xi32>
      %gather3A_301 = vector.shape_cast %broadcast_in_dim3A_300 : vector<16x1xi32> to vector<16xi32>
      %gather3A_302 = tpu.dynamic_gather %add3A_292[%gather3A_301] in [0] : vector<16xf32>, vector<16xi32> -> vector<16xf32>
      %add3A_303 = arith.addf %add3A_292, %gather3A_302 : vector<16xf32>
      %mul3A_304 = arith.constant 1.250000e-01 : f32
      %mul3A_305 = vector.broadcast %mul3A_304 : f32 to vector<16xf32>
      %mul3A_306 = arith.mulf %add3A_303, %mul3A_305 : vector<16xf32>
      %sub3A_307 = arith.subf %add3A_256, %mul3A_306 : vector<16xf32>
      %jit3A_308 = arith.constant 0.000000e+00 : f32
      %broadcast_in_dim3A_309 = vector.broadcast %jit3A_308 : f32 to vector<16xf32>
      %select_n3A_310 = arith.select %lt3A_7, %sub3A_307, %broadcast_in_dim3A_309 : vector<16xi1>, vector<16xf32>
      %mul3A_311 = arith.mulf %select_n3A_310, %select_n3A_310 : vector<16xf32>
      %lt3A_312 = arith.constant 0 : i32
      %lt3A_313 = vector.broadcast %lt3A_312 : i32 to vector<16xi32>
      %lt3A_314 = arith.cmpi slt, %xor3A_27, %lt3A_313 : vector<16xi32>
      %add3A_315 = arith.constant 16 : i32
      %add3A_316 = vector.broadcast %add3A_315 : i32 to vector<16xi32>
      %add3A_317 = arith.addi %xor3A_27, %add3A_316 : vector<16xi32>
      %select_n3A_318 = arith.select %lt3A_314, %add3A_317, %xor3A_27 : vector<16xi1>, vector<16xi32>
      %broadcast_in_dim3A_319 = vector.shape_cast %select_n3A_318 : vector<16xi32> to vector<16x1xi32>
      %gather3A_320 = vector.shape_cast %broadcast_in_dim3A_319 : vector<16x1xi32> to vector<16xi32>
      %gather3A_321 = tpu.dynamic_gather %mul3A_311[%gather3A_320] in [0] : vector<16xf32>, vector<16xi32> -> vector<16xf32>
      %add3A_322 = arith.addf %mul3A_311, %gather3A_321 : vector<16xf32>
      %lt3A_323 = arith.constant 0 : i32
      %lt3A_324 = vector.broadcast %lt3A_323 : i32 to vector<16xi32>
      %lt3A_325 = arith.cmpi slt, %xor3A_30, %lt3A_324 : vector<16xi32>
      %add3A_326 = arith.constant 16 : i32
      %add3A_327 = vector.broadcast %add3A_326 : i32 to vector<16xi32>
      %add3A_328 = arith.addi %xor3A_30, %add3A_327 : vector<16xi32>
      %select_n3A_329 = arith.select %lt3A_325, %add3A_328, %xor3A_30 : vector<16xi1>, vector<16xi32>
      %broadcast_in_dim3A_330 = vector.shape_cast %select_n3A_329 : vector<16xi32> to vector<16x1xi32>
      %gather3A_331 = vector.shape_cast %broadcast_in_dim3A_330 : vector<16x1xi32> to vector<16xi32>
      %gather3A_332 = tpu.dynamic_gather %add3A_322[%gather3A_331] in [0] : vector<16xf32>, vector<16xi32> -> vector<16xf32>
      %add3A_333 = arith.addf %add3A_322, %gather3A_332 : vector<16xf32>
      %lt3A_334 = arith.constant 0 : i32
      %lt3A_335 = vector.broadcast %lt3A_334 : i32 to vector<16xi32>
      %lt3A_336 = arith.cmpi slt, %xor3A_33, %lt3A_335 : vector<16xi32>
      %add3A_337 = arith.constant 16 : i32
      %add3A_338 = vector.broadcast %add3A_337 : i32 to vector<16xi32>
      %add3A_339 = arith.addi %xor3A_33, %add3A_338 : vector<16xi32>
      %select_n3A_340 = arith.select %lt3A_336, %add3A_339, %xor3A_33 : vector<16xi1>, vector<16xi32>
      %broadcast_in_dim3A_341 = vector.shape_cast %select_n3A_340 : vector<16xi32> to vector<16x1xi32>
      %gather3A_342 = vector.shape_cast %broadcast_in_dim3A_341 : vector<16x1xi32> to vector<16xi32>
      %gather3A_343 = tpu.dynamic_gather %add3A_333[%gather3A_342] in [0] : vector<16xf32>, vector<16xi32> -> vector<16xf32>
      %add3A_344 = arith.addf %add3A_333, %gather3A_343 : vector<16xf32>
      %lt3A_345 = arith.constant 0 : i32
      %lt3A_346 = vector.broadcast %lt3A_345 : i32 to vector<16xi32>
      %lt3A_347 = arith.cmpi slt, %xor3A_36, %lt3A_346 : vector<16xi32>
      %add3A_348 = arith.constant 16 : i32
      %add3A_349 = vector.broadcast %add3A_348 : i32 to vector<16xi32>
      %add3A_350 = arith.addi %xor3A_36, %add3A_349 : vector<16xi32>
      %select_n3A_351 = arith.select %lt3A_347, %add3A_350, %xor3A_36 : vector<16xi1>, vector<16xi32>
      %broadcast_in_dim3A_352 = vector.shape_cast %select_n3A_351 : vector<16xi32> to vector<16x1xi32>
      %gather3A_353 = vector.shape_cast %broadcast_in_dim3A_352 : vector<16x1xi32> to vector<16xi32>
      %gather3A_354 = tpu.dynamic_gather %add3A_344[%gather3A_353] in [0] : vector<16xf32>, vector<16xi32> -> vector<16xf32>
      %add3A_355 = arith.addf %add3A_344, %gather3A_354 : vector<16xf32>
      %mul3A_356 = arith.constant 1.250000e-01 : f32
      %mul3A_357 = vector.broadcast %mul3A_356 : f32 to vector<16xf32>
      %mul3A_358 = arith.mulf %add3A_355, %mul3A_357 : vector<16xf32>
      %add3A_359 = arith.constant 9.99999974E-6 : f32
      %add3A_360 = vector.broadcast %add3A_359 : f32 to vector<16xf32>
      %add3A_361 = arith.addf %mul3A_358, %add3A_360 : vector<16xf32>
      %bitcast_convert_type3A_362 = tpu.bitcast %add3A_361 : vector<16xf32> -> vector<16xi32>
      %shift_right_logical3A_363 = arith.constant 1 : i32
      %shift_right_logical3A_364 = vector.broadcast %shift_right_logical3A_363 : i32 to vector<16xi32>
      %shift_right_logical3A_365 = arith.shrui %bitcast_convert_type3A_362, %shift_right_logical3A_364 : vector<16xi32>
      %sub3A_366 = arith.constant 1597463007 : i32
      %sub3A_367 = vector.broadcast %sub3A_366 : i32 to vector<16xi32>
      %sub3A_368 = arith.subi %sub3A_367, %shift_right_logical3A_365 : vector<16xi32>
      %bitcast_convert_type3A_369 = tpu.bitcast %sub3A_368 : vector<16xi32> -> vector<16xf32>
      %mul3A_370 = arith.constant 5.000000e-01 : f32
      %mul3A_371 = vector.broadcast %mul3A_370 : f32 to vector<16xf32>
      %mul3A_372 = arith.mulf %mul3A_371, %add3A_361 : vector<16xf32>
      %mul3A_373 = arith.mulf %mul3A_372, %bitcast_convert_type3A_369 : vector<16xf32>
      %mul3A_374 = arith.mulf %mul3A_373, %bitcast_convert_type3A_369 : vector<16xf32>
      %sub3A_375 = arith.constant 1.500000e+00 : f32
      %sub3A_376 = vector.broadcast %sub3A_375 : f32 to vector<16xf32>
      %sub3A_377 = arith.subf %sub3A_376, %mul3A_374 : vector<16xf32>
      %mul3A_378 = arith.mulf %bitcast_convert_type3A_369, %sub3A_377 : vector<16xf32>
      %mul3A_379 = arith.constant 5.000000e-01 : f32
      %mul3A_380 = vector.broadcast %mul3A_379 : f32 to vector<16xf32>
      %mul3A_381 = arith.mulf %mul3A_380, %add3A_361 : vector<16xf32>
      %mul3A_382 = arith.mulf %mul3A_381, %mul3A_378 : vector<16xf32>
      %mul3A_383 = arith.mulf %mul3A_382, %mul3A_378 : vector<16xf32>
      %sub3A_384 = arith.constant 1.500000e+00 : f32
      %sub3A_385 = vector.broadcast %sub3A_384 : f32 to vector<16xf32>
      %sub3A_386 = arith.subf %sub3A_385, %mul3A_383 : vector<16xf32>
      %mul3A_387 = arith.mulf %mul3A_378, %sub3A_386 : vector<16xf32>
      %mul3A_388 = arith.constant 5.000000e-01 : f32
      %mul3A_389 = vector.broadcast %mul3A_388 : f32 to vector<16xf32>
      %mul3A_390 = arith.mulf %mul3A_389, %add3A_361 : vector<16xf32>
      %mul3A_391 = arith.mulf %mul3A_390, %mul3A_387 : vector<16xf32>
      %mul3A_392 = arith.mulf %mul3A_391, %mul3A_387 : vector<16xf32>
      %sub3A_393 = arith.constant 1.500000e+00 : f32
      %sub3A_394 = vector.broadcast %sub3A_393 : f32 to vector<16xf32>
      %sub3A_395 = arith.subf %sub3A_394, %mul3A_392 : vector<16xf32>
      %mul3A_396 = arith.mulf %mul3A_387, %sub3A_395 : vector<16xf32>
      %mul3A_397 = arith.mulf %select_n3A_310, %mul3A_396 : vector<16xf32>
      %mul3A_398 = arith.mulf %mul3A_397, %get3A_18 : vector<16xf32>
      %add3A_399 = arith.addf %mul3A_398, %gather3A_25 : vector<16xf32>
      %max3A_400 = arith.constant 0.000000e+00 : f32
      %max3A_401 = vector.broadcast %max3A_400 : f32 to vector<16xf32>
      %max3A_402 = arith.maximumf %add3A_399, %max3A_401 : vector<16xf32>
      %lt3A_403 = arith.constant 0 : i32
      %lt3A_404 = vector.broadcast %lt3A_403 : i32 to vector<16xi32>
      %lt3A_405 = arith.cmpi slt, %max3A_16, %lt3A_404 : vector<16xi32>
      %add3A_406 = arith.constant 16 : i32
      %add3A_407 = vector.broadcast %add3A_406 : i32 to vector<16xi32>
      %add3A_408 = arith.addi %max3A_16, %add3A_407 : vector<16xi32>
      %select_n3A_409 = arith.select %lt3A_405, %add3A_408, %max3A_16 : vector<16xi1>, vector<16xi32>
      %broadcast_in_dim3A_410 = vector.shape_cast %select_n3A_409 : vector<16xi32> to vector<16x1xi32>
      %gather3A_411 = vector.shape_cast %broadcast_in_dim3A_410 : vector<16x1xi32> to vector<16xi32>
      %gather3A_412 = tpu.dynamic_gather %max3A_402[%gather3A_411] in [0] : vector<16xf32>, vector<16xi32> -> vector<16xf32>
      %select_n3A_413 = arith.select %lt3A_7, %max3A_220, %gather3A_412 : vector<16xi1>, vector<16xf32>
      %swap3A = arith.index_cast %scan3A_43 : i32 to index
      %swap3A_414 = arith.constant 0 : index
      %swap3A_415 = tpu.vector_load %arg11[%swap3A, %swap3A_414] {strides = array<i32>} : memref<160x16xf32, #tpu.memory_space<vmem>>, vector<1x16xf32>,
      %swap3A_416 = vector.shape_cast %swap3A_415 : vector<1x16xf32> to vector<16xf32>
      %swap3A_417 = vector.shape_cast %select_n3A_413 : vector<16xf32> to vector<1x16xf32>
      tpu.vector_store %arg11[%swap3A, %swap3A_414], %swap3A_417 {strides = array<i32>} : memref<160x16xf32, #tpu.memory_space<vmem>>, vector<1x16xf32>,
      %scan3A_418 = arith.constant 0 : i32
      scf.yield %scan3A_418 : i32
    }
    %scan3A_42 = arith.constant 160 : i32
    "tpu.region"() ({
      %run_scoped3A_43 = tpu.sem_alloc : memref<!tpu.dma_semaphore, #tpu.memory_space<semaphore_mem>>
      %dma_start3A = arith.constant 0 : i32
      %dma_start3A_44 = tpu.memref_slice %arg6[%mul3A_4, %dma_start3A] : memref<5120x16xf32, #tpu.memory_space<hbm>> -> memref<160x16xf32, #tpu.memory_space<hbm>>
      %dma_start3A_45 = arith.constant 0 : i32
      %dma_start3A_46 = tpu.memref_slice %arg6[%mul3A_4, %dma_start3A_45] : memref<5120x16xf32, #tpu.memory_space<hbm>> -> memref<160x16xf32, #tpu.memory_space<hbm>>
      tpu.enqueue_dma source(%arg11 : memref<160x16xf32, #tpu.memory_space<vmem>>) target(%dma_start3A_46 : memref<160x16xf32, #tpu.memory_space<hbm>>) target_semaphore(%run_scoped3A_43 : memref<!tpu.dma_semaphore, #tpu.memory_space<semaphore_mem>>)
      %dma_wait3A = arith.constant 0 : i32
      %dma_wait3A_47 = tpu.memref_slice %arg6[%mul3A_4, %dma_wait3A] : memref<5120x16xf32, #tpu.memory_space<hbm>> -> memref<160x16xf32, #tpu.memory_space<hbm>>
      %dma_wait3A_48 = arith.constant 0 : i32
      %dma_wait3A_49 = tpu.memref_slice %arg6[%mul3A_4, %dma_wait3A_48] : memref<5120x16xf32, #tpu.memory_space<hbm>> -> memref<160x16xf32, #tpu.memory_space<hbm>>
      tpu.wait_dma2 semaphore(%run_scoped3A_43 : memref<!tpu.dma_semaphore, #tpu.memory_space<semaphore_mem>>) src(%arg11 : memref<160x16xf32, #tpu.memory_space<vmem>>) dst(%dma_wait3A_49 : memref<160x16xf32, #tpu.memory_space<hbm>>)
      tpu.yield
    }) : () -> ()
    return
  }
}

#map = affine_map<(d0, d1) -> (0, 0)>
#map1 = affine_map<(d0, d1) -> (0, 0, 0)>
module attributes {stable_mosaic.version = 14 : i64} {
  func.func @_sc_round2_body(%arg0: i32, %arg1: i32, %arg2: memref<2x320000xi32, #tpu.memory_space<hbm>>, %arg3: memref<2x10240x16xf32, #tpu.memory_space<hbm>>, %arg4: memref<2x10240x16xf32, #tpu.memory_space<hbm>>, %arg5: memref<10240x16xf32, #tpu.memory_space<hbm>>, %arg6: memref<2x10240x16xf32, #tpu.memory_space<hbm>>, %arg7: memref<10240x16xf32, #tpu.memory_space<hbm>>, %arg8: memref<10240x16xf32, #tpu.memory_space<vmem_shared>>, %arg9: memref<10240x16xf32, #tpu.memory_space<vmem_shared>>, %arg10: memref<2000xi32, #tpu.memory_space<vmem>>, %arg11: memref<2000xi32, #tpu.memory_space<vmem>>, %arg12: memref<2000xi32, #tpu.memory_space<vmem>>, %arg13: memref<2000xi32, #tpu.memory_space<vmem>>, %arg14: memref<2000xi32, #tpu.memory_space<vmem>>, %arg15: memref<2000x16xf32, #tpu.memory_space<vmem>>, %arg16: memref<2000x16xf32, #tpu.memory_space<vmem>>, %arg17: memref<!tpu.dma_semaphore, #tpu.memory_space<semaphore_mem>>, %arg18: memref<!tpu.dma_semaphore, #tpu.memory_space<semaphore_mem>>, %arg19: memref<!tpu.dma_semaphore, #tpu.memory_space<semaphore_mem>>, %arg20: memref<!tpu.dma_semaphore, #tpu.memory_space<semaphore_mem>>, %arg21: memref<!tpu.dma_semaphore, #tpu.memory_space<semaphore_mem>>, %arg22: memref<!tpu.dma_semaphore, #tpu.memory_space<semaphore_mem>>, %arg23: memref<!tpu.dma_semaphore, #tpu.memory_space<semaphore_mem>>, %arg24: memref<!tpu.dma_semaphore, #tpu.memory_space<semaphore_mem>>, %arg25: memref<!tpu.dma_semaphore, #tpu.memory_space<semaphore_mem>>) attributes {dimension_semantics = [#tpu.dimension_semantics<core_parallel>, #tpu.dimension_semantics<subcore_parallel>], iteration_bounds = array<i64: 2, 16>, scalar_prefetch = 0 : i64, scratch_operands = 18 : i64, tpu.core_type = #tpu.core_type<sc_vector_subcore>, window_params = [{transform_indices = #map}, {transform_indices = #map1}, {transform_indices = #map1}, {transform_indices = #map}, {transform_indices = #map1}, {transform_indices = #map}]} {
    %mul3A = arith.constant 640 : i32
    %mul3A_0 = arith.muli %arg1, %mul3A : i32
    %mul3A_1 = arith.constant 16 : i32
    %mul3A_2 = arith.muli %arg0, %mul3A_1 : i32
    %add3A = arith.addi %mul3A_2, %arg1 : i32
    %mul3A_3 = arith.constant 10000 : i32
    %mul3A_4 = arith.muli %add3A, %mul3A_3 : i32
    %run_scoped3A = arith.constant 0 : i32
    "tpu.region"() ({
      %run_scoped3A_185 = tpu.sem_alloc : memref<!tpu.dma_semaphore, #tpu.memory_space<semaphore_mem>>
      %dma_start3A_186 = arith.constant 0 : i32
      %dma_start3A_187 = arith.constant 0 : i32
      %dma_start3A_188 = tpu.memref_slice %arg15[%dma_start3A_186, %dma_start3A_187] : memref<2000x16xf32, #tpu.memory_space<vmem>> -> memref<640x16xf32, #tpu.memory_space<vmem>>
      %dma_start3A_189 = arith.constant 0 : i32
      %dma_start3A_190 = tpu.memref_slice %arg3[%run_scoped3A, %mul3A_0, %dma_start3A_189] : memref<2x10240x16xf32, #tpu.memory_space<hbm>> -> memref<1x640x16xf32, #tpu.memory_space<hbm>>
      %dma_start3A_191 = tpu.memref_squeeze %dma_start3A_190 : memref<1x640x16xf32, #tpu.memory_space<hbm>> -> memref<640x16xf32, #tpu.memory_space<hbm>>
      %dma_start3A_192 = arith.constant 0 : i32
      %dma_start3A_193 = arith.constant 0 : i32
      %dma_start3A_194 = tpu.memref_slice %arg15[%dma_start3A_192, %dma_start3A_193] : memref<2000x16xf32, #tpu.memory_space<vmem>> -> memref<640x16xf32, #tpu.memory_space<vmem>>
      %dma_start3A_195 = arith.constant 0 : i32
      %dma_start3A_196 = tpu.memref_slice %arg3[%run_scoped3A, %mul3A_0, %dma_start3A_195] : memref<2x10240x16xf32, #tpu.memory_space<hbm>> -> memref<1x640x16xf32, #tpu.memory_space<hbm>>
      %dma_start3A_197 = tpu.memref_squeeze %dma_start3A_196 : memref<1x640x16xf32, #tpu.memory_space<hbm>> -> memref<640x16xf32, #tpu.memory_space<hbm>>
      tpu.enqueue_dma source(%dma_start3A_197 : memref<640x16xf32, #tpu.memory_space<hbm>>) target(%dma_start3A_194 : memref<640x16xf32, #tpu.memory_space<vmem>>) target_semaphore(%run_scoped3A_185 : memref<!tpu.dma_semaphore, #tpu.memory_space<semaphore_mem>>)
      %dma_wait3A_198 = arith.constant 0 : i32
      %dma_wait3A_199 = arith.constant 0 : i32
      %dma_wait3A_200 = tpu.memref_slice %arg15[%dma_wait3A_198, %dma_wait3A_199] : memref<2000x16xf32, #tpu.memory_space<vmem>> -> memref<640x16xf32, #tpu.memory_space<vmem>>
      %dma_wait3A_201 = arith.constant 0 : i32
      %dma_wait3A_202 = tpu.memref_slice %arg3[%run_scoped3A, %mul3A_0, %dma_wait3A_201] : memref<2x10240x16xf32, #tpu.memory_space<hbm>> -> memref<1x640x16xf32, #tpu.memory_space<hbm>>
      %dma_wait3A_203 = tpu.memref_squeeze %dma_wait3A_202 : memref<1x640x16xf32, #tpu.memory_space<hbm>> -> memref<640x16xf32, #tpu.memory_space<hbm>>
      %dma_wait3A_204 = arith.constant 0 : i32
      %dma_wait3A_205 = arith.constant 0 : i32
      %dma_wait3A_206 = tpu.memref_slice %arg15[%dma_wait3A_204, %dma_wait3A_205] : memref<2000x16xf32, #tpu.memory_space<vmem>> -> memref<640x16xf32, #tpu.memory_space<vmem>>
      %dma_wait3A_207 = arith.constant 0 : i32
      %dma_wait3A_208 = tpu.memref_slice %arg3[%run_scoped3A, %mul3A_0, %dma_wait3A_207] : memref<2x10240x16xf32, #tpu.memory_space<hbm>> -> memref<1x640x16xf32, #tpu.memory_space<hbm>>
      %dma_wait3A_209 = tpu.memref_squeeze %dma_wait3A_208 : memref<1x640x16xf32, #tpu.memory_space<hbm>> -> memref<640x16xf32, #tpu.memory_space<hbm>>
      tpu.wait_dma2 semaphore(%run_scoped3A_185 : memref<!tpu.dma_semaphore, #tpu.memory_space<semaphore_mem>>) src(%dma_wait3A_209 : memref<640x16xf32, #tpu.memory_space<hbm>>) dst(%dma_wait3A_206 : memref<640x16xf32, #tpu.memory_space<vmem>>)
      tpu.yield
    }) : () -> ()
    %run_scoped3A_5 = arith.constant 1 : i32
    "tpu.region"() ({
      %run_scoped3A_185 = tpu.sem_alloc : memref<!tpu.dma_semaphore, #tpu.memory_space<semaphore_mem>>
      %dma_start3A_186 = arith.constant 640 : i32
      %dma_start3A_187 = arith.constant 0 : i32
      %dma_start3A_188 = tpu.memref_slice %arg15[%dma_start3A_186, %dma_start3A_187] : memref<2000x16xf32, #tpu.memory_space<vmem>> -> memref<640x16xf32, #tpu.memory_space<vmem>>
      %dma_start3A_189 = arith.constant 0 : i32
      %dma_start3A_190 = tpu.memref_slice %arg3[%run_scoped3A_5, %mul3A_0, %dma_start3A_189] : memref<2x10240x16xf32, #tpu.memory_space<hbm>> -> memref<1x640x16xf32, #tpu.memory_space<hbm>>
      %dma_start3A_191 = tpu.memref_squeeze %dma_start3A_190 : memref<1x640x16xf32, #tpu.memory_space<hbm>> -> memref<640x16xf32, #tpu.memory_space<hbm>>
      %dma_start3A_192 = arith.constant 640 : i32
      %dma_start3A_193 = arith.constant 0 : i32
      %dma_start3A_194 = tpu.memref_slice %arg15[%dma_start3A_192, %dma_start3A_193] : memref<2000x16xf32, #tpu.memory_space<vmem>> -> memref<640x16xf32, #tpu.memory_space<vmem>>
      %dma_start3A_195 = arith.constant 0 : i32
      %dma_start3A_196 = tpu.memref_slice %arg3[%run_scoped3A_5, %mul3A_0, %dma_start3A_195] : memref<2x10240x16xf32, #tpu.memory_space<hbm>> -> memref<1x640x16xf32, #tpu.memory_space<hbm>>
      %dma_start3A_197 = tpu.memref_squeeze %dma_start3A_196 : memref<1x640x16xf32, #tpu.memory_space<hbm>> -> memref<640x16xf32, #tpu.memory_space<hbm>>
      tpu.enqueue_dma source(%dma_start3A_197 : memref<640x16xf32, #tpu.memory_space<hbm>>) target(%dma_start3A_194 : memref<640x16xf32, #tpu.memory_space<vmem>>) target_semaphore(%run_scoped3A_185 : memref<!tpu.dma_semaphore, #tpu.memory_space<semaphore_mem>>)
      %dma_wait3A_198 = arith.constant 640 : i32
      %dma_wait3A_199 = arith.constant 0 : i32
      %dma_wait3A_200 = tpu.memref_slice %arg15[%dma_wait3A_198, %dma_wait3A_199] : memref<2000x16xf32, #tpu.memory_space<vmem>> -> memref<640x16xf32, #tpu.memory_space<vmem>>
      %dma_wait3A_201 = arith.constant 0 : i32
      %dma_wait3A_202 = tpu.memref_slice %arg3[%run_scoped3A_5, %mul3A_0, %dma_wait3A_201] : memref<2x10240x16xf32, #tpu.memory_space<hbm>> -> memref<1x640x16xf32, #tpu.memory_space<hbm>>
      %dma_wait3A_203 = tpu.memref_squeeze %dma_wait3A_202 : memref<1x640x16xf32, #tpu.memory_space<hbm>> -> memref<640x16xf32, #tpu.memory_space<hbm>>
      %dma_wait3A_204 = arith.constant 640 : i32
      %dma_wait3A_205 = arith.constant 0 : i32
      %dma_wait3A_206 = tpu.memref_slice %arg15[%dma_wait3A_204, %dma_wait3A_205] : memref<2000x16xf32, #tpu.memory_space<vmem>> -> memref<640x16xf32, #tpu.memory_space<vmem>>
      %dma_wait3A_207 = arith.constant 0 : i32
      %dma_wait3A_208 = tpu.memref_slice %arg3[%run_scoped3A_5, %mul3A_0, %dma_wait3A_207] : memref<2x10240x16xf32, #tpu.memory_space<hbm>> -> memref<1x640x16xf32, #tpu.memory_space<hbm>>
      %dma_wait3A_209 = tpu.memref_squeeze %dma_wait3A_208 : memref<1x640x16xf32, #tpu.memory_space<hbm>> -> memref<640x16xf32, #tpu.memory_space<hbm>>
      tpu.wait_dma2 semaphore(%run_scoped3A_185 : memref<!tpu.dma_semaphore, #tpu.memory_space<semaphore_mem>>) src(%dma_wait3A_209 : memref<640x16xf32, #tpu.memory_space<hbm>>) dst(%dma_wait3A_206 : memref<640x16xf32, #tpu.memory_space<vmem>>)
      tpu.yield
    }) : () -> ()
    %run_scoped3A_6 = arith.constant 0 : i32
    "tpu.region"() ({
      %run_scoped3A_185 = tpu.sem_alloc : memref<!tpu.dma_semaphore, #tpu.memory_space<semaphore_mem>>
      %dma_start3A_186 = arith.constant 0 : i32
      %dma_start3A_187 = arith.constant 0 : i32
      %dma_start3A_188 = tpu.memref_slice %arg16[%dma_start3A_186, %dma_start3A_187] : memref<2000x16xf32, #tpu.memory_space<vmem>> -> memref<640x16xf32, #tpu.memory_space<vmem>>
      %dma_start3A_189 = arith.constant 0 : i32
      %dma_start3A_190 = tpu.memref_slice %arg4[%run_scoped3A_6, %mul3A_0, %dma_start3A_189] : memref<2x10240x16xf32, #tpu.memory_space<hbm>> -> memref<1x640x16xf32, #tpu.memory_space<hbm>>
      %dma_start3A_191 = tpu.memref_squeeze %dma_start3A_190 : memref<1x640x16xf32, #tpu.memory_space<hbm>> -> memref<640x16xf32, #tpu.memory_space<hbm>>
      %dma_start3A_192 = arith.constant 0 : i32
      %dma_start3A_193 = arith.constant 0 : i32
      %dma_start3A_194 = tpu.memref_slice %arg16[%dma_start3A_192, %dma_start3A_193] : memref<2000x16xf32, #tpu.memory_space<vmem>> -> memref<640x16xf32, #tpu.memory_space<vmem>>
      %dma_start3A_195 = arith.constant 0 : i32
      %dma_start3A_196 = tpu.memref_slice %arg4[%run_scoped3A_6, %mul3A_0, %dma_start3A_195] : memref<2x10240x16xf32, #tpu.memory_space<hbm>> -> memref<1x640x16xf32, #tpu.memory_space<hbm>>
      %dma_start3A_197 = tpu.memref_squeeze %dma_start3A_196 : memref<1x640x16xf32, #tpu.memory_space<hbm>> -> memref<640x16xf32, #tpu.memory_space<hbm>>
      tpu.enqueue_dma source(%dma_start3A_197 : memref<640x16xf32, #tpu.memory_space<hbm>>) target(%dma_start3A_194 : memref<640x16xf32, #tpu.memory_space<vmem>>) target_semaphore(%run_scoped3A_185 : memref<!tpu.dma_semaphore, #tpu.memory_space<semaphore_mem>>)
      %dma_wait3A_198 = arith.constant 0 : i32
      %dma_wait3A_199 = arith.constant 0 : i32
      %dma_wait3A_200 = tpu.memref_slice %arg16[%dma_wait3A_198, %dma_wait3A_199] : memref<2000x16xf32, #tpu.memory_space<vmem>> -> memref<640x16xf32, #tpu.memory_space<vmem>>
      %dma_wait3A_201 = arith.constant 0 : i32
      %dma_wait3A_202 = tpu.memref_slice %arg4[%run_scoped3A_6, %mul3A_0, %dma_wait3A_201] : memref<2x10240x16xf32, #tpu.memory_space<hbm>> -> memref<1x640x16xf32, #tpu.memory_space<hbm>>
      %dma_wait3A_203 = tpu.memref_squeeze %dma_wait3A_202 : memref<1x640x16xf32, #tpu.memory_space<hbm>> -> memref<640x16xf32, #tpu.memory_space<hbm>>
      %dma_wait3A_204 = arith.constant 0 : i32
      %dma_wait3A_205 = arith.constant 0 : i32
      %dma_wait3A_206 = tpu.memref_slice %arg16[%dma_wait3A_204, %dma_wait3A_205] : memref<2000x16xf32, #tpu.memory_space<vmem>> -> memref<640x16xf32, #tpu.memory_space<vmem>>
      %dma_wait3A_207 = arith.constant 0 : i32
      %dma_wait3A_208 = tpu.memref_slice %arg4[%run_scoped3A_6, %mul3A_0, %dma_wait3A_207] : memref<2x10240x16xf32, #tpu.memory_space<hbm>> -> memref<1x640x16xf32, #tpu.memory_space<hbm>>
      %dma_wait3A_209 = tpu.memref_squeeze %dma_wait3A_208 : memref<1x640x16xf32, #tpu.memory_space<hbm>> -> memref<640x16xf32, #tpu.memory_space<hbm>>
      tpu.wait_dma2 semaphore(%run_scoped3A_185 : memref<!tpu.dma_semaphore, #tpu.memory_space<semaphore_mem>>) src(%dma_wait3A_209 : memref<640x16xf32, #tpu.memory_space<hbm>>) dst(%dma_wait3A_206 : memref<640x16xf32, #tpu.memory_space<vmem>>)
      tpu.yield
    }) : () -> ()
    %run_scoped3A_7 = arith.constant 1 : i32
    "tpu.region"() ({
      %run_scoped3A_185 = tpu.sem_alloc : memref<!tpu.dma_semaphore, #tpu.memory_space<semaphore_mem>>
      %dma_start3A_186 = arith.constant 640 : i32
      %dma_start3A_187 = arith.constant 0 : i32
      %dma_start3A_188 = tpu.memref_slice %arg16[%dma_start3A_186, %dma_start3A_187] : memref<2000x16xf32, #tpu.memory_space<vmem>> -> memref<640x16xf32, #tpu.memory_space<vmem>>
      %dma_start3A_189 = arith.constant 0 : i32
      %dma_start3A_190 = tpu.memref_slice %arg4[%run_scoped3A_7, %mul3A_0, %dma_start3A_189] : memref<2x10240x16xf32, #tpu.memory_space<hbm>> -> memref<1x640x16xf32, #tpu.memory_space<hbm>>
      %dma_start3A_191 = tpu.memref_squeeze %dma_start3A_190 : memref<1x640x16xf32, #tpu.memory_space<hbm>> -> memref<640x16xf32, #tpu.memory_space<hbm>>
      %dma_start3A_192 = arith.constant 640 : i32
      %dma_start3A_193 = arith.constant 0 : i32
      %dma_start3A_194 = tpu.memref_slice %arg16[%dma_start3A_192, %dma_start3A_193] : memref<2000x16xf32, #tpu.memory_space<vmem>> -> memref<640x16xf32, #tpu.memory_space<vmem>>
      %dma_start3A_195 = arith.constant 0 : i32
      %dma_start3A_196 = tpu.memref_slice %arg4[%run_scoped3A_7, %mul3A_0, %dma_start3A_195] : memref<2x10240x16xf32, #tpu.memory_space<hbm>> -> memref<1x640x16xf32, #tpu.memory_space<hbm>>
      %dma_start3A_197 = tpu.memref_squeeze %dma_start3A_196 : memref<1x640x16xf32, #tpu.memory_space<hbm>> -> memref<640x16xf32, #tpu.memory_space<hbm>>
      tpu.enqueue_dma source(%dma_start3A_197 : memref<640x16xf32, #tpu.memory_space<hbm>>) target(%dma_start3A_194 : memref<640x16xf32, #tpu.memory_space<vmem>>) target_semaphore(%run_scoped3A_185 : memref<!tpu.dma_semaphore, #tpu.memory_space<semaphore_mem>>)
      %dma_wait3A_198 = arith.constant 640 : i32
      %dma_wait3A_199 = arith.constant 0 : i32
      %dma_wait3A_200 = tpu.memref_slice %arg16[%dma_wait3A_198, %dma_wait3A_199] : memref<2000x16xf32, #tpu.memory_space<vmem>> -> memref<640x16xf32, #tpu.memory_space<vmem>>
      %dma_wait3A_201 = arith.constant 0 : i32
      %dma_wait3A_202 = tpu.memref_slice %arg4[%run_scoped3A_7, %mul3A_0, %dma_wait3A_201] : memref<2x10240x16xf32, #tpu.memory_space<hbm>> -> memref<1x640x16xf32, #tpu.memory_space<hbm>>
      %dma_wait3A_203 = tpu.memref_squeeze %dma_wait3A_202 : memref<1x640x16xf32, #tpu.memory_space<hbm>> -> memref<640x16xf32, #tpu.memory_space<hbm>>
      %dma_wait3A_204 = arith.constant 640 : i32
      %dma_wait3A_205 = arith.constant 0 : i32
      %dma_wait3A_206 = tpu.memref_slice %arg16[%dma_wait3A_204, %dma_wait3A_205] : memref<2000x16xf32, #tpu.memory_space<vmem>> -> memref<640x16xf32, #tpu.memory_space<vmem>>
      %dma_wait3A_207 = arith.constant 0 : i32
      %dma_wait3A_208 = tpu.memref_slice %arg4[%run_scoped3A_7, %mul3A_0, %dma_wait3A_207] : memref<2x10240x16xf32, #tpu.memory_space<hbm>> -> memref<1x640x16xf32, #tpu.memory_space<hbm>>
      %dma_wait3A_209 = tpu.memref_squeeze %dma_wait3A_208 : memref<1x640x16xf32, #tpu.memory_space<hbm>> -> memref<640x16xf32, #tpu.memory_space<hbm>>
      tpu.wait_dma2 semaphore(%run_scoped3A_185 : memref<!tpu.dma_semaphore, #tpu.memory_space<semaphore_mem>>) src(%dma_wait3A_209 : memref<640x16xf32, #tpu.memory_space<hbm>>) dst(%dma_wait3A_206 : memref<640x16xf32, #tpu.memory_space<vmem>>)
      tpu.yield
    }) : () -> ()
    %scan3A = arith.constant 0 : i32
    %scan3A_8 = arith.constant 0 : i32
    %scan3A_9 = arith.constant 640 : i32
    %scan3A_10 = arith.addi %scan3A_8, %scan3A_9 : i32
    %scan3A_11 = arith.constant 1 : i32
    %scan3A_12 = scf.for %scan3A_185 = %scan3A_8 to %scan3A_10 step %scan3A_11 iter_args(%scan3A_186 = %scan3A) -> (i32)  : i32 {
      %get3A = arith.index_cast %scan3A_185 : i32 to index
      %get3A_187 = arith.constant 0 : index
      %get3A_188 = tpu.vector_load %arg16[%get3A, %get3A_187] {strides = array<i32>} : memref<2000x16xf32, #tpu.memory_space<vmem>>, vector<1x16xf32>,
      %get3A_189 = vector.shape_cast %get3A_188 : vector<1x16xf32> to vector<16xf32>
      %add3A_190 = arith.constant 640 : i32
      %add3A_191 = arith.addi %add3A_190, %scan3A_185 : i32
      %get3A_192 = arith.index_cast %add3A_191 : i32 to index
      %get3A_193 = arith.constant 0 : index
      %get3A_194 = tpu.vector_load %arg16[%get3A_192, %get3A_193] {strides = array<i32>} : memref<2000x16xf32, #tpu.memory_space<vmem>>, vector<1x16xf32>,
      %get3A_195 = vector.shape_cast %get3A_194 : vector<1x16xf32> to vector<16xf32>
      %add3A_196 = arith.addf %get3A_189, %get3A_195 : vector<16xf32>
      %get3A_197 = arith.index_cast %scan3A_185 : i32 to index
      %get3A_198 = arith.constant 0 : index
      %get3A_199 = tpu.vector_load %arg15[%get3A_197, %get3A_198] {strides = array<i32>} : memref<2000x16xf32, #tpu.memory_space<vmem>>, vector<1x16xf32>,
      %get3A_200 = vector.shape_cast %get3A_199 : vector<1x16xf32> to vector<16xf32>
      %add3A_201 = arith.constant 640 : i32
      %add3A_202 = arith.addi %add3A_201, %scan3A_185 : i32
      %get3A_203 = arith.index_cast %add3A_202 : i32 to index
      %get3A_204 = arith.constant 0 : index
      %get3A_205 = tpu.vector_load %arg15[%get3A_203, %get3A_204] {strides = array<i32>} : memref<2000x16xf32, #tpu.memory_space<vmem>>, vector<1x16xf32>,
      %get3A_206 = vector.shape_cast %get3A_205 : vector<1x16xf32> to vector<16xf32>
      %add3A_207 = arith.addf %get3A_200, %get3A_206 : vector<16xf32>
      %max3A = arith.constant 1.000000e+00 : f32
      %max3A_208 = vector.broadcast %max3A : f32 to vector<16xf32>
      %max3A_209 = arith.maximumf %add3A_196, %max3A_208 : vector<16xf32>
      %div3A = arith.divf %add3A_207, %max3A_209 : vector<16xf32>
      %swap3A = arith.index_cast %scan3A_185 : i32 to index
      %swap3A_210 = arith.constant 0 : index
      %swap3A_211 = tpu.vector_load %arg15[%swap3A, %swap3A_210] {strides = array<i32>} : memref<2000x16xf32, #tpu.memory_space<vmem>>, vector<1x16xf32>,
      %swap3A_212 = vector.shape_cast %swap3A_211 : vector<1x16xf32> to vector<16xf32>
      %swap3A_213 = vector.shape_cast %div3A : vector<16xf32> to vector<1x16xf32>
      tpu.vector_store %arg15[%swap3A, %swap3A_210], %swap3A_213 {strides = array<i32>} : memref<2000x16xf32, #tpu.memory_space<vmem>>, vector<1x16xf32>,
      %add3A_214 = arith.constant 640 : i32
      %add3A_215 = arith.addi %add3A_214, %scan3A_185 : i32
      %swap3A_216 = arith.index_cast %add3A_215 : i32 to index
      %swap3A_217 = arith.constant 0 : index
      %swap3A_218 = tpu.vector_load %arg15[%swap3A_216, %swap3A_217] {strides = array<i32>} : memref<2000x16xf32, #tpu.memory_space<vmem>>, vector<1x16xf32>,
      %swap3A_219 = vector.shape_cast %swap3A_218 : vector<1x16xf32> to vector<16xf32>
      %swap3A_220 = vector.shape_cast %add3A_196 : vector<16xf32> to vector<1x16xf32>
      tpu.vector_store %arg15[%swap3A_216, %swap3A_217], %swap3A_220 {strides = array<i32>} : memref<2000x16xf32, #tpu.memory_space<vmem>>, vector<1x16xf32>,
      %broadcast_in_dim3A = arith.constant 0.000000e+00 : f32
      %broadcast_in_dim3A_221 = vector.broadcast %broadcast_in_dim3A : f32 to vector<16xf32>
      %swap3A_222 = arith.index_cast %scan3A_185 : i32 to index
      %swap3A_223 = arith.constant 0 : index
      %swap3A_224 = tpu.vector_load %arg16[%swap3A_222, %swap3A_223] {strides = array<i32>} : memref<2000x16xf32, #tpu.memory_space<vmem>>, vector<1x16xf32>,
      %swap3A_225 = vector.shape_cast %swap3A_224 : vector<1x16xf32> to vector<16xf32>
      %swap3A_226 = vector.shape_cast %broadcast_in_dim3A_221 : vector<16xf32> to vector<1x16xf32>
      tpu.vector_store %arg16[%swap3A_222, %swap3A_223], %swap3A_226 {strides = array<i32>} : memref<2000x16xf32, #tpu.memory_space<vmem>>, vector<1x16xf32>,
      %scan3A_227 = arith.constant 0 : i32
      scf.yield %scan3A_227 : i32
    }
    %scan3A_13 = arith.constant 640 : i32
    "tpu.region"() ({
      %run_scoped3A_185 = tpu.sem_alloc : memref<!tpu.dma_semaphore, #tpu.memory_space<semaphore_mem>>
      %dma_start3A_186 = arith.constant 0 : i32
      %dma_start3A_187 = arith.constant 0 : i32
      %dma_start3A_188 = tpu.memref_slice %arg15[%dma_start3A_186, %dma_start3A_187] : memref<2000x16xf32, #tpu.memory_space<vmem>> -> memref<640x16xf32, #tpu.memory_space<vmem>>
      %dma_start3A_189 = arith.constant 0 : i32
      %dma_start3A_190 = tpu.memref_slice %arg8[%mul3A_0, %dma_start3A_189] : memref<10240x16xf32, #tpu.memory_space<vmem_shared>> -> memref<640x16xf32, #tpu.memory_space<vmem_shared>>
      %dma_start3A_191 = arith.constant 0 : i32
      %dma_start3A_192 = tpu.memref_slice %arg8[%mul3A_0, %dma_start3A_191] : memref<10240x16xf32, #tpu.memory_space<vmem_shared>> -> memref<640x16xf32, #tpu.memory_space<vmem_shared>>
      %dma_start3A_193 = arith.constant 0 : i32
      %dma_start3A_194 = arith.constant 0 : i32
      %dma_start3A_195 = tpu.memref_slice %arg15[%dma_start3A_193, %dma_start3A_194] : memref<2000x16xf32, #tpu.memory_space<vmem>> -> memref<640x16xf32, #tpu.memory_space<vmem>>
      tpu.enqueue_dma source(%dma_start3A_195 : memref<640x16xf32, #tpu.memory_space<vmem>>) target(%dma_start3A_192 : memref<640x16xf32, #tpu.memory_space<vmem_shared>>) target_semaphore(%run_scoped3A_185 : memref<!tpu.dma_semaphore, #tpu.memory_space<semaphore_mem>>)
      %dma_wait3A_196 = arith.constant 0 : i32
      %dma_wait3A_197 = arith.constant 0 : i32
      %dma_wait3A_198 = tpu.memref_slice %arg15[%dma_wait3A_196, %dma_wait3A_197] : memref<2000x16xf32, #tpu.memory_space<vmem>> -> memref<640x16xf32, #tpu.memory_space<vmem>>
      %dma_wait3A_199 = arith.constant 0 : i32
      %dma_wait3A_200 = tpu.memref_slice %arg8[%mul3A_0, %dma_wait3A_199] : memref<10240x16xf32, #tpu.memory_space<vmem_shared>> -> memref<640x16xf32, #tpu.memory_space<vmem_shared>>
      %dma_wait3A_201 = arith.constant 0 : i32
      %dma_wait3A_202 = tpu.memref_slice %arg8[%mul3A_0, %dma_wait3A_201] : memref<10240x16xf32, #tpu.memory_space<vmem_shared>> -> memref<640x16xf32, #tpu.memory_space<vmem_shared>>
      %dma_wait3A_203 = arith.constant 0 : i32
      %dma_wait3A_204 = arith.constant 0 : i32
      %dma_wait3A_205 = tpu.memref_slice %arg15[%dma_wait3A_203, %dma_wait3A_204] : memref<2000x16xf32, #tpu.memory_space<vmem>> -> memref<640x16xf32, #tpu.memory_space<vmem>>
      tpu.wait_dma2 semaphore(%run_scoped3A_185 : memref<!tpu.dma_semaphore, #tpu.memory_space<semaphore_mem>>) src(%dma_wait3A_205 : memref<640x16xf32, #tpu.memory_space<vmem>>) dst(%dma_wait3A_202 : memref<640x16xf32, #tpu.memory_space<vmem_shared>>)
      tpu.yield
    }) : () -> ()
    "tpu.region"() ({
      %run_scoped3A_185 = tpu.sem_alloc : memref<!tpu.dma_semaphore, #tpu.memory_space<semaphore_mem>>
      %dma_start3A_186 = arith.constant 0 : i32
      %dma_start3A_187 = arith.constant 0 : i32
      %dma_start3A_188 = tpu.memref_slice %arg16[%dma_start3A_186, %dma_start3A_187] : memref<2000x16xf32, #tpu.memory_space<vmem>> -> memref<640x16xf32, #tpu.memory_space<vmem>>
      %dma_start3A_189 = arith.constant 0 : i32
      %dma_start3A_190 = tpu.memref_slice %arg9[%mul3A_0, %dma_start3A_189] : memref<10240x16xf32, #tpu.memory_space<vmem_shared>> -> memref<640x16xf32, #tpu.memory_space<vmem_shared>>
      %dma_start3A_191 = arith.constant 0 : i32
      %dma_start3A_192 = tpu.memref_slice %arg9[%mul3A_0, %dma_start3A_191] : memref<10240x16xf32, #tpu.memory_space<vmem_shared>> -> memref<640x16xf32, #tpu.memory_space<vmem_shared>>
      %dma_start3A_193 = arith.constant 0 : i32
      %dma_start3A_194 = arith.constant 0 : i32
      %dma_start3A_195 = tpu.memref_slice %arg16[%dma_start3A_193, %dma_start3A_194] : memref<2000x16xf32, #tpu.memory_space<vmem>> -> memref<640x16xf32, #tpu.memory_space<vmem>>
      tpu.enqueue_dma source(%dma_start3A_195 : memref<640x16xf32, #tpu.memory_space<vmem>>) target(%dma_start3A_192 : memref<640x16xf32, #tpu.memory_space<vmem_shared>>) target_semaphore(%run_scoped3A_185 : memref<!tpu.dma_semaphore, #tpu.memory_space<semaphore_mem>>)
      %dma_wait3A_196 = arith.constant 0 : i32
      %dma_wait3A_197 = arith.constant 0 : i32
      %dma_wait3A_198 = tpu.memref_slice %arg16[%dma_wait3A_196, %dma_wait3A_197] : memref<2000x16xf32, #tpu.memory_space<vmem>> -> memref<640x16xf32, #tpu.memory_space<vmem>>
      %dma_wait3A_199 = arith.constant 0 : i32
      %dma_wait3A_200 = tpu.memref_slice %arg9[%mul3A_0, %dma_wait3A_199] : memref<10240x16xf32, #tpu.memory_space<vmem_shared>> -> memref<640x16xf32, #tpu.memory_space<vmem_shared>>
      %dma_wait3A_201 = arith.constant 0 : i32
      %dma_wait3A_202 = tpu.memref_slice %arg9[%mul3A_0, %dma_wait3A_201] : memref<10240x16xf32, #tpu.memory_space<vmem_shared>> -> memref<640x16xf32, #tpu.memory_space<vmem_shared>>
      %dma_wait3A_203 = arith.constant 0 : i32
      %dma_wait3A_204 = arith.constant 0 : i32
      %dma_wait3A_205 = tpu.memref_slice %arg16[%dma_wait3A_203, %dma_wait3A_204] : memref<2000x16xf32, #tpu.memory_space<vmem>> -> memref<640x16xf32, #tpu.memory_space<vmem>>
      tpu.wait_dma2 semaphore(%run_scoped3A_185 : memref<!tpu.dma_semaphore, #tpu.memory_space<semaphore_mem>>) src(%dma_wait3A_205 : memref<640x16xf32, #tpu.memory_space<vmem>>) dst(%dma_wait3A_202 : memref<640x16xf32, #tpu.memory_space<vmem_shared>>)
      tpu.yield
    }) : () -> ()
    %eq3A = arith.constant 0 : i32
    %eq3A_14 = arith.cmpi eq, %arg0, %eq3A : i32
    %convert_element_type3A = arith.extui %eq3A_14 : i1 to i32
    %cond3A = arith.constant 0 : i32
    %cond3A_15 = arith.cmpi ne, %convert_element_type3A, %cond3A : i32
    scf.if %cond3A_15 {
      "tpu.region"() ({
        %run_scoped3A_185 = tpu.sem_alloc : memref<!tpu.dma_semaphore, #tpu.memory_space<semaphore_mem>>
        %dma_start3A_186 = arith.constant 0 : i32
        %dma_start3A_187 = arith.constant 0 : i32
        %dma_start3A_188 = tpu.memref_slice %arg15[%dma_start3A_186, %dma_start3A_187] : memref<2000x16xf32, #tpu.memory_space<vmem>> -> memref<640x16xf32, #tpu.memory_space<vmem>>
        %dma_start3A_189 = arith.constant 0 : i32
        %dma_start3A_190 = tpu.memref_slice %arg5[%mul3A_0, %dma_start3A_189] : memref<10240x16xf32, #tpu.memory_space<hbm>> -> memref<640x16xf32, #tpu.memory_space<hbm>>
        %dma_start3A_191 = arith.constant 0 : i32
        %dma_start3A_192 = tpu.memref_slice %arg5[%mul3A_0, %dma_start3A_191] : memref<10240x16xf32, #tpu.memory_space<hbm>> -> memref<640x16xf32, #tpu.memory_space<hbm>>
        %dma_start3A_193 = arith.constant 0 : i32
        %dma_start3A_194 = arith.constant 0 : i32
        %dma_start3A_195 = tpu.memref_slice %arg15[%dma_start3A_193, %dma_start3A_194] : memref<2000x16xf32, #tpu.memory_space<vmem>> -> memref<640x16xf32, #tpu.memory_space<vmem>>
        tpu.enqueue_dma source(%dma_start3A_195 : memref<640x16xf32, #tpu.memory_space<vmem>>) target(%dma_start3A_192 : memref<640x16xf32, #tpu.memory_space<hbm>>) target_semaphore(%run_scoped3A_185 : memref<!tpu.dma_semaphore, #tpu.memory_space<semaphore_mem>>)
        %dma_wait3A_196 = arith.constant 0 : i32
        %dma_wait3A_197 = arith.constant 0 : i32
        %dma_wait3A_198 = tpu.memref_slice %arg15[%dma_wait3A_196, %dma_wait3A_197] : memref<2000x16xf32, #tpu.memory_space<vmem>> -> memref<640x16xf32, #tpu.memory_space<vmem>>
        %dma_wait3A_199 = arith.constant 0 : i32
        %dma_wait3A_200 = tpu.memref_slice %arg5[%mul3A_0, %dma_wait3A_199] : memref<10240x16xf32, #tpu.memory_space<hbm>> -> memref<640x16xf32, #tpu.memory_space<hbm>>
        %dma_wait3A_201 = arith.constant 0 : i32
        %dma_wait3A_202 = tpu.memref_slice %arg5[%mul3A_0, %dma_wait3A_201] : memref<10240x16xf32, #tpu.memory_space<hbm>> -> memref<640x16xf32, #tpu.memory_space<hbm>>
        %dma_wait3A_203 = arith.constant 0 : i32
        %dma_wait3A_204 = arith.constant 0 : i32
        %dma_wait3A_205 = tpu.memref_slice %arg15[%dma_wait3A_203, %dma_wait3A_204] : memref<2000x16xf32, #tpu.memory_space<vmem>> -> memref<640x16xf32, #tpu.memory_space<vmem>>
        tpu.wait_dma2 semaphore(%run_scoped3A_185 : memref<!tpu.dma_semaphore, #tpu.memory_space<semaphore_mem>>) src(%dma_wait3A_205 : memref<640x16xf32, #tpu.memory_space<vmem>>) dst(%dma_wait3A_202 : memref<640x16xf32, #tpu.memory_space<hbm>>)
        tpu.yield
      }) : () -> ()
      "tpu.region"() ({
        %run_scoped3A_185 = tpu.sem_alloc : memref<!tpu.dma_semaphore, #tpu.memory_space<semaphore_mem>>
        %dma_start3A_186 = arith.constant 640 : i32
        %dma_start3A_187 = arith.constant 0 : i32
        %dma_start3A_188 = tpu.memref_slice %arg15[%dma_start3A_186, %dma_start3A_187] : memref<2000x16xf32, #tpu.memory_space<vmem>> -> memref<640x16xf32, #tpu.memory_space<vmem>>
        %dma_start3A_189 = arith.constant 0 : i32
        %dma_start3A_190 = tpu.memref_slice %arg7[%mul3A_0, %dma_start3A_189] : memref<10240x16xf32, #tpu.memory_space<hbm>> -> memref<640x16xf32, #tpu.memory_space<hbm>>
        %dma_start3A_191 = arith.constant 0 : i32
        %dma_start3A_192 = tpu.memref_slice %arg7[%mul3A_0, %dma_start3A_191] : memref<10240x16xf32, #tpu.memory_space<hbm>> -> memref<640x16xf32, #tpu.memory_space<hbm>>
        %dma_start3A_193 = arith.constant 640 : i32
        %dma_start3A_194 = arith.constant 0 : i32
        %dma_start3A_195 = tpu.memref_slice %arg15[%dma_start3A_193, %dma_start3A_194] : memref<2000x16xf32, #tpu.memory_space<vmem>> -> memref<640x16xf32, #tpu.memory_space<vmem>>
        tpu.enqueue_dma source(%dma_start3A_195 : memref<640x16xf32, #tpu.memory_space<vmem>>) target(%dma_start3A_192 : memref<640x16xf32, #tpu.memory_space<hbm>>) target_semaphore(%run_scoped3A_185 : memref<!tpu.dma_semaphore, #tpu.memory_space<semaphore_mem>>)
        %dma_wait3A_196 = arith.constant 640 : i32
        %dma_wait3A_197 = arith.constant 0 : i32
        %dma_wait3A_198 = tpu.memref_slice %arg15[%dma_wait3A_196, %dma_wait3A_197] : memref<2000x16xf32, #tpu.memory_space<vmem>> -> memref<640x16xf32, #tpu.memory_space<vmem>>
        %dma_wait3A_199 = arith.constant 0 : i32
        %dma_wait3A_200 = tpu.memref_slice %arg7[%mul3A_0, %dma_wait3A_199] : memref<10240x16xf32, #tpu.memory_space<hbm>> -> memref<640x16xf32, #tpu.memory_space<hbm>>
        %dma_wait3A_201 = arith.constant 0 : i32
        %dma_wait3A_202 = tpu.memref_slice %arg7[%mul3A_0, %dma_wait3A_201] : memref<10240x16xf32, #tpu.memory_space<hbm>> -> memref<640x16xf32, #tpu.memory_space<hbm>>
        %dma_wait3A_203 = arith.constant 640 : i32
        %dma_wait3A_204 = arith.constant 0 : i32
        %dma_wait3A_205 = tpu.memref_slice %arg15[%dma_wait3A_203, %dma_wait3A_204] : memref<2000x16xf32, #tpu.memory_space<vmem>> -> memref<640x16xf32, #tpu.memory_space<vmem>>
        tpu.wait_dma2 semaphore(%run_scoped3A_185 : memref<!tpu.dma_semaphore, #tpu.memory_space<semaphore_mem>>) src(%dma_wait3A_205 : memref<640x16xf32, #tpu.memory_space<vmem>>) dst(%dma_wait3A_202 : memref<640x16xf32, #tpu.memory_space<hbm>>)
        tpu.yield
      }) : () -> ()
    } else {
    }
    %barrier3A = arith.constant 0 : index
    tpu.barrier barrier_id(%barrier3A)
    %add3A_16 = arith.constant 0 : i32
    %add3A_17 = arith.addi %mul3A_4, %add3A_16 : i32
    %dma_start3A = arith.constant 0 : i32
    %dma_start3A_18 = tpu.memref_slice %arg2[%dma_start3A, %add3A_17] : memref<2x320000xi32, #tpu.memory_space<hbm>> -> memref<1x2000xi32, #tpu.memory_space<hbm>>
    %dma_start3A_19 = tpu.memref_squeeze %dma_start3A_18 : memref<1x2000xi32, #tpu.memory_space<hbm>> -> memref<2000xi32, #tpu.memory_space<hbm>>
    %dma_start3A_20 = tpu.memref_slice %arg2[%dma_start3A, %add3A_17] : memref<2x320000xi32, #tpu.memory_space<hbm>> -> memref<1x2000xi32, #tpu.memory_space<hbm>>
    %dma_start3A_21 = tpu.memref_squeeze %dma_start3A_20 : memref<1x2000xi32, #tpu.memory_space<hbm>> -> memref<2000xi32, #tpu.memory_space<hbm>>
    tpu.enqueue_dma source(%dma_start3A_21 : memref<2000xi32, #tpu.memory_space<hbm>>) target(%arg10 : memref<2000xi32, #tpu.memory_space<vmem>>) target_semaphore(%arg17 : memref<!tpu.dma_semaphore, #tpu.memory_space<semaphore_mem>>)
    %dma_start3A_22 = arith.constant 1 : i32
    %dma_start3A_23 = tpu.memref_slice %arg2[%dma_start3A_22, %add3A_17] : memref<2x320000xi32, #tpu.memory_space<hbm>> -> memref<1x2000xi32, #tpu.memory_space<hbm>>
    %dma_start3A_24 = tpu.memref_squeeze %dma_start3A_23 : memref<1x2000xi32, #tpu.memory_space<hbm>> -> memref<2000xi32, #tpu.memory_space<hbm>>
    %dma_start3A_25 = tpu.memref_slice %arg2[%dma_start3A_22, %add3A_17] : memref<2x320000xi32, #tpu.memory_space<hbm>> -> memref<1x2000xi32, #tpu.memory_space<hbm>>
    %dma_start3A_26 = tpu.memref_squeeze %dma_start3A_25 : memref<1x2000xi32, #tpu.memory_space<hbm>> -> memref<2000xi32, #tpu.memory_space<hbm>>
    tpu.enqueue_dma source(%dma_start3A_26 : memref<2000xi32, #tpu.memory_space<hbm>>) target(%arg12 : memref<2000xi32, #tpu.memory_space<vmem>>) target_semaphore(%arg19 : memref<!tpu.dma_semaphore, #tpu.memory_space<semaphore_mem>>)
    %add3A_27 = arith.constant 2000 : i32
    %add3A_28 = arith.addi %mul3A_4, %add3A_27 : i32
    %dma_start3A_29 = arith.constant 0 : i32
    %dma_start3A_30 = tpu.memref_slice %arg2[%dma_start3A_29, %add3A_28] : memref<2x320000xi32, #tpu.memory_space<hbm>> -> memref<1x2000xi32, #tpu.memory_space<hbm>>
    %dma_start3A_31 = tpu.memref_squeeze %dma_start3A_30 : memref<1x2000xi32, #tpu.memory_space<hbm>> -> memref<2000xi32, #tpu.memory_space<hbm>>
    %dma_start3A_32 = tpu.memref_slice %arg2[%dma_start3A_29, %add3A_28] : memref<2x320000xi32, #tpu.memory_space<hbm>> -> memref<1x2000xi32, #tpu.memory_space<hbm>>
    %dma_start3A_33 = tpu.memref_squeeze %dma_start3A_32 : memref<1x2000xi32, #tpu.memory_space<hbm>> -> memref<2000xi32, #tpu.memory_space<hbm>>
    tpu.enqueue_dma source(%dma_start3A_33 : memref<2000xi32, #tpu.memory_space<hbm>>) target(%arg11 : memref<2000xi32, #tpu.memory_space<vmem>>) target_semaphore(%arg18 : memref<!tpu.dma_semaphore, #tpu.memory_space<semaphore_mem>>)
    %dma_start3A_34 = arith.constant 1 : i32
    %dma_start3A_35 = tpu.memref_slice %arg2[%dma_start3A_34, %add3A_28] : memref<2x320000xi32, #tpu.memory_space<hbm>> -> memref<1x2000xi32, #tpu.memory_space<hbm>>
    %dma_start3A_36 = tpu.memref_squeeze %dma_start3A_35 : memref<1x2000xi32, #tpu.memory_space<hbm>> -> memref<2000xi32, #tpu.memory_space<hbm>>
    %dma_start3A_37 = tpu.memref_slice %arg2[%dma_start3A_34, %add3A_28] : memref<2x320000xi32, #tpu.memory_space<hbm>> -> memref<1x2000xi32, #tpu.memory_space<hbm>>
    %dma_start3A_38 = tpu.memref_squeeze %dma_start3A_37 : memref<1x2000xi32, #tpu.memory_space<hbm>> -> memref<2000xi32, #tpu.memory_space<hbm>>
    tpu.enqueue_dma source(%dma_start3A_38 : memref<2000xi32, #tpu.memory_space<hbm>>) target(%arg13 : memref<2000xi32, #tpu.memory_space<vmem>>) target_semaphore(%arg20 : memref<!tpu.dma_semaphore, #tpu.memory_space<semaphore_mem>>)
    %dma_wait3A = arith.constant 0 : i32
    %dma_wait3A_39 = tpu.memref_slice %arg2[%dma_wait3A, %mul3A_4] : memref<2x320000xi32, #tpu.memory_space<hbm>> -> memref<1x2000xi32, #tpu.memory_space<hbm>>
    %dma_wait3A_40 = tpu.memref_squeeze %dma_wait3A_39 : memref<1x2000xi32, #tpu.memory_space<hbm>> -> memref<2000xi32, #tpu.memory_space<hbm>>
    %dma_wait3A_41 = tpu.memref_slice %arg2[%dma_wait3A, %mul3A_4] : memref<2x320000xi32, #tpu.memory_space<hbm>> -> memref<1x2000xi32, #tpu.memory_space<hbm>>
    %dma_wait3A_42 = tpu.memref_squeeze %dma_wait3A_41 : memref<1x2000xi32, #tpu.memory_space<hbm>> -> memref<2000xi32, #tpu.memory_space<hbm>>
    tpu.wait_dma2 semaphore(%arg17 : memref<!tpu.dma_semaphore, #tpu.memory_space<semaphore_mem>>) src(%dma_wait3A_42 : memref<2000xi32, #tpu.memory_space<hbm>>) dst(%arg10 : memref<2000xi32, #tpu.memory_space<vmem>>)
    %dma_start3A_43 = arith.constant 0 : i32
    %dma_start3A_44 = arith.constant 0 : i32
    %dma_start3A_45 = tpu.memref_slice %arg8[%dma_start3A_43, %dma_start3A_44] : memref<10240x16xf32, #tpu.memory_space<vmem_shared>> -> memref<10240x16xf32, #tpu.memory_space<vmem_shared>>
    tpu.enqueue_indirect_dma source(%dma_start3A_45 : memref<10240x16xf32, #tpu.memory_space<vmem_shared>>) target(%arg15 : memref<2000x16xf32, #tpu.memory_space<vmem>>) offsets(%arg10 : memref<2000xi32, #tpu.memory_space<vmem>>) semaphore(%arg22 : memref<!tpu.dma_semaphore, #tpu.memory_space<semaphore_mem>>)
    %dma_wait3A_46 = arith.constant 0 : i32
    %dma_wait3A_47 = tpu.memref_slice %arg2[%dma_wait3A_46, %mul3A_4] : memref<2x320000xi32, #tpu.memory_space<hbm>> -> memref<1x2000xi32, #tpu.memory_space<hbm>>
    %dma_wait3A_48 = tpu.memref_squeeze %dma_wait3A_47 : memref<1x2000xi32, #tpu.memory_space<hbm>> -> memref<2000xi32, #tpu.memory_space<hbm>>
    %dma_wait3A_49 = tpu.memref_slice %arg2[%dma_wait3A_46, %mul3A_4] : memref<2x320000xi32, #tpu.memory_space<hbm>> -> memref<1x2000xi32, #tpu.memory_space<hbm>>
    %dma_wait3A_50 = tpu.memref_squeeze %dma_wait3A_49 : memref<1x2000xi32, #tpu.memory_space<hbm>> -> memref<2000xi32, #tpu.memory_space<hbm>>
    tpu.wait_dma2 semaphore(%arg18 : memref<!tpu.dma_semaphore, #tpu.memory_space<semaphore_mem>>) src(%dma_wait3A_50 : memref<2000xi32, #tpu.memory_space<hbm>>) dst(%arg11 : memref<2000xi32, #tpu.memory_space<vmem>>)
    %dma_start3A_51 = arith.constant 0 : i32
    %dma_start3A_52 = arith.constant 0 : i32
    %dma_start3A_53 = tpu.memref_slice %arg8[%dma_start3A_51, %dma_start3A_52] : memref<10240x16xf32, #tpu.memory_space<vmem_shared>> -> memref<10240x16xf32, #tpu.memory_space<vmem_shared>>
    tpu.enqueue_indirect_dma source(%dma_start3A_53 : memref<10240x16xf32, #tpu.memory_space<vmem_shared>>) target(%arg16 : memref<2000x16xf32, #tpu.memory_space<vmem>>) offsets(%arg11 : memref<2000xi32, #tpu.memory_space<vmem>>) semaphore(%arg23 : memref<!tpu.dma_semaphore, #tpu.memory_space<semaphore_mem>>)
    %dma_wait3A_54 = arith.constant 0 : i32
    %dma_wait3A_55 = arith.constant 0 : i32
    %dma_wait3A_56 = tpu.memref_slice %arg8[%dma_wait3A_54, %dma_wait3A_55] : memref<10240x16xf32, #tpu.memory_space<vmem_shared>> -> memref<10240x16xf32, #tpu.memory_space<vmem_shared>>
    tpu.wait_indirect_dma semaphore(%arg22 : memref<!tpu.dma_semaphore, #tpu.memory_space<semaphore_mem>>) src(%dma_wait3A_56 : memref<10240x16xf32, #tpu.memory_space<vmem_shared>>) dst(%arg15 : memref<2000x16xf32, #tpu.memory_space<vmem>>)
    %dma_wait3A_57 = arith.constant 1 : i32
    %dma_wait3A_58 = tpu.memref_slice %arg2[%dma_wait3A_57, %mul3A_4] : memref<2x320000xi32, #tpu.memory_space<hbm>> -> memref<1x2000xi32, #tpu.memory_space<hbm>>
    %dma_wait3A_59 = tpu.memref_squeeze %dma_wait3A_58 : memref<1x2000xi32, #tpu.memory_space<hbm>> -> memref<2000xi32, #tpu.memory_space<hbm>>
    %dma_wait3A_60 = tpu.memref_slice %arg2[%dma_wait3A_57, %mul3A_4] : memref<2x320000xi32, #tpu.memory_space<hbm>> -> memref<1x2000xi32, #tpu.memory_space<hbm>>
    %dma_wait3A_61 = tpu.memref_squeeze %dma_wait3A_60 : memref<1x2000xi32, #tpu.memory_space<hbm>> -> memref<2000xi32, #tpu.memory_space<hbm>>
    tpu.wait_dma2 semaphore(%arg19 : memref<!tpu.dma_semaphore, #tpu.memory_space<semaphore_mem>>) src(%dma_wait3A_61 : memref<2000xi32, #tpu.memory_space<hbm>>) dst(%arg12 : memref<2000xi32, #tpu.memory_space<vmem>>)
    %dma_start3A_62 = arith.constant 0 : i32
    %dma_start3A_63 = arith.constant 0 : i32
    %dma_start3A_64 = tpu.memref_slice %arg9[%dma_start3A_62, %dma_start3A_63] : memref<10240x16xf32, #tpu.memory_space<vmem_shared>> -> memref<10240x16xf32, #tpu.memory_space<vmem_shared>>
    tpu.enqueue_indirect_dma source(%arg15 : memref<2000x16xf32, #tpu.memory_space<vmem>>) target(%dma_start3A_64 : memref<10240x16xf32, #tpu.memory_space<vmem_shared>>) offsets(%arg12 : memref<2000xi32, #tpu.memory_space<vmem>>) semaphore(%arg24 : memref<!tpu.dma_semaphore, #tpu.memory_space<semaphore_mem>>) {add = true}
    %add3A_65 = arith.constant 4000 : i32
    %add3A_66 = arith.addi %mul3A_4, %add3A_65 : i32
    %dma_start3A_67 = arith.constant 0 : i32
    %dma_start3A_68 = tpu.memref_slice %arg2[%dma_start3A_67, %add3A_66] : memref<2x320000xi32, #tpu.memory_space<hbm>> -> memref<1x2000xi32, #tpu.memory_space<hbm>>
    %dma_start3A_69 = tpu.memref_squeeze %dma_start3A_68 : memref<1x2000xi32, #tpu.memory_space<hbm>> -> memref<2000xi32, #tpu.memory_space<hbm>>
    %dma_start3A_70 = tpu.memref_slice %arg2[%dma_start3A_67, %add3A_66] : memref<2x320000xi32, #tpu.memory_space<hbm>> -> memref<1x2000xi32, #tpu.memory_space<hbm>>
    %dma_start3A_71 = tpu.memref_squeeze %dma_start3A_70 : memref<1x2000xi32, #tpu.memory_space<hbm>> -> memref<2000xi32, #tpu.memory_space<hbm>>
    tpu.enqueue_dma source(%dma_start3A_71 : memref<2000xi32, #tpu.memory_space<hbm>>) target(%arg10 : memref<2000xi32, #tpu.memory_space<vmem>>) target_semaphore(%arg17 : memref<!tpu.dma_semaphore, #tpu.memory_space<semaphore_mem>>)
    %dma_start3A_72 = arith.constant 1 : i32
    %dma_start3A_73 = tpu.memref_slice %arg2[%dma_start3A_72, %add3A_66] : memref<2x320000xi32, #tpu.memory_space<hbm>> -> memref<1x2000xi32, #tpu.memory_space<hbm>>
    %dma_start3A_74 = tpu.memref_squeeze %dma_start3A_73 : memref<1x2000xi32, #tpu.memory_space<hbm>> -> memref<2000xi32, #tpu.memory_space<hbm>>
    %dma_start3A_75 = tpu.memref_slice %arg2[%dma_start3A_72, %add3A_66] : memref<2x320000xi32, #tpu.memory_space<hbm>> -> memref<1x2000xi32, #tpu.memory_space<hbm>>
    %dma_start3A_76 = tpu.memref_squeeze %dma_start3A_75 : memref<1x2000xi32, #tpu.memory_space<hbm>> -> memref<2000xi32, #tpu.memory_space<hbm>>
    tpu.enqueue_dma source(%dma_start3A_76 : memref<2000xi32, #tpu.memory_space<hbm>>) target(%arg14 : memref<2000xi32, #tpu.memory_space<vmem>>) target_semaphore(%arg21 : memref<!tpu.dma_semaphore, #tpu.memory_space<semaphore_mem>>)
    %dma_wait3A_77 = arith.constant 0 : i32
    %dma_wait3A_78 = arith.constant 0 : i32
    %dma_wait3A_79 = tpu.memref_slice %arg9[%dma_wait3A_77, %dma_wait3A_78] : memref<10240x16xf32, #tpu.memory_space<vmem_shared>> -> memref<10240x16xf32, #tpu.memory_space<vmem_shared>>
    tpu.wait_indirect_dma semaphore(%arg24 : memref<!tpu.dma_semaphore, #tpu.memory_space<semaphore_mem>>) src(%arg15 : memref<2000x16xf32, #tpu.memory_space<vmem>>) dst(%dma_wait3A_79 : memref<10240x16xf32, #tpu.memory_space<vmem_shared>>)
    %dma_wait3A_80 = arith.constant 0 : i32
    %dma_wait3A_81 = tpu.memref_slice %arg2[%dma_wait3A_80, %mul3A_4] : memref<2x320000xi32, #tpu.memory_space<hbm>> -> memref<1x2000xi32, #tpu.memory_space<hbm>>
    %dma_wait3A_82 = tpu.memref_squeeze %dma_wait3A_81 : memref<1x2000xi32, #tpu.memory_space<hbm>> -> memref<2000xi32, #tpu.memory_space<hbm>>
    %dma_wait3A_83 = tpu.memref_slice %arg2[%dma_wait3A_80, %mul3A_4] : memref<2x320000xi32, #tpu.memory_space<hbm>> -> memref<1x2000xi32, #tpu.memory_space<hbm>>
    %dma_wait3A_84 = tpu.memref_squeeze %dma_wait3A_83 : memref<1x2000xi32, #tpu.memory_space<hbm>> -> memref<2000xi32, #tpu.memory_space<hbm>>
    tpu.wait_dma2 semaphore(%arg17 : memref<!tpu.dma_semaphore, #tpu.memory_space<semaphore_mem>>) src(%dma_wait3A_84 : memref<2000xi32, #tpu.memory_space<hbm>>) dst(%arg10 : memref<2000xi32, #tpu.memory_space<vmem>>)
    %dma_start3A_85 = arith.constant 0 : i32
    %dma_start3A_86 = arith.constant 0 : i32
    %dma_start3A_87 = tpu.memref_slice %arg8[%dma_start3A_85, %dma_start3A_86] : memref<10240x16xf32, #tpu.memory_space<vmem_shared>> -> memref<10240x16xf32, #tpu.memory_space<vmem_shared>>
    tpu.enqueue_indirect_dma source(%dma_start3A_87 : memref<10240x16xf32, #tpu.memory_space<vmem_shared>>) target(%arg15 : memref<2000x16xf32, #tpu.memory_space<vmem>>) offsets(%arg10 : memref<2000xi32, #tpu.memory_space<vmem>>) semaphore(%arg22 : memref<!tpu.dma_semaphore, #tpu.memory_space<semaphore_mem>>)
    %dma_wait3A_88 = arith.constant 0 : i32
    %dma_wait3A_89 = arith.constant 0 : i32
    %dma_wait3A_90 = tpu.memref_slice %arg8[%dma_wait3A_88, %dma_wait3A_89] : memref<10240x16xf32, #tpu.memory_space<vmem_shared>> -> memref<10240x16xf32, #tpu.memory_space<vmem_shared>>
    tpu.wait_indirect_dma semaphore(%arg23 : memref<!tpu.dma_semaphore, #tpu.memory_space<semaphore_mem>>) src(%dma_wait3A_90 : memref<10240x16xf32, #tpu.memory_space<vmem_shared>>) dst(%arg16 : memref<2000x16xf32, #tpu.memory_space<vmem>>)
    %dma_wait3A_91 = arith.constant 1 : i32
    %dma_wait3A_92 = tpu.memref_slice %arg2[%dma_wait3A_91, %mul3A_4] : memref<2x320000xi32, #tpu.memory_space<hbm>> -> memref<1x2000xi32, #tpu.memory_space<hbm>>
    %dma_wait3A_93 = tpu.memref_squeeze %dma_wait3A_92 : memref<1x2000xi32, #tpu.memory_space<hbm>> -> memref<2000xi32, #tpu.memory_space<hbm>>
    %dma_wait3A_94 = tpu.memref_slice %arg2[%dma_wait3A_91, %mul3A_4] : memref<2x320000xi32, #tpu.memory_space<hbm>> -> memref<1x2000xi32, #tpu.memory_space<hbm>>
    %dma_wait3A_95 = tpu.memref_squeeze %dma_wait3A_94 : memref<1x2000xi32, #tpu.memory_space<hbm>> -> memref<2000xi32, #tpu.memory_space<hbm>>
    tpu.wait_dma2 semaphore(%arg20 : memref<!tpu.dma_semaphore, #tpu.memory_space<semaphore_mem>>) src(%dma_wait3A_95 : memref<2000xi32, #tpu.memory_space<hbm>>) dst(%arg13 : memref<2000xi32, #tpu.memory_space<vmem>>)
    %dma_start3A_96 = arith.constant 0 : i32
    %dma_start3A_97 = arith.constant 0 : i32
    %dma_start3A_98 = tpu.memref_slice %arg9[%dma_start3A_96, %dma_start3A_97] : memref<10240x16xf32, #tpu.memory_space<vmem_shared>> -> memref<10240x16xf32, #tpu.memory_space<vmem_shared>>
    tpu.enqueue_indirect_dma source(%arg16 : memref<2000x16xf32, #tpu.memory_space<vmem>>) target(%dma_start3A_98 : memref<10240x16xf32, #tpu.memory_space<vmem_shared>>) offsets(%arg13 : memref<2000xi32, #tpu.memory_space<vmem>>) semaphore(%arg25 : memref<!tpu.dma_semaphore, #tpu.memory_space<semaphore_mem>>) {add = true}
    %add3A_99 = arith.constant 6000 : i32
    %add3A_100 = arith.addi %mul3A_4, %add3A_99 : i32
    %dma_start3A_101 = arith.constant 0 : i32
    %dma_start3A_102 = tpu.memref_slice %arg2[%dma_start3A_101, %add3A_100] : memref<2x320000xi32, #tpu.memory_space<hbm>> -> memref<1x2000xi32, #tpu.memory_space<hbm>>
    %dma_start3A_103 = tpu.memref_squeeze %dma_start3A_102 : memref<1x2000xi32, #tpu.memory_space<hbm>> -> memref<2000xi32, #tpu.memory_space<hbm>>
    %dma_start3A_104 = tpu.memref_slice %arg2[%dma_start3A_101, %add3A_100] : memref<2x320000xi32, #tpu.memory_space<hbm>> -> memref<1x2000xi32, #tpu.memory_space<hbm>>
    %dma_start3A_105 = tpu.memref_squeeze %dma_start3A_104 : memref<1x2000xi32, #tpu.memory_space<hbm>> -> memref<2000xi32, #tpu.memory_space<hbm>>
    tpu.enqueue_dma source(%dma_start3A_105 : memref<2000xi32, #tpu.memory_space<hbm>>) target(%arg11 : memref<2000xi32, #tpu.memory_space<vmem>>) target_semaphore(%arg18 : memref<!tpu.dma_semaphore, #tpu.memory_space<semaphore_mem>>)
    %dma_start3A_106 = arith.constant 1 : i32
    %dma_start3A_107 = tpu.memref_slice %arg2[%dma_start3A_106, %add3A_100] : memref<2x320000xi32, #tpu.memory_space<hbm>> -> memref<1x2000xi32, #tpu.memory_space<hbm>>
    %dma_start3A_108 = tpu.memref_squeeze %dma_start3A_107 : memref<1x2000xi32, #tpu.memory_space<hbm>> -> memref<2000xi32, #tpu.memory_space<hbm>>
    %dma_start3A_109 = tpu.memref_slice %arg2[%dma_start3A_106, %add3A_100] : memref<2x320000xi32, #tpu.memory_space<hbm>> -> memref<1x2000xi32, #tpu.memory_space<hbm>>
    %dma_start3A_110 = tpu.memref_squeeze %dma_start3A_109 : memref<1x2000xi32, #tpu.memory_space<hbm>> -> memref<2000xi32, #tpu.memory_space<hbm>>
    tpu.enqueue_dma source(%dma_start3A_110 : memref<2000xi32, #tpu.memory_space<hbm>>) target(%arg12 : memref<2000xi32, #tpu.memory_space<vmem>>) target_semaphore(%arg19 : memref<!tpu.dma_semaphore, #tpu.memory_space<semaphore_mem>>)
    %dma_wait3A_111 = arith.constant 0 : i32
    %dma_wait3A_112 = arith.constant 0 : i32
    %dma_wait3A_113 = tpu.memref_slice %arg9[%dma_wait3A_111, %dma_wait3A_112] : memref<10240x16xf32, #tpu.memory_space<vmem_shared>> -> memref<10240x16xf32, #tpu.memory_space<vmem_shared>>
    tpu.wait_indirect_dma semaphore(%arg25 : memref<!tpu.dma_semaphore, #tpu.memory_space<semaphore_mem>>) src(%arg16 : memref<2000x16xf32, #tpu.memory_space<vmem>>) dst(%dma_wait3A_113 : memref<10240x16xf32, #tpu.memory_space<vmem_shared>>)
    %dma_wait3A_114 = arith.constant 0 : i32
    %dma_wait3A_115 = tpu.memref_slice %arg2[%dma_wait3A_114, %mul3A_4] : memref<2x320000xi32, #tpu.memory_space<hbm>> -> memref<1x2000xi32, #tpu.memory_space<hbm>>
    %dma_wait3A_116 = tpu.memref_squeeze %dma_wait3A_115 : memref<1x2000xi32, #tpu.memory_space<hbm>> -> memref<2000xi32, #tpu.memory_space<hbm>>
    %dma_wait3A_117 = tpu.memref_slice %arg2[%dma_wait3A_114, %mul3A_4] : memref<2x320000xi32, #tpu.memory_space<hbm>> -> memref<1x2000xi32, #tpu.memory_space<hbm>>
    %dma_wait3A_118 = tpu.memref_squeeze %dma_wait3A_117 : memref<1x2000xi32, #tpu.memory_space<hbm>> -> memref<2000xi32, #tpu.memory_space<hbm>>
    tpu.wait_dma2 semaphore(%arg18 : memref<!tpu.dma_semaphore, #tpu.memory_space<semaphore_mem>>) src(%dma_wait3A_118 : memref<2000xi32, #tpu.memory_space<hbm>>) dst(%arg11 : memref<2000xi32, #tpu.memory_space<vmem>>)
    %dma_start3A_119 = arith.constant 0 : i32
    %dma_start3A_120 = arith.constant 0 : i32
    %dma_start3A_121 = tpu.memref_slice %arg8[%dma_start3A_119, %dma_start3A_120] : memref<10240x16xf32, #tpu.memory_space<vmem_shared>> -> memref<10240x16xf32, #tpu.memory_space<vmem_shared>>
    tpu.enqueue_indirect_dma source(%dma_start3A_121 : memref<10240x16xf32, #tpu.memory_space<vmem_shared>>) target(%arg16 : memref<2000x16xf32, #tpu.memory_space<vmem>>) offsets(%arg11 : memref<2000xi32, #tpu.memory_space<vmem>>) semaphore(%arg23 : memref<!tpu.dma_semaphore, #tpu.memory_space<semaphore_mem>>)
    %dma_wait3A_122 = arith.constant 0 : i32
    %dma_wait3A_123 = arith.constant 0 : i32
    %dma_wait3A_124 = tpu.memref_slice %arg8[%dma_wait3A_122, %dma_wait3A_123] : memref<10240x16xf32, #tpu.memory_space<vmem_shared>> -> memref<10240x16xf32, #tpu.memory_space<vmem_shared>>
    tpu.wait_indirect_dma semaphore(%arg22 : memref<!tpu.dma_semaphore, #tpu.memory_space<semaphore_mem>>) src(%dma_wait3A_124 : memref<10240x16xf32, #tpu.memory_space<vmem_shared>>) dst(%arg15 : memref<2000x16xf32, #tpu.memory_space<vmem>>)
    %dma_wait3A_125 = arith.constant 1 : i32
    %dma_wait3A_126 = tpu.memref_slice %arg2[%dma_wait3A_125, %mul3A_4] : memref<2x320000xi32, #tpu.memory_space<hbm>> -> memref<1x2000xi32, #tpu.memory_space<hbm>>
    %dma_wait3A_127 = tpu.memref_squeeze %dma_wait3A_126 : memref<1x2000xi32, #tpu.memory_space<hbm>> -> memref<2000xi32, #tpu.memory_space<hbm>>
    %dma_wait3A_128 = tpu.memref_slice %arg2[%dma_wait3A_125, %mul3A_4] : memref<2x320000xi32, #tpu.memory_space<hbm>> -> memref<1x2000xi32, #tpu.memory_space<hbm>>
    %dma_wait3A_129 = tpu.memref_squeeze %dma_wait3A_128 : memref<1x2000xi32, #tpu.memory_space<hbm>> -> memref<2000xi32, #tpu.memory_space<hbm>>
    tpu.wait_dma2 semaphore(%arg21 : memref<!tpu.dma_semaphore, #tpu.memory_space<semaphore_mem>>) src(%dma_wait3A_129 : memref<2000xi32, #tpu.memory_space<hbm>>) dst(%arg14 : memref<2000xi32, #tpu.memory_space<vmem>>)
    %dma_start3A_130 = arith.constant 0 : i32
    %dma_start3A_131 = arith.constant 0 : i32
    %dma_start3A_132 = tpu.memref_slice %arg9[%dma_start3A_130, %dma_start3A_131] : memref<10240x16xf32, #tpu.memory_space<vmem_shared>> -> memref<10240x16xf32, #tpu.memory_space<vmem_shared>>
    tpu.enqueue_indirect_dma source(%arg15 : memref<2000x16xf32, #tpu.memory_space<vmem>>) target(%dma_start3A_132 : memref<10240x16xf32, #tpu.memory_space<vmem_shared>>) offsets(%arg14 : memref<2000xi32, #tpu.memory_space<vmem>>) semaphore(%arg24 : memref<!tpu.dma_semaphore, #tpu.memory_space<semaphore_mem>>) {add = true}
    %add3A_133 = arith.constant 8000 : i32
    %add3A_134 = arith.addi %mul3A_4, %add3A_133 : i32
    %dma_start3A_135 = arith.constant 0 : i32
    %dma_start3A_136 = tpu.memref_slice %arg2[%dma_start3A_135, %add3A_134] : memref<2x320000xi32, #tpu.memory_space<hbm>> -> memref<1x2000xi32, #tpu.memory_space<hbm>>
    %dma_start3A_137 = tpu.memref_squeeze %dma_start3A_136 : memref<1x2000xi32, #tpu.memory_space<hbm>> -> memref<2000xi32, #tpu.memory_space<hbm>>
    %dma_start3A_138 = tpu.memref_slice %arg2[%dma_start3A_135, %add3A_134] : memref<2x320000xi32, #tpu.memory_space<hbm>> -> memref<1x2000xi32, #tpu.memory_space<hbm>>
    %dma_start3A_139 = tpu.memref_squeeze %dma_start3A_138 : memref<1x2000xi32, #tpu.memory_space<hbm>> -> memref<2000xi32, #tpu.memory_space<hbm>>
    tpu.enqueue_dma source(%dma_start3A_139 : memref<2000xi32, #tpu.memory_space<hbm>>) target(%arg10 : memref<2000xi32, #tpu.memory_space<vmem>>) target_semaphore(%arg17 : memref<!tpu.dma_semaphore, #tpu.memory_space<semaphore_mem>>)
    %dma_start3A_140 = arith.constant 1 : i32
    %dma_start3A_141 = tpu.memref_slice %arg2[%dma_start3A_140, %add3A_134] : memref<2x320000xi32, #tpu.memory_space<hbm>> -> memref<1x2000xi32, #tpu.memory_space<hbm>>
    %dma_start3A_142 = tpu.memref_squeeze %dma_start3A_141 : memref<1x2000xi32, #tpu.memory_space<hbm>> -> memref<2000xi32, #tpu.memory_space<hbm>>
    %dma_start3A_143 = tpu.memref_slice %arg2[%dma_start3A_140, %add3A_134] : memref<2x320000xi32, #tpu.memory_space<hbm>> -> memref<1x2000xi32, #tpu.memory_space<hbm>>
    %dma_start3A_144 = tpu.memref_squeeze %dma_start3A_143 : memref<1x2000xi32, #tpu.memory_space<hbm>> -> memref<2000xi32, #tpu.memory_space<hbm>>
    tpu.enqueue_dma source(%dma_start3A_144 : memref<2000xi32, #tpu.memory_space<hbm>>) target(%arg13 : memref<2000xi32, #tpu.memory_space<vmem>>) target_semaphore(%arg20 : memref<!tpu.dma_semaphore, #tpu.memory_space<semaphore_mem>>)
    %dma_wait3A_145 = arith.constant 0 : i32
    %dma_wait3A_146 = arith.constant 0 : i32
    %dma_wait3A_147 = tpu.memref_slice %arg9[%dma_wait3A_145, %dma_wait3A_146] : memref<10240x16xf32, #tpu.memory_space<vmem_shared>> -> memref<10240x16xf32, #tpu.memory_space<vmem_shared>>
    tpu.wait_indirect_dma semaphore(%arg24 : memref<!tpu.dma_semaphore, #tpu.memory_space<semaphore_mem>>) src(%arg15 : memref<2000x16xf32, #tpu.memory_space<vmem>>) dst(%dma_wait3A_147 : memref<10240x16xf32, #tpu.memory_space<vmem_shared>>)
    %dma_wait3A_148 = arith.constant 0 : i32
    %dma_wait3A_149 = tpu.memref_slice %arg2[%dma_wait3A_148, %mul3A_4] : memref<2x320000xi32, #tpu.memory_space<hbm>> -> memref<1x2000xi32, #tpu.memory_space<hbm>>
    %dma_wait3A_150 = tpu.memref_squeeze %dma_wait3A_149 : memref<1x2000xi32, #tpu.memory_space<hbm>> -> memref<2000xi32, #tpu.memory_space<hbm>>
    %dma_wait3A_151 = tpu.memref_slice %arg2[%dma_wait3A_148, %mul3A_4] : memref<2x320000xi32, #tpu.memory_space<hbm>> -> memref<1x2000xi32, #tpu.memory_space<hbm>>
    %dma_wait3A_152 = tpu.memref_squeeze %dma_wait3A_151 : memref<1x2000xi32, #tpu.memory_space<hbm>> -> memref<2000xi32, #tpu.memory_space<hbm>>
    tpu.wait_dma2 semaphore(%arg17 : memref<!tpu.dma_semaphore, #tpu.memory_space<semaphore_mem>>) src(%dma_wait3A_152 : memref<2000xi32, #tpu.memory_space<hbm>>) dst(%arg10 : memref<2000xi32, #tpu.memory_space<vmem>>)
    %dma_start3A_153 = arith.constant 0 : i32
    %dma_start3A_154 = arith.constant 0 : i32
    %dma_start3A_155 = tpu.memref_slice %arg8[%dma_start3A_153, %dma_start3A_154] : memref<10240x16xf32, #tpu.memory_space<vmem_shared>> -> memref<10240x16xf32, #tpu.memory_space<vmem_shared>>
    tpu.enqueue_indirect_dma source(%dma_start3A_155 : memref<10240x16xf32, #tpu.memory_space<vmem_shared>>) target(%arg15 : memref<2000x16xf32, #tpu.memory_space<vmem>>) offsets(%arg10 : memref<2000xi32, #tpu.memory_space<vmem>>) semaphore(%arg22 : memref<!tpu.dma_semaphore, #tpu.memory_space<semaphore_mem>>)
    %dma_wait3A_156 = arith.constant 0 : i32
    %dma_wait3A_157 = arith.constant 0 : i32
    %dma_wait3A_158 = tpu.memref_slice %arg8[%dma_wait3A_156, %dma_wait3A_157] : memref<10240x16xf32, #tpu.memory_space<vmem_shared>> -> memref<10240x16xf32, #tpu.memory_space<vmem_shared>>
    tpu.wait_indirect_dma semaphore(%arg23 : memref<!tpu.dma_semaphore, #tpu.memory_space<semaphore_mem>>) src(%dma_wait3A_158 : memref<10240x16xf32, #tpu.memory_space<vmem_shared>>) dst(%arg16 : memref<2000x16xf32, #tpu.memory_space<vmem>>)
    %dma_wait3A_159 = arith.constant 1 : i32
    %dma_wait3A_160 = tpu.memref_slice %arg2[%dma_wait3A_159, %mul3A_4] : memref<2x320000xi32, #tpu.memory_space<hbm>> -> memref<1x2000xi32, #tpu.memory_space<hbm>>
    %dma_wait3A_161 = tpu.memref_squeeze %dma_wait3A_160 : memref<1x2000xi32, #tpu.memory_space<hbm>> -> memref<2000xi32, #tpu.memory_space<hbm>>
    %dma_wait3A_162 = tpu.memref_slice %arg2[%dma_wait3A_159, %mul3A_4] : memref<2x320000xi32, #tpu.memory_space<hbm>> -> memref<1x2000xi32, #tpu.memory_space<hbm>>
    %dma_wait3A_163 = tpu.memref_squeeze %dma_wait3A_162 : memref<1x2000xi32, #tpu.memory_space<hbm>> -> memref<2000xi32, #tpu.memory_space<hbm>>
    tpu.wait_dma2 semaphore(%arg19 : memref<!tpu.dma_semaphore, #tpu.memory_space<semaphore_mem>>) src(%dma_wait3A_163 : memref<2000xi32, #tpu.memory_space<hbm>>) dst(%arg12 : memref<2000xi32, #tpu.memory_space<vmem>>)
    %dma_start3A_164 = arith.constant 0 : i32
    %dma_start3A_165 = arith.constant 0 : i32
    %dma_start3A_166 = tpu.memref_slice %arg9[%dma_start3A_164, %dma_start3A_165] : memref<10240x16xf32, #tpu.memory_space<vmem_shared>> -> memref<10240x16xf32, #tpu.memory_space<vmem_shared>>
    tpu.enqueue_indirect_dma source(%arg16 : memref<2000x16xf32, #tpu.memory_space<vmem>>) target(%dma_start3A_166 : memref<10240x16xf32, #tpu.memory_space<vmem_shared>>) offsets(%arg12 : memref<2000xi32, #tpu.memory_space<vmem>>) semaphore(%arg25 : memref<!tpu.dma_semaphore, #tpu.memory_space<semaphore_mem>>) {add = true}
    %dma_wait3A_167 = arith.constant 0 : i32
    %dma_wait3A_168 = arith.constant 0 : i32
    %dma_wait3A_169 = tpu.memref_slice %arg8[%dma_wait3A_167, %dma_wait3A_168] : memref<10240x16xf32, #tpu.memory_space<vmem_shared>> -> memref<10240x16xf32, #tpu.memory_space<vmem_shared>>
    tpu.wait_indirect_dma semaphore(%arg22 : memref<!tpu.dma_semaphore, #tpu.memory_space<semaphore_mem>>) src(%dma_wait3A_169 : memref<10240x16xf32, #tpu.memory_space<vmem_shared>>) dst(%arg15 : memref<2000x16xf32, #tpu.memory_space<vmem>>)
    %dma_wait3A_170 = arith.constant 1 : i32
    %dma_wait3A_171 = tpu.memref_slice %arg2[%dma_wait3A_170, %mul3A_4] : memref<2x320000xi32, #tpu.memory_space<hbm>> -> memref<1x2000xi32, #tpu.memory_space<hbm>>
    %dma_wait3A_172 = tpu.memref_squeeze %dma_wait3A_171 : memref<1x2000xi32, #tpu.memory_space<hbm>> -> memref<2000xi32, #tpu.memory_space<hbm>>
    %dma_wait3A_173 = tpu.memref_slice %arg2[%dma_wait3A_170, %mul3A_4] : memref<2x320000xi32, #tpu.memory_space<hbm>> -> memref<1x2000xi32, #tpu.memory_space<hbm>>
    %dma_wait3A_174 = tpu.memref_squeeze %dma_wait3A_173 : memref<1x2000xi32, #tpu.memory_space<hbm>> -> memref<2000xi32, #tpu.memory_space<hbm>>
    tpu.wait_dma2 semaphore(%arg20 : memref<!tpu.dma_semaphore, #tpu.memory_space<semaphore_mem>>) src(%dma_wait3A_174 : memref<2000xi32, #tpu.memory_space<hbm>>) dst(%arg13 : memref<2000xi32, #tpu.memory_space<vmem>>)
    %dma_start3A_175 = arith.constant 0 : i32
    %dma_start3A_176 = arith.constant 0 : i32
    %dma_start3A_177 = tpu.memref_slice %arg9[%dma_start3A_175, %dma_start3A_176] : memref<10240x16xf32, #tpu.memory_space<vmem_shared>> -> memref<10240x16xf32, #tpu.memory_space<vmem_shared>>
    tpu.enqueue_indirect_dma source(%arg15 : memref<2000x16xf32, #tpu.memory_space<vmem>>) target(%dma_start3A_177 : memref<10240x16xf32, #tpu.memory_space<vmem_shared>>) offsets(%arg13 : memref<2000xi32, #tpu.memory_space<vmem>>) semaphore(%arg24 : memref<!tpu.dma_semaphore, #tpu.memory_space<semaphore_mem>>) {add = true}
    %dma_wait3A_178 = arith.constant 0 : i32
    %dma_wait3A_179 = arith.constant 0 : i32
    %dma_wait3A_180 = tpu.memref_slice %arg9[%dma_wait3A_178, %dma_wait3A_179] : memref<10240x16xf32, #tpu.memory_space<vmem_shared>> -> memref<10240x16xf32, #tpu.memory_space<vmem_shared>>
    tpu.wait_indirect_dma semaphore(%arg25 : memref<!tpu.dma_semaphore, #tpu.memory_space<semaphore_mem>>) src(%arg16 : memref<2000x16xf32, #tpu.memory_space<vmem>>) dst(%dma_wait3A_180 : memref<10240x16xf32, #tpu.memory_space<vmem_shared>>)
    %dma_wait3A_181 = arith.constant 0 : i32
    %dma_wait3A_182 = arith.constant 0 : i32
    %dma_wait3A_183 = tpu.memref_slice %arg9[%dma_wait3A_181, %dma_wait3A_182] : memref<10240x16xf32, #tpu.memory_space<vmem_shared>> -> memref<10240x16xf32, #tpu.memory_space<vmem_shared>>
    tpu.wait_indirect_dma semaphore(%arg24 : memref<!tpu.dma_semaphore, #tpu.memory_space<semaphore_mem>>) src(%arg15 : memref<2000x16xf32, #tpu.memory_space<vmem>>) dst(%dma_wait3A_183 : memref<10240x16xf32, #tpu.memory_space<vmem_shared>>)
    %barrier3A_184 = arith.constant 0 : index
    tpu.barrier barrier_id(%barrier3A_184)
    "tpu.region"() ({
      %run_scoped3A_185 = tpu.sem_alloc : memref<!tpu.dma_semaphore, #tpu.memory_space<semaphore_mem>>
      %dma_start3A_186 = arith.constant 0 : i32
      %dma_start3A_187 = arith.constant 0 : i32
      %dma_start3A_188 = tpu.memref_slice %arg15[%dma_start3A_186, %dma_start3A_187] : memref<2000x16xf32, #tpu.memory_space<vmem>> -> memref<640x16xf32, #tpu.memory_space<vmem>>
      %dma_start3A_189 = arith.constant 0 : i32
      %dma_start3A_190 = tpu.memref_slice %arg9[%mul3A_0, %dma_start3A_189] : memref<10240x16xf32, #tpu.memory_space<vmem_shared>> -> memref<640x16xf32, #tpu.memory_space<vmem_shared>>
      %dma_start3A_191 = arith.constant 0 : i32
      %dma_start3A_192 = arith.constant 0 : i32
      %dma_start3A_193 = tpu.memref_slice %arg15[%dma_start3A_191, %dma_start3A_192] : memref<2000x16xf32, #tpu.memory_space<vmem>> -> memref<640x16xf32, #tpu.memory_space<vmem>>
      %dma_start3A_194 = arith.constant 0 : i32
      %dma_start3A_195 = tpu.memref_slice %arg9[%mul3A_0, %dma_start3A_194] : memref<10240x16xf32, #tpu.memory_space<vmem_shared>> -> memref<640x16xf32, #tpu.memory_space<vmem_shared>>
      tpu.enqueue_dma source(%dma_start3A_195 : memref<640x16xf32, #tpu.memory_space<vmem_shared>>) target(%dma_start3A_193 : memref<640x16xf32, #tpu.memory_space<vmem>>) target_semaphore(%run_scoped3A_185 : memref<!tpu.dma_semaphore, #tpu.memory_space<semaphore_mem>>)
      %dma_wait3A_196 = arith.constant 0 : i32
      %dma_wait3A_197 = arith.constant 0 : i32
      %dma_wait3A_198 = tpu.memref_slice %arg15[%dma_wait3A_196, %dma_wait3A_197] : memref<2000x16xf32, #tpu.memory_space<vmem>> -> memref<640x16xf32, #tpu.memory_space<vmem>>
      %dma_wait3A_199 = arith.constant 0 : i32
      %dma_wait3A_200 = tpu.memref_slice %arg9[%mul3A_0, %dma_wait3A_199] : memref<10240x16xf32, #tpu.memory_space<vmem_shared>> -> memref<640x16xf32, #tpu.memory_space<vmem_shared>>
      %dma_wait3A_201 = arith.constant 0 : i32
      %dma_wait3A_202 = arith.constant 0 : i32
      %dma_wait3A_203 = tpu.memref_slice %arg15[%dma_wait3A_201, %dma_wait3A_202] : memref<2000x16xf32, #tpu.memory_space<vmem>> -> memref<640x16xf32, #tpu.memory_space<vmem>>
      %dma_wait3A_204 = arith.constant 0 : i32
      %dma_wait3A_205 = tpu.memref_slice %arg9[%mul3A_0, %dma_wait3A_204] : memref<10240x16xf32, #tpu.memory_space<vmem_shared>> -> memref<640x16xf32, #tpu.memory_space<vmem_shared>>
      tpu.wait_dma2 semaphore(%run_scoped3A_185 : memref<!tpu.dma_semaphore, #tpu.memory_space<semaphore_mem>>) src(%dma_wait3A_205 : memref<640x16xf32, #tpu.memory_space<vmem_shared>>) dst(%dma_wait3A_203 : memref<640x16xf32, #tpu.memory_space<vmem>>)
      tpu.yield
    }) : () -> ()
    "tpu.region"() ({
      %run_scoped3A_185 = tpu.sem_alloc : memref<!tpu.dma_semaphore, #tpu.memory_space<semaphore_mem>>
      %dma_start3A_186 = arith.constant 0 : i32
      %dma_start3A_187 = arith.constant 0 : i32
      %dma_start3A_188 = tpu.memref_slice %arg15[%dma_start3A_186, %dma_start3A_187] : memref<2000x16xf32, #tpu.memory_space<vmem>> -> memref<640x16xf32, #tpu.memory_space<vmem>>
      %dma_start3A_189 = arith.constant 0 : i32
      %dma_start3A_190 = tpu.memref_slice %arg6[%arg0, %mul3A_0, %dma_start3A_189] : memref<2x10240x16xf32, #tpu.memory_space<hbm>> -> memref<1x640x16xf32, #tpu.memory_space<hbm>>
      %dma_start3A_191 = tpu.memref_squeeze %dma_start3A_190 : memref<1x640x16xf32, #tpu.memory_space<hbm>> -> memref<640x16xf32, #tpu.memory_space<hbm>>
      %dma_start3A_192 = arith.constant 0 : i32
      %dma_start3A_193 = tpu.memref_slice %arg6[%arg0, %mul3A_0, %dma_start3A_192] : memref<2x10240x16xf32, #tpu.memory_space<hbm>> -> memref<1x640x16xf32, #tpu.memory_space<hbm>>
      %dma_start3A_194 = tpu.memref_squeeze %dma_start3A_193 : memref<1x640x16xf32, #tpu.memory_space<hbm>> -> memref<640x16xf32, #tpu.memory_space<hbm>>
      %dma_start3A_195 = arith.constant 0 : i32
      %dma_start3A_196 = arith.constant 0 : i32
      %dma_start3A_197 = tpu.memref_slice %arg15[%dma_start3A_195, %dma_start3A_196] : memref<2000x16xf32, #tpu.memory_space<vmem>> -> memref<640x16xf32, #tpu.memory_space<vmem>>
      tpu.enqueue_dma source(%dma_start3A_197 : memref<640x16xf32, #tpu.memory_space<vmem>>) target(%dma_start3A_194 : memref<640x16xf32, #tpu.memory_space<hbm>>) target_semaphore(%run_scoped3A_185 : memref<!tpu.dma_semaphore, #tpu.memory_space<semaphore_mem>>)
      %dma_wait3A_198 = arith.constant 0 : i32
      %dma_wait3A_199 = arith.constant 0 : i32
      %dma_wait3A_200 = tpu.memref_slice %arg15[%dma_wait3A_198, %dma_wait3A_199] : memref<2000x16xf32, #tpu.memory_space<vmem>> -> memref<640x16xf32, #tpu.memory_space<vmem>>
      %dma_wait3A_201 = arith.constant 0 : i32
      %dma_wait3A_202 = tpu.memref_slice %arg6[%arg0, %mul3A_0, %dma_wait3A_201] : memref<2x10240x16xf32, #tpu.memory_space<hbm>> -> memref<1x640x16xf32, #tpu.memory_space<hbm>>
      %dma_wait3A_203 = tpu.memref_squeeze %dma_wait3A_202 : memref<1x640x16xf32, #tpu.memory_space<hbm>> -> memref<640x16xf32, #tpu.memory_space<hbm>>
      %dma_wait3A_204 = arith.constant 0 : i32
      %dma_wait3A_205 = tpu.memref_slice %arg6[%arg0, %mul3A_0, %dma_wait3A_204] : memref<2x10240x16xf32, #tpu.memory_space<hbm>> -> memref<1x640x16xf32, #tpu.memory_space<hbm>>
      %dma_wait3A_206 = tpu.memref_squeeze %dma_wait3A_205 : memref<1x640x16xf32, #tpu.memory_space<hbm>> -> memref<640x16xf32, #tpu.memory_space<hbm>>
      %dma_wait3A_207 = arith.constant 0 : i32
      %dma_wait3A_208 = arith.constant 0 : i32
      %dma_wait3A_209 = tpu.memref_slice %arg15[%dma_wait3A_207, %dma_wait3A_208] : memref<2000x16xf32, #tpu.memory_space<vmem>> -> memref<640x16xf32, #tpu.memory_space<vmem>>
      tpu.wait_dma2 semaphore(%run_scoped3A_185 : memref<!tpu.dma_semaphore, #tpu.memory_space<semaphore_mem>>) src(%dma_wait3A_209 : memref<640x16xf32, #tpu.memory_space<vmem>>) dst(%dma_wait3A_206 : memref<640x16xf32, #tpu.memory_space<hbm>>)
      tpu.yield
    }) : () -> ()
    return
  }
}

#map = affine_map<(d0, d1) -> (0, 0)>
#map1 = affine_map<(d0, d1) -> (0, 0, 0)>
module attributes {stable_mosaic.version = 14 : i64} {
  func.func @_sc_round1_body(%arg0: i32, %arg1: i32, %arg2: memref<2x320000xi32, #tpu.memory_space<hbm>>, %arg3: memref<10240x16xf32, #tpu.memory_space<hbm>>, %arg4: memref<2x10240x16xf32, #tpu.memory_space<hbm>>, %arg5: memref<2x10240x16xf32, #tpu.memory_space<hbm>>, %arg6: memref<10240x16xf32, #tpu.memory_space<vmem_shared>>, %arg7: memref<10240x16xf32, #tpu.memory_space<vmem_shared>>, %arg8: memref<2000xi32, #tpu.memory_space<vmem>>, %arg9: memref<2000xi32, #tpu.memory_space<vmem>>, %arg10: memref<2000xi32, #tpu.memory_space<vmem>>, %arg11: memref<2000xi32, #tpu.memory_space<vmem>>, %arg12: memref<2000xi32, #tpu.memory_space<vmem>>, %arg13: memref<2000x16xf32, #tpu.memory_space<vmem>>, %arg14: memref<2000x16xf32, #tpu.memory_space<vmem>>, %arg15: memref<2000x16xf32, #tpu.memory_space<vmem>>, %arg16: memref<!tpu.dma_semaphore, #tpu.memory_space<semaphore_mem>>, %arg17: memref<!tpu.dma_semaphore, #tpu.memory_space<semaphore_mem>>, %arg18: memref<!tpu.dma_semaphore, #tpu.memory_space<semaphore_mem>>, %arg19: memref<!tpu.dma_semaphore, #tpu.memory_space<semaphore_mem>>, %arg20: memref<!tpu.dma_semaphore, #tpu.memory_space<semaphore_mem>>, %arg21: memref<!tpu.dma_semaphore, #tpu.memory_space<semaphore_mem>>, %arg22: memref<!tpu.dma_semaphore, #tpu.memory_space<semaphore_mem>>, %arg23: memref<!tpu.dma_semaphore, #tpu.memory_space<semaphore_mem>>, %arg24: memref<!tpu.dma_semaphore, #tpu.memory_space<semaphore_mem>>, %arg25: memref<!tpu.dma_semaphore, #tpu.memory_space<semaphore_mem>>, %arg26: memref<!tpu.dma_semaphore, #tpu.memory_space<semaphore_mem>>) attributes {dimension_semantics = [#tpu.dimension_semantics<core_parallel>, #tpu.dimension_semantics<subcore_parallel>], iteration_bounds = array<i64: 2, 16>, scalar_prefetch = 0 : i64, scratch_operands = 21 : i64, tpu.core_type = #tpu.core_type<sc_vector_subcore>, window_params = [{transform_indices = #map}, {transform_indices = #map}, {transform_indices = #map1}, {transform_indices = #map1}]} {
    %mul3A = arith.constant 640 : i32
    %mul3A_0 = arith.muli %arg1, %mul3A : i32
    %mul3A_1 = arith.constant 16 : i32
    %mul3A_2 = arith.muli %arg0, %mul3A_1 : i32
    %add3A = arith.addi %mul3A_2, %arg1 : i32
    %mul3A_3 = arith.constant 10000 : i32
    %mul3A_4 = arith.muli %add3A, %mul3A_3 : i32
    %scan3A = arith.constant 0 : i32
    %scan3A_5 = arith.constant 0 : i32
    %scan3A_6 = arith.constant 640 : i32
    %scan3A_7 = arith.addi %scan3A_5, %scan3A_6 : i32
    %scan3A_8 = arith.constant 1 : i32
    %scan3A_9 = scf.for %scan3A_217 = %scan3A_5 to %scan3A_7 step %scan3A_8 iter_args(%scan3A_218 = %scan3A) -> (i32)  : i32 {
      %broadcast_in_dim3A = arith.constant 0.000000e+00 : f32
      %broadcast_in_dim3A_219 = vector.broadcast %broadcast_in_dim3A : f32 to vector<16xf32>
      %swap3A = arith.index_cast %scan3A_217 : i32 to index
      %swap3A_220 = arith.constant 0 : index
      %swap3A_221 = tpu.vector_load %arg13[%swap3A, %swap3A_220] {strides = array<i32>} : memref<2000x16xf32, #tpu.memory_space<vmem>>, vector<1x16xf32>,
      %swap3A_222 = vector.shape_cast %swap3A_221 : vector<1x16xf32> to vector<16xf32>
      %swap3A_223 = vector.shape_cast %broadcast_in_dim3A_219 : vector<16xf32> to vector<1x16xf32>
      tpu.vector_store %arg13[%swap3A, %swap3A_220], %swap3A_223 {strides = array<i32>} : memref<2000x16xf32, #tpu.memory_space<vmem>>, vector<1x16xf32>,
      %scan3A_224 = arith.constant 0 : i32
      scf.yield %scan3A_224 : i32
    }
    %scan3A_10 = arith.constant 640 : i32
    %scan3A_11 = arith.constant 0 : i32
    %scan3A_12 = arith.constant 0 : i32
    %scan3A_13 = arith.constant 2000 : i32
    %scan3A_14 = arith.addi %scan3A_12, %scan3A_13 : i32
    %scan3A_15 = arith.constant 1 : i32
    %scan3A_16 = scf.for %scan3A_217 = %scan3A_12 to %scan3A_14 step %scan3A_15 iter_args(%scan3A_218 = %scan3A_11) -> (i32)  : i32 {
      %broadcast_in_dim3A = arith.constant 1.000000e+00 : f32
      %broadcast_in_dim3A_219 = vector.broadcast %broadcast_in_dim3A : f32 to vector<16xf32>
      %swap3A = arith.index_cast %scan3A_217 : i32 to index
      %swap3A_220 = arith.constant 0 : index
      %swap3A_221 = tpu.vector_load %arg15[%swap3A, %swap3A_220] {strides = array<i32>} : memref<2000x16xf32, #tpu.memory_space<vmem>>, vector<1x16xf32>,
      %swap3A_222 = vector.shape_cast %swap3A_221 : vector<1x16xf32> to vector<16xf32>
      %swap3A_223 = vector.shape_cast %broadcast_in_dim3A_219 : vector<16xf32> to vector<1x16xf32>
      tpu.vector_store %arg15[%swap3A, %swap3A_220], %swap3A_223 {strides = array<i32>} : memref<2000x16xf32, #tpu.memory_space<vmem>>, vector<1x16xf32>,
      %scan3A_224 = arith.constant 0 : i32
      scf.yield %scan3A_224 : i32
    }
    %scan3A_17 = arith.constant 2000 : i32
    "tpu.region"() ({
      %run_scoped3A = tpu.sem_alloc : memref<!tpu.dma_semaphore, #tpu.memory_space<semaphore_mem>>
      %dma_start3A_217 = arith.constant 0 : i32
      %dma_start3A_218 = arith.constant 0 : i32
      %dma_start3A_219 = tpu.memref_slice %arg13[%dma_start3A_217, %dma_start3A_218] : memref<2000x16xf32, #tpu.memory_space<vmem>> -> memref<640x16xf32, #tpu.memory_space<vmem>>
      %dma_start3A_220 = arith.constant 0 : i32
      %dma_start3A_221 = tpu.memref_slice %arg6[%mul3A_0, %dma_start3A_220] : memref<10240x16xf32, #tpu.memory_space<vmem_shared>> -> memref<640x16xf32, #tpu.memory_space<vmem_shared>>
      %dma_start3A_222 = arith.constant 0 : i32
      %dma_start3A_223 = tpu.memref_slice %arg6[%mul3A_0, %dma_start3A_222] : memref<10240x16xf32, #tpu.memory_space<vmem_shared>> -> memref<640x16xf32, #tpu.memory_space<vmem_shared>>
      %dma_start3A_224 = arith.constant 0 : i32
      %dma_start3A_225 = arith.constant 0 : i32
      %dma_start3A_226 = tpu.memref_slice %arg13[%dma_start3A_224, %dma_start3A_225] : memref<2000x16xf32, #tpu.memory_space<vmem>> -> memref<640x16xf32, #tpu.memory_space<vmem>>
      tpu.enqueue_dma source(%dma_start3A_226 : memref<640x16xf32, #tpu.memory_space<vmem>>) target(%dma_start3A_223 : memref<640x16xf32, #tpu.memory_space<vmem_shared>>) target_semaphore(%run_scoped3A : memref<!tpu.dma_semaphore, #tpu.memory_space<semaphore_mem>>)
      %dma_wait3A_227 = arith.constant 0 : i32
      %dma_wait3A_228 = arith.constant 0 : i32
      %dma_wait3A_229 = tpu.memref_slice %arg13[%dma_wait3A_227, %dma_wait3A_228] : memref<2000x16xf32, #tpu.memory_space<vmem>> -> memref<640x16xf32, #tpu.memory_space<vmem>>
      %dma_wait3A_230 = arith.constant 0 : i32
      %dma_wait3A_231 = tpu.memref_slice %arg6[%mul3A_0, %dma_wait3A_230] : memref<10240x16xf32, #tpu.memory_space<vmem_shared>> -> memref<640x16xf32, #tpu.memory_space<vmem_shared>>
      %dma_wait3A_232 = arith.constant 0 : i32
      %dma_wait3A_233 = tpu.memref_slice %arg6[%mul3A_0, %dma_wait3A_232] : memref<10240x16xf32, #tpu.memory_space<vmem_shared>> -> memref<640x16xf32, #tpu.memory_space<vmem_shared>>
      %dma_wait3A_234 = arith.constant 0 : i32
      %dma_wait3A_235 = arith.constant 0 : i32
      %dma_wait3A_236 = tpu.memref_slice %arg13[%dma_wait3A_234, %dma_wait3A_235] : memref<2000x16xf32, #tpu.memory_space<vmem>> -> memref<640x16xf32, #tpu.memory_space<vmem>>
      tpu.wait_dma2 semaphore(%run_scoped3A : memref<!tpu.dma_semaphore, #tpu.memory_space<semaphore_mem>>) src(%dma_wait3A_236 : memref<640x16xf32, #tpu.memory_space<vmem>>) dst(%dma_wait3A_233 : memref<640x16xf32, #tpu.memory_space<vmem_shared>>)
      tpu.yield
    }) : () -> ()
    "tpu.region"() ({
      %run_scoped3A = tpu.sem_alloc : memref<!tpu.dma_semaphore, #tpu.memory_space<semaphore_mem>>
      %dma_start3A_217 = arith.constant 0 : i32
      %dma_start3A_218 = arith.constant 0 : i32
      %dma_start3A_219 = tpu.memref_slice %arg13[%dma_start3A_217, %dma_start3A_218] : memref<2000x16xf32, #tpu.memory_space<vmem>> -> memref<640x16xf32, #tpu.memory_space<vmem>>
      %dma_start3A_220 = arith.constant 0 : i32
      %dma_start3A_221 = tpu.memref_slice %arg7[%mul3A_0, %dma_start3A_220] : memref<10240x16xf32, #tpu.memory_space<vmem_shared>> -> memref<640x16xf32, #tpu.memory_space<vmem_shared>>
      %dma_start3A_222 = arith.constant 0 : i32
      %dma_start3A_223 = tpu.memref_slice %arg7[%mul3A_0, %dma_start3A_222] : memref<10240x16xf32, #tpu.memory_space<vmem_shared>> -> memref<640x16xf32, #tpu.memory_space<vmem_shared>>
      %dma_start3A_224 = arith.constant 0 : i32
      %dma_start3A_225 = arith.constant 0 : i32
      %dma_start3A_226 = tpu.memref_slice %arg13[%dma_start3A_224, %dma_start3A_225] : memref<2000x16xf32, #tpu.memory_space<vmem>> -> memref<640x16xf32, #tpu.memory_space<vmem>>
      tpu.enqueue_dma source(%dma_start3A_226 : memref<640x16xf32, #tpu.memory_space<vmem>>) target(%dma_start3A_223 : memref<640x16xf32, #tpu.memory_space<vmem_shared>>) target_semaphore(%run_scoped3A : memref<!tpu.dma_semaphore, #tpu.memory_space<semaphore_mem>>)
      %dma_wait3A_227 = arith.constant 0 : i32
      %dma_wait3A_228 = arith.constant 0 : i32
      %dma_wait3A_229 = tpu.memref_slice %arg13[%dma_wait3A_227, %dma_wait3A_228] : memref<2000x16xf32, #tpu.memory_space<vmem>> -> memref<640x16xf32, #tpu.memory_space<vmem>>
      %dma_wait3A_230 = arith.constant 0 : i32
      %dma_wait3A_231 = tpu.memref_slice %arg7[%mul3A_0, %dma_wait3A_230] : memref<10240x16xf32, #tpu.memory_space<vmem_shared>> -> memref<640x16xf32, #tpu.memory_space<vmem_shared>>
      %dma_wait3A_232 = arith.constant 0 : i32
      %dma_wait3A_233 = tpu.memref_slice %arg7[%mul3A_0, %dma_wait3A_232] : memref<10240x16xf32, #tpu.memory_space<vmem_shared>> -> memref<640x16xf32, #tpu.memory_space<vmem_shared>>
      %dma_wait3A_234 = arith.constant 0 : i32
      %dma_wait3A_235 = arith.constant 0 : i32
      %dma_wait3A_236 = tpu.memref_slice %arg13[%dma_wait3A_234, %dma_wait3A_235] : memref<2000x16xf32, #tpu.memory_space<vmem>> -> memref<640x16xf32, #tpu.memory_space<vmem>>
      tpu.wait_dma2 semaphore(%run_scoped3A : memref<!tpu.dma_semaphore, #tpu.memory_space<semaphore_mem>>) src(%dma_wait3A_236 : memref<640x16xf32, #tpu.memory_space<vmem>>) dst(%dma_wait3A_233 : memref<640x16xf32, #tpu.memory_space<vmem_shared>>)
      tpu.yield
    }) : () -> ()
    %barrier3A = arith.constant 0 : index
    tpu.barrier barrier_id(%barrier3A)
    %add3A_18 = arith.constant 0 : i32
    %add3A_19 = arith.addi %mul3A_4, %add3A_18 : i32
    %dma_start3A = arith.constant 0 : i32
    %dma_start3A_20 = tpu.memref_slice %arg2[%dma_start3A, %add3A_19] : memref<2x320000xi32, #tpu.memory_space<hbm>> -> memref<1x2000xi32, #tpu.memory_space<hbm>>
    %dma_start3A_21 = tpu.memref_squeeze %dma_start3A_20 : memref<1x2000xi32, #tpu.memory_space<hbm>> -> memref<2000xi32, #tpu.memory_space<hbm>>
    %dma_start3A_22 = tpu.memref_slice %arg2[%dma_start3A, %add3A_19] : memref<2x320000xi32, #tpu.memory_space<hbm>> -> memref<1x2000xi32, #tpu.memory_space<hbm>>
    %dma_start3A_23 = tpu.memref_squeeze %dma_start3A_22 : memref<1x2000xi32, #tpu.memory_space<hbm>> -> memref<2000xi32, #tpu.memory_space<hbm>>
    tpu.enqueue_dma source(%dma_start3A_23 : memref<2000xi32, #tpu.memory_space<hbm>>) target(%arg8 : memref<2000xi32, #tpu.memory_space<vmem>>) target_semaphore(%arg16 : memref<!tpu.dma_semaphore, #tpu.memory_space<semaphore_mem>>)
    %dma_start3A_24 = arith.constant 1 : i32
    %dma_start3A_25 = tpu.memref_slice %arg2[%dma_start3A_24, %add3A_19] : memref<2x320000xi32, #tpu.memory_space<hbm>> -> memref<1x2000xi32, #tpu.memory_space<hbm>>
    %dma_start3A_26 = tpu.memref_squeeze %dma_start3A_25 : memref<1x2000xi32, #tpu.memory_space<hbm>> -> memref<2000xi32, #tpu.memory_space<hbm>>
    %dma_start3A_27 = tpu.memref_slice %arg2[%dma_start3A_24, %add3A_19] : memref<2x320000xi32, #tpu.memory_space<hbm>> -> memref<1x2000xi32, #tpu.memory_space<hbm>>
    %dma_start3A_28 = tpu.memref_squeeze %dma_start3A_27 : memref<1x2000xi32, #tpu.memory_space<hbm>> -> memref<2000xi32, #tpu.memory_space<hbm>>
    tpu.enqueue_dma source(%dma_start3A_28 : memref<2000xi32, #tpu.memory_space<hbm>>) target(%arg10 : memref<2000xi32, #tpu.memory_space<vmem>>) target_semaphore(%arg18 : memref<!tpu.dma_semaphore, #tpu.memory_space<semaphore_mem>>)
    %add3A_29 = arith.constant 2000 : i32
    %add3A_30 = arith.addi %mul3A_4, %add3A_29 : i32
    %dma_start3A_31 = arith.constant 0 : i32
    %dma_start3A_32 = tpu.memref_slice %arg2[%dma_start3A_31, %add3A_30] : memref<2x320000xi32, #tpu.memory_space<hbm>> -> memref<1x2000xi32, #tpu.memory_space<hbm>>
    %dma_start3A_33 = tpu.memref_squeeze %dma_start3A_32 : memref<1x2000xi32, #tpu.memory_space<hbm>> -> memref<2000xi32, #tpu.memory_space<hbm>>
    %dma_start3A_34 = tpu.memref_slice %arg2[%dma_start3A_31, %add3A_30] : memref<2x320000xi32, #tpu.memory_space<hbm>> -> memref<1x2000xi32, #tpu.memory_space<hbm>>
    %dma_start3A_35 = tpu.memref_squeeze %dma_start3A_34 : memref<1x2000xi32, #tpu.memory_space<hbm>> -> memref<2000xi32, #tpu.memory_space<hbm>>
    tpu.enqueue_dma source(%dma_start3A_35 : memref<2000xi32, #tpu.memory_space<hbm>>) target(%arg9 : memref<2000xi32, #tpu.memory_space<vmem>>) target_semaphore(%arg17 : memref<!tpu.dma_semaphore, #tpu.memory_space<semaphore_mem>>)
    %dma_start3A_36 = arith.constant 1 : i32
    %dma_start3A_37 = tpu.memref_slice %arg2[%dma_start3A_36, %add3A_30] : memref<2x320000xi32, #tpu.memory_space<hbm>> -> memref<1x2000xi32, #tpu.memory_space<hbm>>
    %dma_start3A_38 = tpu.memref_squeeze %dma_start3A_37 : memref<1x2000xi32, #tpu.memory_space<hbm>> -> memref<2000xi32, #tpu.memory_space<hbm>>
    %dma_start3A_39 = tpu.memref_slice %arg2[%dma_start3A_36, %add3A_30] : memref<2x320000xi32, #tpu.memory_space<hbm>> -> memref<1x2000xi32, #tpu.memory_space<hbm>>
    %dma_start3A_40 = tpu.memref_squeeze %dma_start3A_39 : memref<1x2000xi32, #tpu.memory_space<hbm>> -> memref<2000xi32, #tpu.memory_space<hbm>>
    tpu.enqueue_dma source(%dma_start3A_40 : memref<2000xi32, #tpu.memory_space<hbm>>) target(%arg11 : memref<2000xi32, #tpu.memory_space<vmem>>) target_semaphore(%arg19 : memref<!tpu.dma_semaphore, #tpu.memory_space<semaphore_mem>>)
    %dma_wait3A = arith.constant 0 : i32
    %dma_wait3A_41 = tpu.memref_slice %arg2[%dma_wait3A, %mul3A_4] : memref<2x320000xi32, #tpu.memory_space<hbm>> -> memref<1x2000xi32, #tpu.memory_space<hbm>>
    %dma_wait3A_42 = tpu.memref_squeeze %dma_wait3A_41 : memref<1x2000xi32, #tpu.memory_space<hbm>> -> memref<2000xi32, #tpu.memory_space<hbm>>
    %dma_wait3A_43 = tpu.memref_slice %arg2[%dma_wait3A, %mul3A_4] : memref<2x320000xi32, #tpu.memory_space<hbm>> -> memref<1x2000xi32, #tpu.memory_space<hbm>>
    %dma_wait3A_44 = tpu.memref_squeeze %dma_wait3A_43 : memref<1x2000xi32, #tpu.memory_space<hbm>> -> memref<2000xi32, #tpu.memory_space<hbm>>
    tpu.wait_dma2 semaphore(%arg16 : memref<!tpu.dma_semaphore, #tpu.memory_space<semaphore_mem>>) src(%dma_wait3A_44 : memref<2000xi32, #tpu.memory_space<hbm>>) dst(%arg8 : memref<2000xi32, #tpu.memory_space<vmem>>)
    %dma_start3A_45 = arith.constant 0 : i32
    %dma_start3A_46 = arith.constant 0 : i32
    %dma_start3A_47 = tpu.memref_slice %arg3[%dma_start3A_45, %dma_start3A_46] : memref<10240x16xf32, #tpu.memory_space<hbm>> -> memref<10240x16xf32, #tpu.memory_space<hbm>>
    tpu.enqueue_indirect_dma source(%dma_start3A_47 : memref<10240x16xf32, #tpu.memory_space<hbm>>) target(%arg13 : memref<2000x16xf32, #tpu.memory_space<vmem>>) offsets(%arg8 : memref<2000xi32, #tpu.memory_space<vmem>>) semaphore(%arg21 : memref<!tpu.dma_semaphore, #tpu.memory_space<semaphore_mem>>)
    %dma_wait3A_48 = arith.constant 0 : i32
    %dma_wait3A_49 = tpu.memref_slice %arg2[%dma_wait3A_48, %mul3A_4] : memref<2x320000xi32, #tpu.memory_space<hbm>> -> memref<1x2000xi32, #tpu.memory_space<hbm>>
    %dma_wait3A_50 = tpu.memref_squeeze %dma_wait3A_49 : memref<1x2000xi32, #tpu.memory_space<hbm>> -> memref<2000xi32, #tpu.memory_space<hbm>>
    %dma_wait3A_51 = tpu.memref_slice %arg2[%dma_wait3A_48, %mul3A_4] : memref<2x320000xi32, #tpu.memory_space<hbm>> -> memref<1x2000xi32, #tpu.memory_space<hbm>>
    %dma_wait3A_52 = tpu.memref_squeeze %dma_wait3A_51 : memref<1x2000xi32, #tpu.memory_space<hbm>> -> memref<2000xi32, #tpu.memory_space<hbm>>
    tpu.wait_dma2 semaphore(%arg17 : memref<!tpu.dma_semaphore, #tpu.memory_space<semaphore_mem>>) src(%dma_wait3A_52 : memref<2000xi32, #tpu.memory_space<hbm>>) dst(%arg9 : memref<2000xi32, #tpu.memory_space<vmem>>)
    %dma_start3A_53 = arith.constant 0 : i32
    %dma_start3A_54 = arith.constant 0 : i32
    %dma_start3A_55 = tpu.memref_slice %arg3[%dma_start3A_53, %dma_start3A_54] : memref<10240x16xf32, #tpu.memory_space<hbm>> -> memref<10240x16xf32, #tpu.memory_space<hbm>>
    tpu.enqueue_indirect_dma source(%dma_start3A_55 : memref<10240x16xf32, #tpu.memory_space<hbm>>) target(%arg14 : memref<2000x16xf32, #tpu.memory_space<vmem>>) offsets(%arg9 : memref<2000xi32, #tpu.memory_space<vmem>>) semaphore(%arg22 : memref<!tpu.dma_semaphore, #tpu.memory_space<semaphore_mem>>)
    %dma_wait3A_56 = arith.constant 0 : i32
    %dma_wait3A_57 = arith.constant 0 : i32
    %dma_wait3A_58 = tpu.memref_slice %arg3[%dma_wait3A_56, %dma_wait3A_57] : memref<10240x16xf32, #tpu.memory_space<hbm>> -> memref<10240x16xf32, #tpu.memory_space<hbm>>
    tpu.wait_indirect_dma semaphore(%arg21 : memref<!tpu.dma_semaphore, #tpu.memory_space<semaphore_mem>>) src(%dma_wait3A_58 : memref<10240x16xf32, #tpu.memory_space<hbm>>) dst(%arg13 : memref<2000x16xf32, #tpu.memory_space<vmem>>)
    %dma_wait3A_59 = arith.constant 1 : i32
    %dma_wait3A_60 = tpu.memref_slice %arg2[%dma_wait3A_59, %mul3A_4] : memref<2x320000xi32, #tpu.memory_space<hbm>> -> memref<1x2000xi32, #tpu.memory_space<hbm>>
    %dma_wait3A_61 = tpu.memref_squeeze %dma_wait3A_60 : memref<1x2000xi32, #tpu.memory_space<hbm>> -> memref<2000xi32, #tpu.memory_space<hbm>>
    %dma_wait3A_62 = tpu.memref_slice %arg2[%dma_wait3A_59, %mul3A_4] : memref<2x320000xi32, #tpu.memory_space<hbm>> -> memref<1x2000xi32, #tpu.memory_space<hbm>>
    %dma_wait3A_63 = tpu.memref_squeeze %dma_wait3A_62 : memref<1x2000xi32, #tpu.memory_space<hbm>> -> memref<2000xi32, #tpu.memory_space<hbm>>
    tpu.wait_dma2 semaphore(%arg18 : memref<!tpu.dma_semaphore, #tpu.memory_space<semaphore_mem>>) src(%dma_wait3A_63 : memref<2000xi32, #tpu.memory_space<hbm>>) dst(%arg10 : memref<2000xi32, #tpu.memory_space<vmem>>)
    %dma_start3A_64 = arith.constant 0 : i32
    %dma_start3A_65 = arith.constant 0 : i32
    %dma_start3A_66 = tpu.memref_slice %arg6[%dma_start3A_64, %dma_start3A_65] : memref<10240x16xf32, #tpu.memory_space<vmem_shared>> -> memref<10240x16xf32, #tpu.memory_space<vmem_shared>>
    tpu.enqueue_indirect_dma source(%arg13 : memref<2000x16xf32, #tpu.memory_space<vmem>>) target(%dma_start3A_66 : memref<10240x16xf32, #tpu.memory_space<vmem_shared>>) offsets(%arg10 : memref<2000xi32, #tpu.memory_space<vmem>>) semaphore(%arg23 : memref<!tpu.dma_semaphore, #tpu.memory_space<semaphore_mem>>) {add = true}
    %dma_start3A_67 = arith.constant 0 : i32
    %dma_start3A_68 = arith.constant 0 : i32
    %dma_start3A_69 = tpu.memref_slice %arg7[%dma_start3A_67, %dma_start3A_68] : memref<10240x16xf32, #tpu.memory_space<vmem_shared>> -> memref<10240x16xf32, #tpu.memory_space<vmem_shared>>
    tpu.enqueue_indirect_dma source(%arg15 : memref<2000x16xf32, #tpu.memory_space<vmem>>) target(%dma_start3A_69 : memref<10240x16xf32, #tpu.memory_space<vmem_shared>>) offsets(%arg10 : memref<2000xi32, #tpu.memory_space<vmem>>) semaphore(%arg25 : memref<!tpu.dma_semaphore, #tpu.memory_space<semaphore_mem>>) {add = true}
    %add3A_70 = arith.constant 4000 : i32
    %add3A_71 = arith.addi %mul3A_4, %add3A_70 : i32
    %dma_start3A_72 = arith.constant 0 : i32
    %dma_start3A_73 = tpu.memref_slice %arg2[%dma_start3A_72, %add3A_71] : memref<2x320000xi32, #tpu.memory_space<hbm>> -> memref<1x2000xi32, #tpu.memory_space<hbm>>
    %dma_start3A_74 = tpu.memref_squeeze %dma_start3A_73 : memref<1x2000xi32, #tpu.memory_space<hbm>> -> memref<2000xi32, #tpu.memory_space<hbm>>
    %dma_start3A_75 = tpu.memref_slice %arg2[%dma_start3A_72, %add3A_71] : memref<2x320000xi32, #tpu.memory_space<hbm>> -> memref<1x2000xi32, #tpu.memory_space<hbm>>
    %dma_start3A_76 = tpu.memref_squeeze %dma_start3A_75 : memref<1x2000xi32, #tpu.memory_space<hbm>> -> memref<2000xi32, #tpu.memory_space<hbm>>
    tpu.enqueue_dma source(%dma_start3A_76 : memref<2000xi32, #tpu.memory_space<hbm>>) target(%arg8 : memref<2000xi32, #tpu.memory_space<vmem>>) target_semaphore(%arg16 : memref<!tpu.dma_semaphore, #tpu.memory_space<semaphore_mem>>)
    %dma_start3A_77 = arith.constant 1 : i32
    %dma_start3A_78 = tpu.memref_slice %arg2[%dma_start3A_77, %add3A_71] : memref<2x320000xi32, #tpu.memory_space<hbm>> -> memref<1x2000xi32, #tpu.memory_space<hbm>>
    %dma_start3A_79 = tpu.memref_squeeze %dma_start3A_78 : memref<1x2000xi32, #tpu.memory_space<hbm>> -> memref<2000xi32, #tpu.memory_space<hbm>>
    %dma_start3A_80 = tpu.memref_slice %arg2[%dma_start3A_77, %add3A_71] : memref<2x320000xi32, #tpu.memory_space<hbm>> -> memref<1x2000xi32, #tpu.memory_space<hbm>>
    %dma_start3A_81 = tpu.memref_squeeze %dma_start3A_80 : memref<1x2000xi32, #tpu.memory_space<hbm>> -> memref<2000xi32, #tpu.memory_space<hbm>>
    tpu.enqueue_dma source(%dma_start3A_81 : memref<2000xi32, #tpu.memory_space<hbm>>) target(%arg12 : memref<2000xi32, #tpu.memory_space<vmem>>) target_semaphore(%arg20 : memref<!tpu.dma_semaphore, #tpu.memory_space<semaphore_mem>>)
    %dma_wait3A_82 = arith.constant 0 : i32
    %dma_wait3A_83 = arith.constant 0 : i32
    %dma_wait3A_84 = tpu.memref_slice %arg6[%dma_wait3A_82, %dma_wait3A_83] : memref<10240x16xf32, #tpu.memory_space<vmem_shared>> -> memref<10240x16xf32, #tpu.memory_space<vmem_shared>>
    tpu.wait_indirect_dma semaphore(%arg23 : memref<!tpu.dma_semaphore, #tpu.memory_space<semaphore_mem>>) src(%arg13 : memref<2000x16xf32, #tpu.memory_space<vmem>>) dst(%dma_wait3A_84 : memref<10240x16xf32, #tpu.memory_space<vmem_shared>>)
    %dma_wait3A_85 = arith.constant 0 : i32
    %dma_wait3A_86 = arith.constant 0 : i32
    %dma_wait3A_87 = tpu.memref_slice %arg7[%dma_wait3A_85, %dma_wait3A_86] : memref<10240x16xf32, #tpu.memory_space<vmem_shared>> -> memref<10240x16xf32, #tpu.memory_space<vmem_shared>>
    tpu.wait_indirect_dma semaphore(%arg25 : memref<!tpu.dma_semaphore, #tpu.memory_space<semaphore_mem>>) src(%arg15 : memref<2000x16xf32, #tpu.memory_space<vmem>>) dst(%dma_wait3A_87 : memref<10240x16xf32, #tpu.memory_space<vmem_shared>>)
    %dma_wait3A_88 = arith.constant 0 : i32
    %dma_wait3A_89 = tpu.memref_slice %arg2[%dma_wait3A_88, %mul3A_4] : memref<2x320000xi32, #tpu.memory_space<hbm>> -> memref<1x2000xi32, #tpu.memory_space<hbm>>
    %dma_wait3A_90 = tpu.memref_squeeze %dma_wait3A_89 : memref<1x2000xi32, #tpu.memory_space<hbm>> -> memref<2000xi32, #tpu.memory_space<hbm>>
    %dma_wait3A_91 = tpu.memref_slice %arg2[%dma_wait3A_88, %mul3A_4] : memref<2x320000xi32, #tpu.memory_space<hbm>> -> memref<1x2000xi32, #tpu.memory_space<hbm>>
    %dma_wait3A_92 = tpu.memref_squeeze %dma_wait3A_91 : memref<1x2000xi32, #tpu.memory_space<hbm>> -> memref<2000xi32, #tpu.memory_space<hbm>>
    tpu.wait_dma2 semaphore(%arg16 : memref<!tpu.dma_semaphore, #tpu.memory_space<semaphore_mem>>) src(%dma_wait3A_92 : memref<2000xi32, #tpu.memory_space<hbm>>) dst(%arg8 : memref<2000xi32, #tpu.memory_space<vmem>>)
    %dma_start3A_93 = arith.constant 0 : i32
    %dma_start3A_94 = arith.constant 0 : i32
    %dma_start3A_95 = tpu.memref_slice %arg3[%dma_start3A_93, %dma_start3A_94] : memref<10240x16xf32, #tpu.memory_space<hbm>> -> memref<10240x16xf32, #tpu.memory_space<hbm>>
    tpu.enqueue_indirect_dma source(%dma_start3A_95 : memref<10240x16xf32, #tpu.memory_space<hbm>>) target(%arg13 : memref<2000x16xf32, #tpu.memory_space<vmem>>) offsets(%arg8 : memref<2000xi32, #tpu.memory_space<vmem>>) semaphore(%arg21 : memref<!tpu.dma_semaphore, #tpu.memory_space<semaphore_mem>>)
    %dma_wait3A_96 = arith.constant 0 : i32
    %dma_wait3A_97 = arith.constant 0 : i32
    %dma_wait3A_98 = tpu.memref_slice %arg3[%dma_wait3A_96, %dma_wait3A_97] : memref<10240x16xf32, #tpu.memory_space<hbm>> -> memref<10240x16xf32, #tpu.memory_space<hbm>>
    tpu.wait_indirect_dma semaphore(%arg22 : memref<!tpu.dma_semaphore, #tpu.memory_space<semaphore_mem>>) src(%dma_wait3A_98 : memref<10240x16xf32, #tpu.memory_space<hbm>>) dst(%arg14 : memref<2000x16xf32, #tpu.memory_space<vmem>>)
    %dma_wait3A_99 = arith.constant 1 : i32
    %dma_wait3A_100 = tpu.memref_slice %arg2[%dma_wait3A_99, %mul3A_4] : memref<2x320000xi32, #tpu.memory_space<hbm>> -> memref<1x2000xi32, #tpu.memory_space<hbm>>
    %dma_wait3A_101 = tpu.memref_squeeze %dma_wait3A_100 : memref<1x2000xi32, #tpu.memory_space<hbm>> -> memref<2000xi32, #tpu.memory_space<hbm>>
    %dma_wait3A_102 = tpu.memref_slice %arg2[%dma_wait3A_99, %mul3A_4] : memref<2x320000xi32, #tpu.memory_space<hbm>> -> memref<1x2000xi32, #tpu.memory_space<hbm>>
    %dma_wait3A_103 = tpu.memref_squeeze %dma_wait3A_102 : memref<1x2000xi32, #tpu.memory_space<hbm>> -> memref<2000xi32, #tpu.memory_space<hbm>>
    tpu.wait_dma2 semaphore(%arg19 : memref<!tpu.dma_semaphore, #tpu.memory_space<semaphore_mem>>) src(%dma_wait3A_103 : memref<2000xi32, #tpu.memory_space<hbm>>) dst(%arg11 : memref<2000xi32, #tpu.memory_space<vmem>>)
    %dma_start3A_104 = arith.constant 0 : i32
    %dma_start3A_105 = arith.constant 0 : i32
    %dma_start3A_106 = tpu.memref_slice %arg6[%dma_start3A_104, %dma_start3A_105] : memref<10240x16xf32, #tpu.memory_space<vmem_shared>> -> memref<10240x16xf32, #tpu.memory_space<vmem_shared>>
    tpu.enqueue_indirect_dma source(%arg14 : memref<2000x16xf32, #tpu.memory_space<vmem>>) target(%dma_start3A_106 : memref<10240x16xf32, #tpu.memory_space<vmem_shared>>) offsets(%arg11 : memref<2000xi32, #tpu.memory_space<vmem>>) semaphore(%arg24 : memref<!tpu.dma_semaphore, #tpu.memory_space<semaphore_mem>>) {add = true}
    %dma_start3A_107 = arith.constant 0 : i32
    %dma_start3A_108 = arith.constant 0 : i32
    %dma_start3A_109 = tpu.memref_slice %arg7[%dma_start3A_107, %dma_start3A_108] : memref<10240x16xf32, #tpu.memory_space<vmem_shared>> -> memref<10240x16xf32, #tpu.memory_space<vmem_shared>>
    tpu.enqueue_indirect_dma source(%arg15 : memref<2000x16xf32, #tpu.memory_space<vmem>>) target(%dma_start3A_109 : memref<10240x16xf32, #tpu.memory_space<vmem_shared>>) offsets(%arg11 : memref<2000xi32, #tpu.memory_space<vmem>>) semaphore(%arg26 : memref<!tpu.dma_semaphore, #tpu.memory_space<semaphore_mem>>) {add = true}
    %add3A_110 = arith.constant 6000 : i32
    %add3A_111 = arith.addi %mul3A_4, %add3A_110 : i32
    %dma_start3A_112 = arith.constant 0 : i32
    %dma_start3A_113 = tpu.memref_slice %arg2[%dma_start3A_112, %add3A_111] : memref<2x320000xi32, #tpu.memory_space<hbm>> -> memref<1x2000xi32, #tpu.memory_space<hbm>>
    %dma_start3A_114 = tpu.memref_squeeze %dma_start3A_113 : memref<1x2000xi32, #tpu.memory_space<hbm>> -> memref<2000xi32, #tpu.memory_space<hbm>>
    %dma_start3A_115 = tpu.memref_slice %arg2[%dma_start3A_112, %add3A_111] : memref<2x320000xi32, #tpu.memory_space<hbm>> -> memref<1x2000xi32, #tpu.memory_space<hbm>>
    %dma_start3A_116 = tpu.memref_squeeze %dma_start3A_115 : memref<1x2000xi32, #tpu.memory_space<hbm>> -> memref<2000xi32, #tpu.memory_space<hbm>>
    tpu.enqueue_dma source(%dma_start3A_116 : memref<2000xi32, #tpu.memory_space<hbm>>) target(%arg9 : memref<2000xi32, #tpu.memory_space<vmem>>) target_semaphore(%arg17 : memref<!tpu.dma_semaphore, #tpu.memory_space<semaphore_mem>>)
    %dma_start3A_117 = arith.constant 1 : i32
    %dma_start3A_118 = tpu.memref_slice %arg2[%dma_start3A_117, %add3A_111] : memref<2x320000xi32, #tpu.memory_space<hbm>> -> memref<1x2000xi32, #tpu.memory_space<hbm>>
    %dma_start3A_119 = tpu.memref_squeeze %dma_start3A_118 : memref<1x2000xi32, #tpu.memory_space<hbm>> -> memref<2000xi32, #tpu.memory_space<hbm>>
    %dma_start3A_120 = tpu.memref_slice %arg2[%dma_start3A_117, %add3A_111] : memref<2x320000xi32, #tpu.memory_space<hbm>> -> memref<1x2000xi32, #tpu.memory_space<hbm>>
    %dma_start3A_121 = tpu.memref_squeeze %dma_start3A_120 : memref<1x2000xi32, #tpu.memory_space<hbm>> -> memref<2000xi32, #tpu.memory_space<hbm>>
    tpu.enqueue_dma source(%dma_start3A_121 : memref<2000xi32, #tpu.memory_space<hbm>>) target(%arg10 : memref<2000xi32, #tpu.memory_space<vmem>>) target_semaphore(%arg18 : memref<!tpu.dma_semaphore, #tpu.memory_space<semaphore_mem>>)
    %dma_wait3A_122 = arith.constant 0 : i32
    %dma_wait3A_123 = arith.constant 0 : i32
    %dma_wait3A_124 = tpu.memref_slice %arg6[%dma_wait3A_122, %dma_wait3A_123] : memref<10240x16xf32, #tpu.memory_space<vmem_shared>> -> memref<10240x16xf32, #tpu.memory_space<vmem_shared>>
    tpu.wait_indirect_dma semaphore(%arg24 : memref<!tpu.dma_semaphore, #tpu.memory_space<semaphore_mem>>) src(%arg14 : memref<2000x16xf32, #tpu.memory_space<vmem>>) dst(%dma_wait3A_124 : memref<10240x16xf32, #tpu.memory_space<vmem_shared>>)
    %dma_wait3A_125 = arith.constant 0 : i32
    %dma_wait3A_126 = arith.constant 0 : i32
    %dma_wait3A_127 = tpu.memref_slice %arg7[%dma_wait3A_125, %dma_wait3A_126] : memref<10240x16xf32, #tpu.memory_space<vmem_shared>> -> memref<10240x16xf32, #tpu.memory_space<vmem_shared>>
    tpu.wait_indirect_dma semaphore(%arg26 : memref<!tpu.dma_semaphore, #tpu.memory_space<semaphore_mem>>) src(%arg15 : memref<2000x16xf32, #tpu.memory_space<vmem>>) dst(%dma_wait3A_127 : memref<10240x16xf32, #tpu.memory_space<vmem_shared>>)
    %dma_wait3A_128 = arith.constant 0 : i32
    %dma_wait3A_129 = tpu.memref_slice %arg2[%dma_wait3A_128, %mul3A_4] : memref<2x320000xi32, #tpu.memory_space<hbm>> -> memref<1x2000xi32, #tpu.memory_space<hbm>>
    %dma_wait3A_130 = tpu.memref_squeeze %dma_wait3A_129 : memref<1x2000xi32, #tpu.memory_space<hbm>> -> memref<2000xi32, #tpu.memory_space<hbm>>
    %dma_wait3A_131 = tpu.memref_slice %arg2[%dma_wait3A_128, %mul3A_4] : memref<2x320000xi32, #tpu.memory_space<hbm>> -> memref<1x2000xi32, #tpu.memory_space<hbm>>
    %dma_wait3A_132 = tpu.memref_squeeze %dma_wait3A_131 : memref<1x2000xi32, #tpu.memory_space<hbm>> -> memref<2000xi32, #tpu.memory_space<hbm>>
    tpu.wait_dma2 semaphore(%arg17 : memref<!tpu.dma_semaphore, #tpu.memory_space<semaphore_mem>>) src(%dma_wait3A_132 : memref<2000xi32, #tpu.memory_space<hbm>>) dst(%arg9 : memref<2000xi32, #tpu.memory_space<vmem>>)
    %dma_start3A_133 = arith.constant 0 : i32
    %dma_start3A_134 = arith.constant 0 : i32
    %dma_start3A_135 = tpu.memref_slice %arg3[%dma_start3A_133, %dma_start3A_134] : memref<10240x16xf32, #tpu.memory_space<hbm>> -> memref<10240x16xf32, #tpu.memory_space<hbm>>
    tpu.enqueue_indirect_dma source(%dma_start3A_135 : memref<10240x16xf32, #tpu.memory_space<hbm>>) target(%arg14 : memref<2000x16xf32, #tpu.memory_space<vmem>>) offsets(%arg9 : memref<2000xi32, #tpu.memory_space<vmem>>) semaphore(%arg22 : memref<!tpu.dma_semaphore, #tpu.memory_space<semaphore_mem>>)
    %dma_wait3A_136 = arith.constant 0 : i32
    %dma_wait3A_137 = arith.constant 0 : i32
    %dma_wait3A_138 = tpu.memref_slice %arg3[%dma_wait3A_136, %dma_wait3A_137] : memref<10240x16xf32, #tpu.memory_space<hbm>> -> memref<10240x16xf32, #tpu.memory_space<hbm>>
    tpu.wait_indirect_dma semaphore(%arg21 : memref<!tpu.dma_semaphore, #tpu.memory_space<semaphore_mem>>) src(%dma_wait3A_138 : memref<10240x16xf32, #tpu.memory_space<hbm>>) dst(%arg13 : memref<2000x16xf32, #tpu.memory_space<vmem>>)
    %dma_wait3A_139 = arith.constant 1 : i32
    %dma_wait3A_140 = tpu.memref_slice %arg2[%dma_wait3A_139, %mul3A_4] : memref<2x320000xi32, #tpu.memory_space<hbm>> -> memref<1x2000xi32, #tpu.memory_space<hbm>>
    %dma_wait3A_141 = tpu.memref_squeeze %dma_wait3A_140 : memref<1x2000xi32, #tpu.memory_space<hbm>> -> memref<2000xi32, #tpu.memory_space<hbm>>
    %dma_wait3A_142 = tpu.memref_slice %arg2[%dma_wait3A_139, %mul3A_4] : memref<2x320000xi32, #tpu.memory_space<hbm>> -> memref<1x2000xi32, #tpu.memory_space<hbm>>
    %dma_wait3A_143 = tpu.memref_squeeze %dma_wait3A_142 : memref<1x2000xi32, #tpu.memory_space<hbm>> -> memref<2000xi32, #tpu.memory_space<hbm>>
    tpu.wait_dma2 semaphore(%arg20 : memref<!tpu.dma_semaphore, #tpu.memory_space<semaphore_mem>>) src(%dma_wait3A_143 : memref<2000xi32, #tpu.memory_space<hbm>>) dst(%arg12 : memref<2000xi32, #tpu.memory_space<vmem>>)
    %dma_start3A_144 = arith.constant 0 : i32
    %dma_start3A_145 = arith.constant 0 : i32
    %dma_start3A_146 = tpu.memref_slice %arg6[%dma_start3A_144, %dma_start3A_145] : memref<10240x16xf32, #tpu.memory_space<vmem_shared>> -> memref<10240x16xf32, #tpu.memory_space<vmem_shared>>
    tpu.enqueue_indirect_dma source(%arg13 : memref<2000x16xf32, #tpu.memory_space<vmem>>) target(%dma_start3A_146 : memref<10240x16xf32, #tpu.memory_space<vmem_shared>>) offsets(%arg12 : memref<2000xi32, #tpu.memory_space<vmem>>) semaphore(%arg23 : memref<!tpu.dma_semaphore, #tpu.memory_space<semaphore_mem>>) {add = true}
    %dma_start3A_147 = arith.constant 0 : i32
    %dma_start3A_148 = arith.constant 0 : i32
    %dma_start3A_149 = tpu.memref_slice %arg7[%dma_start3A_147, %dma_start3A_148] : memref<10240x16xf32, #tpu.memory_space<vmem_shared>> -> memref<10240x16xf32, #tpu.memory_space<vmem_shared>>
    tpu.enqueue_indirect_dma source(%arg15 : memref<2000x16xf32, #tpu.memory_space<vmem>>) target(%dma_start3A_149 : memref<10240x16xf32, #tpu.memory_space<vmem_shared>>) offsets(%arg12 : memref<2000xi32, #tpu.memory_space<vmem>>) semaphore(%arg25 : memref<!tpu.dma_semaphore, #tpu.memory_space<semaphore_mem>>) {add = true}
    %add3A_150 = arith.constant 8000 : i32
    %add3A_151 = arith.addi %mul3A_4, %add3A_150 : i32
    %dma_start3A_152 = arith.constant 0 : i32
    %dma_start3A_153 = tpu.memref_slice %arg2[%dma_start3A_152, %add3A_151] : memref<2x320000xi32, #tpu.memory_space<hbm>> -> memref<1x2000xi32, #tpu.memory_space<hbm>>
    %dma_start3A_154 = tpu.memref_squeeze %dma_start3A_153 : memref<1x2000xi32, #tpu.memory_space<hbm>> -> memref<2000xi32, #tpu.memory_space<hbm>>
    %dma_start3A_155 = tpu.memref_slice %arg2[%dma_start3A_152, %add3A_151] : memref<2x320000xi32, #tpu.memory_space<hbm>> -> memref<1x2000xi32, #tpu.memory_space<hbm>>
    %dma_start3A_156 = tpu.memref_squeeze %dma_start3A_155 : memref<1x2000xi32, #tpu.memory_space<hbm>> -> memref<2000xi32, #tpu.memory_space<hbm>>
    tpu.enqueue_dma source(%dma_start3A_156 : memref<2000xi32, #tpu.memory_space<hbm>>) target(%arg8 : memref<2000xi32, #tpu.memory_space<vmem>>) target_semaphore(%arg16 : memref<!tpu.dma_semaphore, #tpu.memory_space<semaphore_mem>>)
    %dma_start3A_157 = arith.constant 1 : i32
    %dma_start3A_158 = tpu.memref_slice %arg2[%dma_start3A_157, %add3A_151] : memref<2x320000xi32, #tpu.memory_space<hbm>> -> memref<1x2000xi32, #tpu.memory_space<hbm>>
    %dma_start3A_159 = tpu.memref_squeeze %dma_start3A_158 : memref<1x2000xi32, #tpu.memory_space<hbm>> -> memref<2000xi32, #tpu.memory_space<hbm>>
    %dma_start3A_160 = tpu.memref_slice %arg2[%dma_start3A_157, %add3A_151] : memref<2x320000xi32, #tpu.memory_space<hbm>> -> memref<1x2000xi32, #tpu.memory_space<hbm>>
    %dma_start3A_161 = tpu.memref_squeeze %dma_start3A_160 : memref<1x2000xi32, #tpu.memory_space<hbm>> -> memref<2000xi32, #tpu.memory_space<hbm>>
    tpu.enqueue_dma source(%dma_start3A_161 : memref<2000xi32, #tpu.memory_space<hbm>>) target(%arg11 : memref<2000xi32, #tpu.memory_space<vmem>>) target_semaphore(%arg19 : memref<!tpu.dma_semaphore, #tpu.memory_space<semaphore_mem>>)
    %dma_wait3A_162 = arith.constant 0 : i32
    %dma_wait3A_163 = arith.constant 0 : i32
    %dma_wait3A_164 = tpu.memref_slice %arg6[%dma_wait3A_162, %dma_wait3A_163] : memref<10240x16xf32, #tpu.memory_space<vmem_shared>> -> memref<10240x16xf32, #tpu.memory_space<vmem_shared>>
    tpu.wait_indirect_dma semaphore(%arg23 : memref<!tpu.dma_semaphore, #tpu.memory_space<semaphore_mem>>) src(%arg13 : memref<2000x16xf32, #tpu.memory_space<vmem>>) dst(%dma_wait3A_164 : memref<10240x16xf32, #tpu.memory_space<vmem_shared>>)
    %dma_wait3A_165 = arith.constant 0 : i32
    %dma_wait3A_166 = arith.constant 0 : i32
    %dma_wait3A_167 = tpu.memref_slice %arg7[%dma_wait3A_165, %dma_wait3A_166] : memref<10240x16xf32, #tpu.memory_space<vmem_shared>> -> memref<10240x16xf32, #tpu.memory_space<vmem_shared>>
    tpu.wait_indirect_dma semaphore(%arg25 : memref<!tpu.dma_semaphore, #tpu.memory_space<semaphore_mem>>) src(%arg15 : memref<2000x16xf32, #tpu.memory_space<vmem>>) dst(%dma_wait3A_167 : memref<10240x16xf32, #tpu.memory_space<vmem_shared>>)
    %dma_wait3A_168 = arith.constant 0 : i32
    %dma_wait3A_169 = tpu.memref_slice %arg2[%dma_wait3A_168, %mul3A_4] : memref<2x320000xi32, #tpu.memory_space<hbm>> -> memref<1x2000xi32, #tpu.memory_space<hbm>>
    %dma_wait3A_170 = tpu.memref_squeeze %dma_wait3A_169 : memref<1x2000xi32, #tpu.memory_space<hbm>> -> memref<2000xi32, #tpu.memory_space<hbm>>
    %dma_wait3A_171 = tpu.memref_slice %arg2[%dma_wait3A_168, %mul3A_4] : memref<2x320000xi32, #tpu.memory_space<hbm>> -> memref<1x2000xi32, #tpu.memory_space<hbm>>
    %dma_wait3A_172 = tpu.memref_squeeze %dma_wait3A_171 : memref<1x2000xi32, #tpu.memory_space<hbm>> -> memref<2000xi32, #tpu.memory_space<hbm>>
    tpu.wait_dma2 semaphore(%arg16 : memref<!tpu.dma_semaphore, #tpu.memory_space<semaphore_mem>>) src(%dma_wait3A_172 : memref<2000xi32, #tpu.memory_space<hbm>>) dst(%arg8 : memref<2000xi32, #tpu.memory_space<vmem>>)
    %dma_start3A_173 = arith.constant 0 : i32
    %dma_start3A_174 = arith.constant 0 : i32
    %dma_start3A_175 = tpu.memref_slice %arg3[%dma_start3A_173, %dma_start3A_174] : memref<10240x16xf32, #tpu.memory_space<hbm>> -> memref<10240x16xf32, #tpu.memory_space<hbm>>
    tpu.enqueue_indirect_dma source(%dma_start3A_175 : memref<10240x16xf32, #tpu.memory_space<hbm>>) target(%arg13 : memref<2000x16xf32, #tpu.memory_space<vmem>>) offsets(%arg8 : memref<2000xi32, #tpu.memory_space<vmem>>) semaphore(%arg21 : memref<!tpu.dma_semaphore, #tpu.memory_space<semaphore_mem>>)
    %dma_wait3A_176 = arith.constant 0 : i32
    %dma_wait3A_177 = arith.constant 0 : i32
    %dma_wait3A_178 = tpu.memref_slice %arg3[%dma_wait3A_176, %dma_wait3A_177] : memref<10240x16xf32, #tpu.memory_space<hbm>> -> memref<10240x16xf32, #tpu.memory_space<hbm>>
    tpu.wait_indirect_dma semaphore(%arg22 : memref<!tpu.dma_semaphore, #tpu.memory_space<semaphore_mem>>) src(%dma_wait3A_178 : memref<10240x16xf32, #tpu.memory_space<hbm>>) dst(%arg14 : memref<2000x16xf32, #tpu.memory_space<vmem>>)
    %dma_wait3A_179 = arith.constant 1 : i32
    %dma_wait3A_180 = tpu.memref_slice %arg2[%dma_wait3A_179, %mul3A_4] : memref<2x320000xi32, #tpu.memory_space<hbm>> -> memref<1x2000xi32, #tpu.memory_space<hbm>>
    %dma_wait3A_181 = tpu.memref_squeeze %dma_wait3A_180 : memref<1x2000xi32, #tpu.memory_space<hbm>> -> memref<2000xi32, #tpu.memory_space<hbm>>
    %dma_wait3A_182 = tpu.memref_slice %arg2[%dma_wait3A_179, %mul3A_4] : memref<2x320000xi32, #tpu.memory_space<hbm>> -> memref<1x2000xi32, #tpu.memory_space<hbm>>
    %dma_wait3A_183 = tpu.memref_squeeze %dma_wait3A_182 : memref<1x2000xi32, #tpu.memory_space<hbm>> -> memref<2000xi32, #tpu.memory_space<hbm>>
    tpu.wait_dma2 semaphore(%arg18 : memref<!tpu.dma_semaphore, #tpu.memory_space<semaphore_mem>>) src(%dma_wait3A_183 : memref<2000xi32, #tpu.memory_space<hbm>>) dst(%arg10 : memref<2000xi32, #tpu.memory_space<vmem>>)
    %dma_start3A_184 = arith.constant 0 : i32
    %dma_start3A_185 = arith.constant 0 : i32
    %dma_start3A_186 = tpu.memref_slice %arg6[%dma_start3A_184, %dma_start3A_185] : memref<10240x16xf32, #tpu.memory_space<vmem_shared>> -> memref<10240x16xf32, #tpu.memory_space<vmem_shared>>
    tpu.enqueue_indirect_dma source(%arg14 : memref<2000x16xf32, #tpu.memory_space<vmem>>) target(%dma_start3A_186 : memref<10240x16xf32, #tpu.memory_space<vmem_shared>>) offsets(%arg10 : memref<2000xi32, #tpu.memory_space<vmem>>) semaphore(%arg24 : memref<!tpu.dma_semaphore, #tpu.memory_space<semaphore_mem>>) {add = true}
    %dma_start3A_187 = arith.constant 0 : i32
    %dma_start3A_188 = arith.constant 0 : i32
    %dma_start3A_189 = tpu.memref_slice %arg7[%dma_start3A_187, %dma_start3A_188] : memref<10240x16xf32, #tpu.memory_space<vmem_shared>> -> memref<10240x16xf32, #tpu.memory_space<vmem_shared>>
    tpu.enqueue_indirect_dma source(%arg15 : memref<2000x16xf32, #tpu.memory_space<vmem>>) target(%dma_start3A_189 : memref<10240x16xf32, #tpu.memory_space<vmem_shared>>) offsets(%arg10 : memref<2000xi32, #tpu.memory_space<vmem>>) semaphore(%arg26 : memref<!tpu.dma_semaphore, #tpu.memory_space<semaphore_mem>>) {add = true}
    %dma_wait3A_190 = arith.constant 0 : i32
    %dma_wait3A_191 = arith.constant 0 : i32
    %dma_wait3A_192 = tpu.memref_slice %arg3[%dma_wait3A_190, %dma_wait3A_191] : memref<10240x16xf32, #tpu.memory_space<hbm>> -> memref<10240x16xf32, #tpu.memory_space<hbm>>
    tpu.wait_indirect_dma semaphore(%arg21 : memref<!tpu.dma_semaphore, #tpu.memory_space<semaphore_mem>>) src(%dma_wait3A_192 : memref<10240x16xf32, #tpu.memory_space<hbm>>) dst(%arg13 : memref<2000x16xf32, #tpu.memory_space<vmem>>)
    %dma_wait3A_193 = arith.constant 1 : i32
    %dma_wait3A_194 = tpu.memref_slice %arg2[%dma_wait3A_193, %mul3A_4] : memref<2x320000xi32, #tpu.memory_space<hbm>> -> memref<1x2000xi32, #tpu.memory_space<hbm>>
    %dma_wait3A_195 = tpu.memref_squeeze %dma_wait3A_194 : memref<1x2000xi32, #tpu.memory_space<hbm>> -> memref<2000xi32, #tpu.memory_space<hbm>>
    %dma_wait3A_196 = tpu.memref_slice %arg2[%dma_wait3A_193, %mul3A_4] : memref<2x320000xi32, #tpu.memory_space<hbm>> -> memref<1x2000xi32, #tpu.memory_space<hbm>>
    %dma_wait3A_197 = tpu.memref_squeeze %dma_wait3A_196 : memref<1x2000xi32, #tpu.memory_space<hbm>> -> memref<2000xi32, #tpu.memory_space<hbm>>
    tpu.wait_dma2 semaphore(%arg19 : memref<!tpu.dma_semaphore, #tpu.memory_space<semaphore_mem>>) src(%dma_wait3A_197 : memref<2000xi32, #tpu.memory_space<hbm>>) dst(%arg11 : memref<2000xi32, #tpu.memory_space<vmem>>)
    %dma_start3A_198 = arith.constant 0 : i32
    %dma_start3A_199 = arith.constant 0 : i32
    %dma_start3A_200 = tpu.memref_slice %arg6[%dma_start3A_198, %dma_start3A_199] : memref<10240x16xf32, #tpu.memory_space<vmem_shared>> -> memref<10240x16xf32, #tpu.memory_space<vmem_shared>>
    tpu.enqueue_indirect_dma source(%arg13 : memref<2000x16xf32, #tpu.memory_space<vmem>>) target(%dma_start3A_200 : memref<10240x16xf32, #tpu.memory_space<vmem_shared>>) offsets(%arg11 : memref<2000xi32, #tpu.memory_space<vmem>>) semaphore(%arg23 : memref<!tpu.dma_semaphore, #tpu.memory_space<semaphore_mem>>) {add = true}
    %dma_start3A_201 = arith.constant 0 : i32
    %dma_start3A_202 = arith.constant 0 : i32
    %dma_start3A_203 = tpu.memref_slice %arg7[%dma_start3A_201, %dma_start3A_202] : memref<10240x16xf32, #tpu.memory_space<vmem_shared>> -> memref<10240x16xf32, #tpu.memory_space<vmem_shared>>
    tpu.enqueue_indirect_dma source(%arg15 : memref<2000x16xf32, #tpu.memory_space<vmem>>) target(%dma_start3A_203 : memref<10240x16xf32, #tpu.memory_space<vmem_shared>>) offsets(%arg11 : memref<2000xi32, #tpu.memory_space<vmem>>) semaphore(%arg25 : memref<!tpu.dma_semaphore, #tpu.memory_space<semaphore_mem>>) {add = true}
    %dma_wait3A_204 = arith.constant 0 : i32
    %dma_wait3A_205 = arith.constant 0 : i32
    %dma_wait3A_206 = tpu.memref_slice %arg6[%dma_wait3A_204, %dma_wait3A_205] : memref<10240x16xf32, #tpu.memory_space<vmem_shared>> -> memref<10240x16xf32, #tpu.memory_space<vmem_shared>>
    tpu.wait_indirect_dma semaphore(%arg24 : memref<!tpu.dma_semaphore, #tpu.memory_space<semaphore_mem>>) src(%arg14 : memref<2000x16xf32, #tpu.memory_space<vmem>>) dst(%dma_wait3A_206 : memref<10240x16xf32, #tpu.memory_space<vmem_shared>>)
    %dma_wait3A_207 = arith.constant 0 : i32
    %dma_wait3A_208 = arith.constant 0 : i32
    %dma_wait3A_209 = tpu.memref_slice %arg7[%dma_wait3A_207, %dma_wait3A_208] : memref<10240x16xf32, #tpu.memory_space<vmem_shared>> -> memref<10240x16xf32, #tpu.memory_space<vmem_shared>>
    tpu.wait_indirect_dma semaphore(%arg26 : memref<!tpu.dma_semaphore, #tpu.memory_space<semaphore_mem>>) src(%arg15 : memref<2000x16xf32, #tpu.memory_space<vmem>>) dst(%dma_wait3A_209 : memref<10240x16xf32, #tpu.memory_space<vmem_shared>>)
    %dma_wait3A_210 = arith.constant 0 : i32
    %dma_wait3A_211 = arith.constant 0 : i32
    %dma_wait3A_212 = tpu.memref_slice %arg6[%dma_wait3A_210, %dma_wait3A_211] : memref<10240x16xf32, #tpu.memory_space<vmem_shared>> -> memref<10240x16xf32, #tpu.memory_space<vmem_shared>>
    tpu.wait_indirect_dma semaphore(%arg23 : memref<!tpu.dma_semaphore, #tpu.memory_space<semaphore_mem>>) src(%arg13 : memref<2000x16xf32, #tpu.memory_space<vmem>>) dst(%dma_wait3A_212 : memref<10240x16xf32, #tpu.memory_space<vmem_shared>>)
    %dma_wait3A_213 = arith.constant 0 : i32
    %dma_wait3A_214 = arith.constant 0 : i32
    %dma_wait3A_215 = tpu.memref_slice %arg7[%dma_wait3A_213, %dma_wait3A_214] : memref<10240x16xf32, #tpu.memory_space<vmem_shared>> -> memref<10240x16xf32, #tpu.memory_space<vmem_shared>>
    tpu.wait_indirect_dma semaphore(%arg25 : memref<!tpu.dma_semaphore, #tpu.memory_space<semaphore_mem>>) src(%arg15 : memref<2000x16xf32, #tpu.memory_space<vmem>>) dst(%dma_wait3A_215 : memref<10240x16xf32, #tpu.memory_space<vmem_shared>>)
    %barrier3A_216 = arith.constant 0 : index
    tpu.barrier barrier_id(%barrier3A_216)
    "tpu.region"() ({
      %run_scoped3A = tpu.sem_alloc : memref<!tpu.dma_semaphore, #tpu.memory_space<semaphore_mem>>
      %dma_start3A_217 = arith.constant 0 : i32
      %dma_start3A_218 = arith.constant 0 : i32
      %dma_start3A_219 = tpu.memref_slice %arg13[%dma_start3A_217, %dma_start3A_218] : memref<2000x16xf32, #tpu.memory_space<vmem>> -> memref<640x16xf32, #tpu.memory_space<vmem>>
      %dma_start3A_220 = arith.constant 0 : i32
      %dma_start3A_221 = tpu.memref_slice %arg6[%mul3A_0, %dma_start3A_220] : memref<10240x16xf32, #tpu.memory_space<vmem_shared>> -> memref<640x16xf32, #tpu.memory_space<vmem_shared>>
      %dma_start3A_222 = arith.constant 0 : i32
      %dma_start3A_223 = arith.constant 0 : i32
      %dma_start3A_224 = tpu.memref_slice %arg13[%dma_start3A_222, %dma_start3A_223] : memref<2000x16xf32, #tpu.memory_space<vmem>> -> memref<640x16xf32, #tpu.memory_space<vmem>>
      %dma_start3A_225 = arith.constant 0 : i32
      %dma_start3A_226 = tpu.memref_slice %arg6[%mul3A_0, %dma_start3A_225] : memref<10240x16xf32, #tpu.memory_space<vmem_shared>> -> memref<640x16xf32, #tpu.memory_space<vmem_shared>>
      tpu.enqueue_dma source(%dma_start3A_226 : memref<640x16xf32, #tpu.memory_space<vmem_shared>>) target(%dma_start3A_224 : memref<640x16xf32, #tpu.memory_space<vmem>>) target_semaphore(%run_scoped3A : memref<!tpu.dma_semaphore, #tpu.memory_space<semaphore_mem>>)
      %dma_wait3A_227 = arith.constant 0 : i32
      %dma_wait3A_228 = arith.constant 0 : i32
      %dma_wait3A_229 = tpu.memref_slice %arg13[%dma_wait3A_227, %dma_wait3A_228] : memref<2000x16xf32, #tpu.memory_space<vmem>> -> memref<640x16xf32, #tpu.memory_space<vmem>>
      %dma_wait3A_230 = arith.constant 0 : i32
      %dma_wait3A_231 = tpu.memref_slice %arg6[%mul3A_0, %dma_wait3A_230] : memref<10240x16xf32, #tpu.memory_space<vmem_shared>> -> memref<640x16xf32, #tpu.memory_space<vmem_shared>>
      %dma_wait3A_232 = arith.constant 0 : i32
      %dma_wait3A_233 = arith.constant 0 : i32
      %dma_wait3A_234 = tpu.memref_slice %arg13[%dma_wait3A_232, %dma_wait3A_233] : memref<2000x16xf32, #tpu.memory_space<vmem>> -> memref<640x16xf32, #tpu.memory_space<vmem>>
      %dma_wait3A_235 = arith.constant 0 : i32
      %dma_wait3A_236 = tpu.memref_slice %arg6[%mul3A_0, %dma_wait3A_235] : memref<10240x16xf32, #tpu.memory_space<vmem_shared>> -> memref<640x16xf32, #tpu.memory_space<vmem_shared>>
      tpu.wait_dma2 semaphore(%run_scoped3A : memref<!tpu.dma_semaphore, #tpu.memory_space<semaphore_mem>>) src(%dma_wait3A_236 : memref<640x16xf32, #tpu.memory_space<vmem_shared>>) dst(%dma_wait3A_234 : memref<640x16xf32, #tpu.memory_space<vmem>>)
      tpu.yield
    }) : () -> ()
    "tpu.region"() ({
      %run_scoped3A = tpu.sem_alloc : memref<!tpu.dma_semaphore, #tpu.memory_space<semaphore_mem>>
      %dma_start3A_217 = arith.constant 0 : i32
      %dma_start3A_218 = arith.constant 0 : i32
      %dma_start3A_219 = tpu.memref_slice %arg13[%dma_start3A_217, %dma_start3A_218] : memref<2000x16xf32, #tpu.memory_space<vmem>> -> memref<640x16xf32, #tpu.memory_space<vmem>>
      %dma_start3A_220 = arith.constant 0 : i32
      %dma_start3A_221 = tpu.memref_slice %arg4[%arg0, %mul3A_0, %dma_start3A_220] : memref<2x10240x16xf32, #tpu.memory_space<hbm>> -> memref<1x640x16xf32, #tpu.memory_space<hbm>>
      %dma_start3A_222 = tpu.memref_squeeze %dma_start3A_221 : memref<1x640x16xf32, #tpu.memory_space<hbm>> -> memref<640x16xf32, #tpu.memory_space<hbm>>
      %dma_start3A_223 = arith.constant 0 : i32
      %dma_start3A_224 = tpu.memref_slice %arg4[%arg0, %mul3A_0, %dma_start3A_223] : memref<2x10240x16xf32, #tpu.memory_space<hbm>> -> memref<1x640x16xf32, #tpu.memory_space<hbm>>
      %dma_start3A_225 = tpu.memref_squeeze %dma_start3A_224 : memref<1x640x16xf32, #tpu.memory_space<hbm>> -> memref<640x16xf32, #tpu.memory_space<hbm>>
      %dma_start3A_226 = arith.constant 0 : i32
      %dma_start3A_227 = arith.constant 0 : i32
      %dma_start3A_228 = tpu.memref_slice %arg13[%dma_start3A_226, %dma_start3A_227] : memref<2000x16xf32, #tpu.memory_space<vmem>> -> memref<640x16xf32, #tpu.memory_space<vmem>>
      tpu.enqueue_dma source(%dma_start3A_228 : memref<640x16xf32, #tpu.memory_space<vmem>>) target(%dma_start3A_225 : memref<640x16xf32, #tpu.memory_space<hbm>>) target_semaphore(%run_scoped3A : memref<!tpu.dma_semaphore, #tpu.memory_space<semaphore_mem>>)
      %dma_wait3A_229 = arith.constant 0 : i32
      %dma_wait3A_230 = arith.constant 0 : i32
      %dma_wait3A_231 = tpu.memref_slice %arg13[%dma_wait3A_229, %dma_wait3A_230] : memref<2000x16xf32, #tpu.memory_space<vmem>> -> memref<640x16xf32, #tpu.memory_space<vmem>>
      %dma_wait3A_232 = arith.constant 0 : i32
      %dma_wait3A_233 = tpu.memref_slice %arg4[%arg0, %mul3A_0, %dma_wait3A_232] : memref<2x10240x16xf32, #tpu.memory_space<hbm>> -> memref<1x640x16xf32, #tpu.memory_space<hbm>>
      %dma_wait3A_234 = tpu.memref_squeeze %dma_wait3A_233 : memref<1x640x16xf32, #tpu.memory_space<hbm>> -> memref<640x16xf32, #tpu.memory_space<hbm>>
      %dma_wait3A_235 = arith.constant 0 : i32
      %dma_wait3A_236 = tpu.memref_slice %arg4[%arg0, %mul3A_0, %dma_wait3A_235] : memref<2x10240x16xf32, #tpu.memory_space<hbm>> -> memref<1x640x16xf32, #tpu.memory_space<hbm>>
      %dma_wait3A_237 = tpu.memref_squeeze %dma_wait3A_236 : memref<1x640x16xf32, #tpu.memory_space<hbm>> -> memref<640x16xf32, #tpu.memory_space<hbm>>
      %dma_wait3A_238 = arith.constant 0 : i32
      %dma_wait3A_239 = arith.constant 0 : i32
      %dma_wait3A_240 = tpu.memref_slice %arg13[%dma_wait3A_238, %dma_wait3A_239] : memref<2000x16xf32, #tpu.memory_space<vmem>> -> memref<640x16xf32, #tpu.memory_space<vmem>>
      tpu.wait_dma2 semaphore(%run_scoped3A : memref<!tpu.dma_semaphore, #tpu.memory_space<semaphore_mem>>) src(%dma_wait3A_240 : memref<640x16xf32, #tpu.memory_space<vmem>>) dst(%dma_wait3A_237 : memref<640x16xf32, #tpu.memory_space<hbm>>)
      tpu.yield
    }) : () -> ()
    "tpu.region"() ({
      %run_scoped3A = tpu.sem_alloc : memref<!tpu.dma_semaphore, #tpu.memory_space<semaphore_mem>>
      %dma_start3A_217 = arith.constant 0 : i32
      %dma_start3A_218 = arith.constant 0 : i32
      %dma_start3A_219 = tpu.memref_slice %arg13[%dma_start3A_217, %dma_start3A_218] : memref<2000x16xf32, #tpu.memory_space<vmem>> -> memref<640x16xf32, #tpu.memory_space<vmem>>
      %dma_start3A_220 = arith.constant 0 : i32
      %dma_start3A_221 = tpu.memref_slice %arg7[%mul3A_0, %dma_start3A_220] : memref<10240x16xf32, #tpu.memory_space<vmem_shared>> -> memref<640x16xf32, #tpu.memory_space<vmem_shared>>
      %dma_start3A_222 = arith.constant 0 : i32
      %dma_start3A_223 = arith.constant 0 : i32
      %dma_start3A_224 = tpu.memref_slice %arg13[%dma_start3A_222, %dma_start3A_223] : memref<2000x16xf32, #tpu.memory_space<vmem>> -> memref<640x16xf32, #tpu.memory_space<vmem>>
      %dma_start3A_225 = arith.constant 0 : i32
      %dma_start3A_226 = tpu.memref_slice %arg7[%mul3A_0, %dma_start3A_225] : memref<10240x16xf32, #tpu.memory_space<vmem_shared>> -> memref<640x16xf32, #tpu.memory_space<vmem_shared>>
      tpu.enqueue_dma source(%dma_start3A_226 : memref<640x16xf32, #tpu.memory_space<vmem_shared>>) target(%dma_start3A_224 : memref<640x16xf32, #tpu.memory_space<vmem>>) target_semaphore(%run_scoped3A : memref<!tpu.dma_semaphore, #tpu.memory_space<semaphore_mem>>)
      %dma_wait3A_227 = arith.constant 0 : i32
      %dma_wait3A_228 = arith.constant 0 : i32
      %dma_wait3A_229 = tpu.memref_slice %arg13[%dma_wait3A_227, %dma_wait3A_228] : memref<2000x16xf32, #tpu.memory_space<vmem>> -> memref<640x16xf32, #tpu.memory_space<vmem>>
      %dma_wait3A_230 = arith.constant 0 : i32
      %dma_wait3A_231 = tpu.memref_slice %arg7[%mul3A_0, %dma_wait3A_230] : memref<10240x16xf32, #tpu.memory_space<vmem_shared>> -> memref<640x16xf32, #tpu.memory_space<vmem_shared>>
      %dma_wait3A_232 = arith.constant 0 : i32
      %dma_wait3A_233 = arith.constant 0 : i32
      %dma_wait3A_234 = tpu.memref_slice %arg13[%dma_wait3A_232, %dma_wait3A_233] : memref<2000x16xf32, #tpu.memory_space<vmem>> -> memref<640x16xf32, #tpu.memory_space<vmem>>
      %dma_wait3A_235 = arith.constant 0 : i32
      %dma_wait3A_236 = tpu.memref_slice %arg7[%mul3A_0, %dma_wait3A_235] : memref<10240x16xf32, #tpu.memory_space<vmem_shared>> -> memref<640x16xf32, #tpu.memory_space<vmem_shared>>
      tpu.wait_dma2 semaphore(%run_scoped3A : memref<!tpu.dma_semaphore, #tpu.memory_space<semaphore_mem>>) src(%dma_wait3A_236 : memref<640x16xf32, #tpu.memory_space<vmem_shared>>) dst(%dma_wait3A_234 : memref<640x16xf32, #tpu.memory_space<vmem>>)
      tpu.yield
    }) : () -> ()
    "tpu.region"() ({
      %run_scoped3A = tpu.sem_alloc : memref<!tpu.dma_semaphore, #tpu.memory_space<semaphore_mem>>
      %dma_start3A_217 = arith.constant 0 : i32
      %dma_start3A_218 = arith.constant 0 : i32
      %dma_start3A_219 = tpu.memref_slice %arg13[%dma_start3A_217, %dma_start3A_218] : memref<2000x16xf32, #tpu.memory_space<vmem>> -> memref<640x16xf32, #tpu.memory_space<vmem>>
      %dma_start3A_220 = arith.constant 0 : i32
      %dma_start3A_221 = tpu.memref_slice %arg5[%arg0, %mul3A_0, %dma_start3A_220] : memref<2x10240x16xf32, #tpu.memory_space<hbm>> -> memref<1x640x16xf32, #tpu.memory_space<hbm>>
      %dma_start3A_222 = tpu.memref_squeeze %dma_start3A_221 : memref<1x640x16xf32, #tpu.memory_space<hbm>> -> memref<640x16xf32, #tpu.memory_space<hbm>>
      %dma_start3A_223 = arith.constant 0 : i32
      %dma_start3A_224 = tpu.memref_slice %arg5[%arg0, %mul3A_0, %dma_start3A_223] : memref<2x10240x16xf32, #tpu.memory_space<hbm>> -> memref<1x640x16xf32, #tpu.memory_space<hbm>>
      %dma_start3A_225 = tpu.memref_squeeze %dma_start3A_224 : memref<1x640x16xf32, #tpu.memory_space<hbm>> -> memref<640x16xf32, #tpu.memory_space<hbm>>
      %dma_start3A_226 = arith.constant 0 : i32
      %dma_start3A_227 = arith.constant 0 : i32
      %dma_start3A_228 = tpu.memref_slice %arg13[%dma_start3A_226, %dma_start3A_227] : memref<2000x16xf32, #tpu.memory_space<vmem>> -> memref<640x16xf32, #tpu.memory_space<vmem>>
      tpu.enqueue_dma source(%dma_start3A_228 : memref<640x16xf32, #tpu.memory_space<vmem>>) target(%dma_start3A_225 : memref<640x16xf32, #tpu.memory_space<hbm>>) target_semaphore(%run_scoped3A : memref<!tpu.dma_semaphore, #tpu.memory_space<semaphore_mem>>)
      %dma_wait3A_229 = arith.constant 0 : i32
      %dma_wait3A_230 = arith.constant 0 : i32
      %dma_wait3A_231 = tpu.memref_slice %arg13[%dma_wait3A_229, %dma_wait3A_230] : memref<2000x16xf32, #tpu.memory_space<vmem>> -> memref<640x16xf32, #tpu.memory_space<vmem>>
      %dma_wait3A_232 = arith.constant 0 : i32
      %dma_wait3A_233 = tpu.memref_slice %arg5[%arg0, %mul3A_0, %dma_wait3A_232] : memref<2x10240x16xf32, #tpu.memory_space<hbm>> -> memref<1x640x16xf32, #tpu.memory_space<hbm>>
      %dma_wait3A_234 = tpu.memref_squeeze %dma_wait3A_233 : memref<1x640x16xf32, #tpu.memory_space<hbm>> -> memref<640x16xf32, #tpu.memory_space<hbm>>
      %dma_wait3A_235 = arith.constant 0 : i32
      %dma_wait3A_236 = tpu.memref_slice %arg5[%arg0, %mul3A_0, %dma_wait3A_235] : memref<2x10240x16xf32, #tpu.memory_space<hbm>> -> memref<1x640x16xf32, #tpu.memory_space<hbm>>
      %dma_wait3A_237 = tpu.memref_squeeze %dma_wait3A_236 : memref<1x640x16xf32, #tpu.memory_space<hbm>> -> memref<640x16xf32, #tpu.memory_space<hbm>>
      %dma_wait3A_238 = arith.constant 0 : i32
      %dma_wait3A_239 = arith.constant 0 : i32
      %dma_wait3A_240 = tpu.memref_slice %arg13[%dma_wait3A_238, %dma_wait3A_239] : memref<2000x16xf32, #tpu.memory_space<vmem>> -> memref<640x16xf32, #tpu.memory_space<vmem>>
      tpu.wait_dma2 semaphore(%run_scoped3A : memref<!tpu.dma_semaphore, #tpu.memory_space<semaphore_mem>>) src(%dma_wait3A_240 : memref<640x16xf32, #tpu.memory_space<vmem>>) dst(%dma_wait3A_237 : memref<640x16xf32, #tpu.memory_space<hbm>>)
      tpu.yield
    }) : () -> ()
    return
  }
}

module attributes {stable_mosaic.version = 14 : i64} {
  func.func @_project_body(%arg0: i32, %arg1: memref<2000x128xf32, #tpu.memory_space<vmem>>, %arg2: memref<2000x1xf32, #tpu.memory_space<vmem>>, %arg3: memref<128x128xf32, #tpu.memory_space<vmem>>, %arg4: memref<128x16xf32, #tpu.memory_space<vmem>>, %arg5: memref<2000x16xf32, #tpu.memory_space<vmem>>) attributes {dimension_semantics = [#tpu.dimension_semantics<arbitrary>], iteration_bounds = array<i64: 5>, scalar_prefetch = 0 : i64, scratch_operands = 0 : i64, tpu.core_type = #tpu.core_type<tc>, window_params = [{transform_indices = @transform_0, window_bounds = array<i64: 2000, 128>}, {transform_indices = @transform_1, window_bounds = array<i64: 2000, 1>}, {pipeline_mode = #tpu.pipeline_mode<synchronous>, transform_indices = @transform_2, window_bounds = array<i64: 128, 128>}, {pipeline_mode = #tpu.pipeline_mode<synchronous>, transform_indices = @transform_3, window_bounds = array<i64: 128, 16>}, {transform_indices = @transform_4, window_bounds = array<i64: 2000, 16>}]} {
    %get3A = arith.constant 0 : index
    %get3A_0 = arith.constant 0 : index
    %get3A_1 = vector.load %arg1[%get3A, %get3A_0] : memref<2000x128xf32, #tpu.memory_space<vmem>>, vector<2000x128xf32>
    %get3A_2 = arith.constant 0 : index
    %get3A_3 = arith.constant 0 : index
    %get3A_4 = vector.load %arg2[%get3A_2, %get3A_3] : memref<2000x1xf32, #tpu.memory_space<vmem>>, vector<2000x1xf32>
    %mul3A = vector.broadcast %get3A_4 : vector<2000x1xf32> to vector<2000x128xf32>
    %mul3A_5 = arith.mulf %get3A_1, %mul3A : vector<2000x128xf32>
    %get3A_6 = arith.constant 0 : index
    %get3A_7 = arith.constant 0 : index
    %get3A_8 = vector.load %arg3[%get3A_6, %get3A_7] : memref<128x128xf32, #tpu.memory_space<vmem>>, vector<128x128xf32>
    %dot_general3A = arith.constant dense<0.000000e+00> : vector<2000x128xf32>
    %dot_general3A_9 = tpu.matmul %mul3A_5, %get3A_8, %dot_general3A {dimension_numbers = #tpu.dot_dimension_numbers<[1], [0], [0], [1], [0, 0, 1, 1], [], []>, transpose_lhs_hint = false} : vector<2000x128xf32>, vector<128x128xf32>, vector<2000x128xf32> -> vector<2000x128xf32>
    %get3A_10 = arith.constant 0 : index
    %get3A_11 = arith.constant 0 : index
    %get3A_12 = vector.load %arg4[%get3A_10, %get3A_11] : memref<128x16xf32, #tpu.memory_space<vmem>>, vector<128x16xf32>
    %dot_general3A_13 = arith.constant dense<0.000000e+00> : vector<2000x16xf32>
    %dot_general3A_14 = tpu.matmul %dot_general3A_9, %get3A_12, %dot_general3A_13 {dimension_numbers = #tpu.dot_dimension_numbers<[1], [0], [0], [1], [0, 0, 1, 1], [], []>, transpose_lhs_hint = false} : vector<2000x128xf32>, vector<128x16xf32>, vector<2000x16xf32> -> vector<2000x16xf32>
    %swap3A = arith.constant 0 : index
    %swap3A_15 = arith.constant 0 : index
    %swap3A_16 = vector.load %arg5[%swap3A, %swap3A_15] : memref<2000x16xf32, #tpu.memory_space<vmem>>, vector<2000x16xf32>
    tpu.vector_store %arg5[%swap3A, %swap3A_15], %dot_general3A_14 {strides = array<i32>} : memref<2000x16xf32, #tpu.memory_space<vmem>>, vector<2000x16xf32>,
    return
  }
  func.func @transform_0(%arg0: i32) -> (i32, i32) {
    %c0_i32 = arith.constant 0 : i32
    %c0_i32_0 = arith.constant 0 : i32
    return %arg0, %c0_i32 : i32, i32
  }
  func.func @transform_1(%arg0: i32) -> (i32, i32) {
    %c0_i32 = arith.constant 0 : i32
    %c0_i32_0 = arith.constant 0 : i32
    return %arg0, %c0_i32 : i32, i32
  }
  func.func @transform_2(%arg0: i32) -> (i32, i32) {
    %c0_i32 = arith.constant 0 : i32
    %c0_i32_0 = arith.constant 0 : i32
    %c0_i32_1 = arith.constant 0 : i32
    return %c0_i32, %c0_i32_0 : i32, i32
  }
  func.func @transform_3(%arg0: i32) -> (i32, i32) {
    %c0_i32 = arith.constant 0 : i32
    %c0_i32_0 = arith.constant 0 : i32
    %c0_i32_1 = arith.constant 0 : i32
    return %c0_i32, %c0_i32_0 : i32, i32
  }
  func.func @transform_4(%arg0: i32) -> (i32, i32) {
    %c0_i32 = arith.constant 0 : i32
    %c0_i32_0 = arith.constant 0 : i32
    return %arg0, %c0_i32 : i32, i32
  }
}

</mosaic_0001>

<sc_bundles>
// kernel: kernel.12.cloned.1.call-start
scs
__scs_entry_jumppad:
0x0: {  	(pc) =	sbr.rel $0x88, $3  }
0x1: {  	(tag) =	ssettag $0x0;
	lr =	simm.s32 $0x1  }
0x2: {  	[smem:$0x3F99] =	sst lr;
	_ =	strace $0xD0000000  }
0x3: {  	_ = 	snop  }
0x4: {  	_ = 	snop  }
0x5: {  	_ = 	snop  }
0x6: {  	_ = 	snop  }
0x7: {  	_ = 	snop  }
__scs_overlays_trampoline_lowered:
0x8: {  	[smem:$0x3FA8] =	sst s0  }
0x9: {  	[smem:$0x3FA9] =	sst s1  }
0xa: {  	[smem:$0x3FAA] =	sst s2  }
0xb: {  	[smem:$0x3FAB] =	sst s3  }
0xc: {  	[smem:$0x3FAC] =	sst s4  }
0xd: {  	[smem:$0x3FAD] =	sst s5  }
0xe: {  	[smem:$0x3FAE] =	sst s6  }
0xf: {  	[smem:$0x3FAF] =	sst s7  }
0x10: {  	[smem:$0x3FB0] =	sst s8  }
0x11: {  	[smem:$0x3FB1] =	sst s9;
	s0 =	simm.s32 @!p0 $0x0  }
0x12: {  	s1 =	sld [smem:$0x3F97];
	s0 =	simm.s32 @p0 $0x1  }
0x13: {  	[smem:$0x3FB2] =	sst s0;
	s0 =	simm.s32 @!p1 $0x0  }
0x14: {  	s2 =	sld [smem:$0x3F96];
	s0 =	simm.s32 @p1 $0x1  }
0x15: {  	[smem:$0x3FB3] =	sst s0;
	s0 =	simm.s32 @!p2 $0x0  }
0x16: {  	s3 =	sld [smem:$0x3FDB];
	s0 =	simm.s32 @p2 $0x1  }
0x17: {  	s4 =	simm.s32 $0x1BF5;
	[smem:$0x3FB5] =	sst s0  }
0x18: {  	s0 =	sld [smem:$0x3F98];
	_ =	swait.ge [sflag:s4], $0x0  }
0x19: {  	s7 =	sld [smem:$0x3F99]  }
0x1a: {  	s8 =	sadd.s32 $0xFFFFE003, lr  }
0x1b: {  	s9 =	sadd.s32 $0xFFFFFEF7, lr;
	s5 =	simm.s32 $0xFFFFFFFF;
	p2 =	slt.u32 s8, $0xFFFFF086  }
0x1c: {  	p1 =	slt.u32 s9, $0xF7A;
	s5 =	simm.s32 @!p2 $0x0  }
0x1d: {  	s5 =	simm.s32 @p1 $0x1;
	p0 =	seq.s32 s7, s2  }
0x1e: {  	s7 =	smul.u32 @!p0 $0xF7A, s2;
	p2 =	seq.s32 @!p0 s5, $0x0  }
0x1f: {  	s9 =	smul.u32 $0xF7A, s1;
	s8 =	simm.s32 @!p0 $0x1BF5;
	p2 =	por !p2, p0  }
0x20: {  	[sflag:s8] =	ssyncset.s32 @!p0 $0xFFFFF086;
	s6 =	sadd.s32 @!p0 s3, s7;
	s7 =	simm.s32 @!p0 $0x108  }
0x21: {  	s3 =	sadd.s32 s3, s9;
	s6 =	sadd.s32 @!p0 $0x88, s6;
	s7 =	simm.s32 @p2 $0x1082  }
0x22: {  	[simem:s7], [sflag:s8] =	dma.local @!p0 [hbm:s6], $0xF7A  }
0x23: {  	s9 =	sor.u32 $0xD0000000, s2;
	s6 =	simm.s32 $0x108;
	_ =	swait.ge @!p0 [sflag:s8], $0x0  }
0x24: {  	s3 =	sadd.s32 $0x88, s3;
	s6 =	simm.s32 @!p1 $0x1082;
	[sflag:s4] =	ssyncset.s32 $0xFFFFF086  }
0x25: {  	[simem:s6], [sflag:s4] =	dma.local [hbm:s3], $0xF7A  }
0x26: {  	[smem:$0x3F99] =	sst s1;
	(tag) =	ssettag s2;
	_ =	strace s9  }
0x27: {  	s1 =	sld [smem:$0x3FA9]  }
0x28: {  	s2 =	sld [smem:$0x3FAA]  }
0x29: {  	s4 =	sld [smem:$0x3FAC]  }
0x2a: {  	p0 =	seq.s32 s5, $0x0;
	s5 =	sld [smem:$0x3FAD]  }
0x2b: {  	s6 =	sld [smem:$0x3FAE]  }
0x2c: {  	s7 =	sld [smem:$0x3FAF]  }
0x2d: {  	s3 =	simm.s32 $0x108;
	s8 =	sld [smem:$0x3FB0]  }
0x2e: {  	s3 =	simm.s32 @!p0 $0x1082;
	s9 =	sld [smem:$0x3FB1]  }
0x2f: {  	lr =	sadd.s32 s0, s3;
	s0 =	sld [smem:$0x3FA8]  }
0x30: {  	s3 =	sld [smem:$0x3FAB]  }
0x31: {  	[smem:$0x3FB4] =	sst s10  }
0x32: {  	s10 =	sld [smem:$0x3FB2];
	_ =	sdelay $0x3  }
0x33: {  	p0 =	seq.s32 s10, $0x1;
	s10 =	sld [smem:$0x3FB4];
	_ =	sdelay $0x3  }
0x34: {  	[smem:$0x3FB4] =	sst s10  }
0x35: {  	s10 =	sld [smem:$0x3FB3];
	_ =	sdelay $0x3  }
0x36: {  	p1 =	seq.s32 s10, $0x1;
	s10 =	sld [smem:$0x3FB4];
	_ =	sdelay $0x3  }
0x37: {  	[smem:$0x3FB4] =	sst s10  }
0x38: {  	s10 =	sld [smem:$0x3FB5]  }
0x39: {  	_ = 	snop;
	(pc) =	sbr.ind lr, $3  }
0x3a: {  	_ = 	snop  }
0x3b: {  	_ = 	snop  }
0x3c: {  	p2 =	seq.s32 s10, $0x1;
	s10 =	sld [smem:$0x3FB4]  }
0x3d: {  	_ =	shalt  }
0x3e: {  	_ =	shalt  }
0x3f: {  	_ =	shalt  }
0x40: {  	_ =	shalt  }
0x41: {  	_ =	shalt  }
0x42: {  	_ =	shalt  }
0x43: {  	_ =	shalt  }
0x44: {  	_ =	shalt  }
0x45: {  	_ =	shalt  }
0x46: {  	_ =	shalt  }
0x47: {  	_ =	shalt  }
0x48: {  	_ =	shalt  }
0x49: {  	_ =	shalt  }
0x4a: {  	_ =	shalt  }
0x4b: {  	_ =	shalt  }
0x4c: {  	_ =	shalt  }
0x4d: {  	_ =	shalt  }
0x4e: {  	_ =	shalt  }
0x4f: {  	_ =	shalt  }
0x50: {  	_ =	shalt  }
0x51: {  	_ =	shalt  }
0x52: {  	_ =	shalt  }
0x53: {  	_ =	shalt  }
0x54: {  	_ =	shalt  }
0x55: {  	_ =	shalt  }
0x56: {  	_ =	shalt  }
0x57: {  	_ =	shalt  }
0x58: {  	_ =	shalt  }
0x59: {  	_ =	shalt  }
0x5a: {  	_ =	shalt  }
0x5b: {  	_ =	shalt  }
0x5c: {  	_ =	shalt  }
0x5d: {  	_ =	shalt  }
0x5e: {  	_ =	shalt  }
0x5f: {  	_ =	shalt  }
0x60: {  	_ =	shalt  }
0x61: {  	_ =	shalt  }
0x62: {  	_ =	shalt  }
0x63: {  	_ =	shalt  }
0x64: {  	_ =	shalt  }
0x65: {  	_ =	shalt  }
0x66: {  	_ =	shalt  }
0x67: {  	_ =	shalt  }
0x68: {  	_ =	shalt  }
0x69: {  	_ =	shalt  }
0x6a: {  	_ =	shalt  }
0x6b: {  	_ =	shalt  }
0x6c: {  	_ =	shalt  }
0x6d: {  	_ =	shalt  }
0x6e: {  	_ =	shalt  }
0x6f: {  	_ =	shalt  }
0x70: {  	_ =	shalt  }
0x71: {  	_ =	shalt  }
0x72: {  	_ =	shalt  }
0x73: {  	_ =	shalt  }
0x74: {  	_ =	shalt  }
0x75: {  	_ =	shalt  }
0x76: {  	_ =	shalt  }
0x77: {  	_ =	shalt  }
0x78: {  	_ =	shalt  }
0x79: {  	_ =	shalt  }
0x7a: {  	_ =	shalt  }
0x7b: {  	_ =	shalt  }
0x7c: {  	_ =	shalt  }
0x7d: {  	_ =	shalt  }
0x7e: {  	_ =	shalt  }
0x7f: {  	_ =	shalt  }
0x80: {  	_ =	shalt  }
0x81: {  	_ =	shalt  }
0x82: {  	_ =	shalt  }
0x83: {  	_ =	shalt  }
0x84: {  	_ =	shalt  }
0x85: {  	_ =	shalt  }
0x86: {  	_ =	shalt  }
0x87: {  	_ =	shalt  }
.Lfunc_end0:
.L_simem_size_0:
called_computation.2_lowered:
.L_overlay_start_0:
0x88: {  	s2 =	sld [smem:$0x3FD9]  }
0x89: {  	s3 =	sld [smem:$0x3FFE];
	_ =	sdelay $0x1  }
0x8a: {  	s1 =	srdreg.scid  }
0x8b: {  	s0 =	sand.u32 $0x1, s1  }
0x8c: {  	s17 =	sshll.u32 s0, $0xA;
	s2 =	sadd.s32 s3, s2  }
0x8d: {  	s2 =	sadd.s32 s2, s17  }
0x8e: {  	[smem:$0x3FC0] =	sst s2  }
0x8f: {  	_ = 	snop  }
0x90: {  	s2 =	sld [smem:$0x3FD0];
	(tm) =	ssettm $0x1  }
0x91: {  	s18 =	sld [smem:$0x3FFB];
	_ =	sdelay $0x3  }
0x92: {  	_ =	strace s18  }
0x93: {  	s3 =	sld [smem:$0x3FFC];
	_ =	sdelay $0x3  }
0x94: {  	_ =	strace s3  }
0x95: {  	s3 =	sld [smem:$0x3FFD];
	_ =	sdelay $0x3  }
0x96: {  	_ =	strace s3  }
0x97: {  	_ =	strace $0x8FFFFFFF  }
0x98: {  	s19 =	sld [smem:$0x3FDB];
	_ =	sdelay $0x1  }
0x99: {  	s4 =	simm.s32 $_scs_section_size  }
0x9a: {  	s5 =	simm.s32 $_size__tile_overlayer_lowered;
	s6 =	simm.s32 $_tile_overlayer_lowered  }
0x9b: {  	s22 =	simm.s32 $0x1BFF;
	s21 =	sshll.u32 s6, $0x1;
	s3 =	sadd.s32 s4, s19  }
0x9c: {  	s7 =	simm.s32 $0x0;
	s20 =	sshll.u32 s5, $0x1;
	s5 =	sadd.s32 s21, s3  }
0x9d: {  	[timem:s7], [sflag:s22] =	dma.local [hbm:s5], s20  }
0x9e: {  	_ =	swait.ge [sflag:s22], s20  }
0x9f: {  	s4 =	ssub.s32 $0x0, s20;
	[sflag:s22] =	ssyncset.done $0x0  }
0xa0: {  	[sflag:s22] =	ssyncadd.s32 s4;
	_ =	sdelay $0x1  }
0xa1: {  	s23 =	simm.s32 $0x1B8B  }
0xa2: {  	_ =	swait.ge [sflag:s23], $0x1  }
0xa3: {  	[sflag:s23] =	ssyncset.done $0x0  }
0xa4: {  	s25 =	simm.s32 $0x1B8E;
	s24 =	sld [smem:$0x3FFE];
	[sflag:s23] =	ssyncadd.s32 $0xFFFFFFFF  }
0xa5: {  	s26 =	simm.s32 $execute0_lowered;
	[smem:$0x3FD2] =	sst s25  }
0xa6: {  	s5 =	sshll.u32 s26, $0x1;
	_ =	strace $0x8000004C;
	[dreg:$0x1] =	wrdreg $0xFFFFFFFF  }
0xa7: {  	s28 =	simm.s32 $_size_execute0_lowered;
	s3 =	sadd.s32 s3, s5;
	[dreg:$0x0] =	wrdreg $0x0  }
0xa8: {  	s5 =	sshll.u32 s28, $0x1;
	[dreg:$0x2] =	wrdreg s3  }
0xa9: {  	[dreg:$0x3] =	wrdreg s5  }
0xaa: {  	[dreg:$0x4] =	wrdreg $0xC0  }
0xab: {  	_ =	task [dreg:s7], $0x5FFFF  }
0xac: {  	[dreg:$0x1] =	wrdreg $0xFFFFFFFF  }
0xad: {  	[dreg:$0x0] =	wrdreg $0x60  }
0xae: {  	[dreg:$0x2] =	wrdreg s24  }
0xaf: {  	[dreg:$0x3] =	wrdreg s2  }
0xb0: {  	[dreg:$0x4] =	wrdreg $0x9  }
0xb1: {  	_ =	task.clear_ibuf [dreg:s7], $0x5FFFF;
	_ =	strace $0x9000004C  }
0xb2: {  	s29 =	simm.s32 $0x9;
	_ =	strace $0x8000004E  }
0xb3: {  	_ =	swait.ge [sflag:s29], $0x1  }
0xb4: {  	[sflag:s29] =	ssyncadd.s32 $0xFFFFFFFF  }
0xb5: {  	_ =	strace $0x9000004E  }
0xb6: {  	_ =	sfence  }
0xb7: {  	s30 =	sld [smem:$0x0];
	_ =	sdelay $0x2  }
0xb8: {  	s31 =	sshll.u32 s1, $0xD;
	s1 =	sshrl.u32 s1, $0x2  }
0xb9: {  	s3 =	sand.u32 $0x4000, s31;
	s1 =	sadd.s32 s1, s30  }
0xba: {  	s0 =	sor.u32 s3, s0;
	s1 =	sshll.u32 s1, $0x11  }
0xbb: {  	s0 =	sor.u32 s1, s0  }
0xbc: {  	s0 =	sadd.s32 $0x8F2B, s0  }
0xbd: {  	[sflag:s0] =	ssyncadd.remote.s32 $0x1  }
0xbe: {  	_ =	sfence.sel $0xFFFF  }
0xbf: {  	[dreg:$0x0] =	wrdreg $0xFFFFFFFF;
	(pc) =	sbr.abs _section_cstart, $3  }
0xc0: {  	[dreg:$0x1] =	wrdreg $0xFFFFFFFF  }
0xc1: {  	_ =	task.clear_ibuf [dreg:s7], $0x2FFFF;
	_ =	strace $0x9FFFFFFF  }
0xc2: {  	(tm) =	ssettm $0x7FFFFFFF  }
0xc3: {  	_ =	shalt  }
tec
execute0_lowered:
.L_overlay_start_1:
0x0: {  	(tag) =	ssettag $0x1  }
0x1: {  	v0 =	vimm.s32 $0xFEDCBA98;
	v1 =	vimm.s32 $0xBA98FEDC;
	v2 =	vimm.s32 $0x32107654  }
0x2: {  	vm0 =	vcmask $0x1F00;
	v1 =	vunpack.c.l.s4.s8 v1;
	v2 =	vunpack.c.l.s4.s8 v2  }
0x3: {  	v4 =	vimm.s32 $0x76543210;
	v5 =	vimm.s32 $0xDCFE98BA;
	v8 =	vimm.s32 $0xE40000  }
0x4: {  	v0 =	vunpack.c.l.s4.s8 v0;
	v1 =	vunpack.c.0.s8.s32 v1;
	v2 =	vunpack.c.0.s8.s32 v2  }
0x5: {  	s0 =	srdreg.scid;
	s5 =	rddreg [dreg:$0x0];
	v6 =	vimm.s32 $0x54761032;
	v4 =	vunpack.c.l.s4.s8 v4;
	v8 =	vunpack.c.l.s2.s4 v8  }
0x6: {  	s2 =	rddreg [dreg:$0x1];
	s3 =	simm.s32 $0x0;
	s4 =	sand.u32 $0x1, s0;
	v0 =	vunpack.c.0.s8.s32 v0;
	v7 =	vcombine.low v2, v1;
	v1 =	vunpack.c.l.s4.s8 v5  }
0x7: {  	s11 =	simm.s32 $0x1400;
	s0 =	stileid.u32;
	s1 =	sshll.u32 s4, $0x4;
	v2 =	vunpack.c.l.s4.s8 v6;
	v5 =	vimm.s32 $0xEFCDAB89;
	v6 =	vimm.s32 $0x67452301  }
0x8: {  	s12 =	simm.s32 $0x2800;
	s13 =	simm.s32 $0x3C00;
	s6 =	sor.u32 s0, s1;
	v4 =	vunpack.c.0.s8.s32 v4;
	v5 =	vunpack.c.l.s4.s8 v5;
	v6 =	vunpack.c.l.s4.s8 v6  }
0x9: {  	s14 =	simm.s32 $0x5A00;
	s15 =	simm.s32 $0x5000;
	v8 =	vunpack.c.l.s4.s8 v8;
	s7 =	smul.u32 $0x1400, s6;
	v1 =	vunpack.c.0.s8.s32 v1;
	v2 =	vunpack.c.0.s8.s32 v2  }
0xa: {  	s16 =	simm.s32 $0x0;
	[smem:$0x7FF] =	sst s3;
	s6 =	smul.u32 $0x140, s6;
	v3 =	vand.u32 $0xF, v0;
	v5 =	vunpack.c.0.s8.s32 v5;
	v6 =	vunpack.c.0.s8.s32 v6  }
0xb: {  	vm1 =	vcmask $0x3F30;
	s4 =	ssub.s32 $0x2, s4;
	s1 =	rddreg [dreg:$0x2];
	_ =	strace $0x8000004D;
	v9 =	vcombine.low v2, v1;
	v1 =	vcombine.low v3, v4  }
0xc: {  	s8 =	sshrl.u32 s4, $0x1;
	s7 =	sshrl.u32 s7, $0x3;
	s9 =	sadd.s32 s6, s5;
	v4 =	vimm.s32 $0x7060504;
	v5 =	vcombine.low v6, v5;
	v6 =	vunpack.c.0.s8.s32 v8  }
0xd: {  	s10 =	ssub.s32 s4, s8;
	v0 =	vnsel vm0, $0xF, v0;
	s7 =	sadd.s32 s7, s5;
	s8 =	sadd.s32 $0x2200, s9;
	v2 =	vnsel vm0, $0xF, v3;
	v8 =	vunpack.c.0.s8.s32 v4  }
0xe: {  	s9 =	smax.u32 s10, $0x1;
	s10 =	simm.s32 $0x1;
	s4 =	sadd.s32 $0x2EC00, s7;
	vm0 =	vmmov $0xff;
	v3 =	vand.u32 $0xF, v7;
	v6 =	vand.u32 $0x3, v6  }
0xf: {  	s5 =	sadd.s32 $0x33C00, s7;
	s6 =	sadd.s32 $0x38C00, s7;
	s7 =	sadd.s32 $0x15C00, s7;
	v4 =	vand.u32 $0xF, v9;
	v5 =	vand.u32 $0xF, v5;
	v6 =	vsel vm1, v8, v6  }
.LBB2_1:
0x10: {  	[tilespmem:s3], [sflag:$0x1] =	stream.linear.gather [hbm4b:s4+s3], $0x1400, $0x38;
	[tilespmem:$0x5A10] =	vst v63  }
0x11: {  	_ =	swait.ge [sflag:s10], $0x1400  }
0x12: {  	[sflag:s10] =	ssyncset.done $0x0  }
0x13: {  	[sflag:s10] =	ssyncadd.s32 $0xFFFFEC00  }
0x14: {  	[tilespmem:s11], [sflag:$0x1] =	stream.linear.gather [hbm4b:s5+s3], $0x1400, $0x38;
	[tilespmem:$0x5A10] =	vst v63  }
0x15: {  	_ =	swait.ge [sflag:s10], $0x1400  }
0x16: {  	[sflag:s10] =	ssyncset.done $0x0  }
0x17: {  	[sflag:s10] =	ssyncadd.s32 $0xFFFFEC00  }
0x18: {  	[tilespmem:s12], [sflag:$0x1] =	stream.linear.gather [hbm4b:s6+s3], $0x1400, $0x38;
	[tilespmem:$0x5A10] =	vst v63  }
0x19: {  	_ =	swait.ge [sflag:s10], $0x1400  }
0x1a: {  	[sflag:s10] =	ssyncset.done $0x0  }
0x1b: {  	[sflag:s10] =	ssyncadd.s32 $0xFFFFEC00  }
0x1c: {  	[tilespmem:s13], [sflag:$0x1] =	stream.linear.gather [hbm4b:s7+s3], $0x1400, $0x38;
	[tilespmem:$0x5A10] =	vst v63  }
0x1d: {  	_ =	swait.ge [sflag:s10], $0x1400  }
0x1e: {  	[sflag:s10] =	ssyncset.done $0x0  }
0x1f: {  	[sflag:s10] =	ssyncadd.s32 $0xFFFFEC00  }
0x20: {  	[tilespmem:s14], [sflag:$0x1] =	stream.linear.gather [hbm4b:s2+s3], $0x10, $0x38;
	[tilespmem:$0x5A10] =	vst v63  }
0x21: {  	_ =	swait.ge [sflag:s10], $0x10  }
0x22: {  	[sflag:s10] =	ssyncset.done $0x0  }
0x23: {  	s17 =	simm.s32 $0x10;
	[sflag:s10] =	ssyncadd.s32 $0xFFFFFFF0  }
0x24: {  	v7 =	vld [tilespmem:s17+$0x2800];
	_ =	sdelay $0x1  }
0x25: {  	v8 =	vld [tilespmem:s17+$0x27F0];
	_ =	sdelay $0x2  }
0x26: {  	v7 =	vmax.f32 v7, $1.000000000e+00  }
0x27: {  	(erf) = vrcp.f32 v7  }
0x28: {  	v9 =	vld [tilespmem:s17+$0x1400];
	v8 =	vmax.f32 v8, $1.000000000e+00  }
0x29: {  	v10 =	vld [tilespmem:s17+$0xFFFFFFF0];
	(erf) = vrcp.f32 v8  }
0x2a: {  	v8 =	vld [tilespmem:s17+$0x0]  }
0x2b: {  	v11 =	vld [tilespmem:s17+$0x3C00]  }
0x2c: {  	v7 =	vld [tilespmem:s17+$0x13F0];
	_ =	sdelay $0x1  }
0x2d: {  	v12 =	vld [tilespmem:s17+$0x3BF0]  }
0x2e: {  	v8 =	vadd.f32 v9, v8  }
0x2f: {  	v9 =	vpop (erf)  }
0x30: {  	v7 =	vadd.f32 v7, v10;
	v10 =	vperm.xlane v11, v2;
	v8 =	vmul.f32 v9, v8  }
0x31: {  	v9 =	vpop (erf)  }
0x32: {  	v11 =	vperm.xlane v12, v2;
	v7 =	vmul.f32 v9, v7;
	v8 =	vadd.f32 v8, v10;
	_ =	sdelay $0x1  }
0x33: {  	v7 =	vadd.f32 v7, v11;
	v9 =	vnsel vm0, $0x0, v8  }
0x34: {  	v10 =	vperm.xlane v9, v1  }
0x35: {  	v11 =	vnsel vm0, $0x0, v7  }
0x36: {  	v60 =	vperm.xlane v11, v1;
	v9 =	vadd.f32 v9, v10;
	_ =	sdelay $0x1  }
0x37: {  	v10 =	vadd.f32 v11, v60;
	v11 =	vperm.xlane v9, v3;
	_ =	sdelay $0x1  }
0x38: {  	v12 =	vperm.xlane v10, v3;
	v9 =	vadd.f32 v9, v11;
	_ =	sdelay $0x1  }
0x39: {  	v10 =	vadd.f32 v10, v12;
	v11 =	vperm.xlane v9, v4;
	_ =	sdelay $0x1  }
0x3a: {  	v12 =	vperm.xlane v10, v4;
	v9 =	vadd.f32 v9, v11;
	_ =	sdelay $0x1  }
0x3b: {  	v10 =	vadd.f32 v10, v12;
	v11 =	vperm.xlane v9, v5;
	_ =	sdelay $0x1  }
0x3c: {  	v12 =	vperm.xlane v10, v5;
	v9 =	vadd.f32 v9, v11;
	_ =	sdelay $0x1  }
0x3d: {  	v10 =	vadd.f32 v10, v12;
	v9 =	vmul.f32 $1.250000000e-01, v9;
	_ =	sdelay $0x1  }
0x3e: {  	v10 =	vmul.f32 $1.250000000e-01, v10;
	v8 =	vsub.f32 v8, v9;
	_ =	sdelay $0x1  }
0x3f: {  	v7 =	vsub.f32 v7, v10;
	v8 =	vnsel vm0, $0x0, v8  }
0x40: {  	v9 =	vmul.f32 v8, v8  }
0x41: {  	v10 =	vnsel vm0, $0x0, v7  }
0x42: {  	v7 =	vmul.f32 v10, v10;
	v11 =	vperm.xlane v9, v1;
	_ =	sdelay $0x1  }
0x43: {  	v61 =	vperm.xlane v7, v1;
	v9 =	vadd.f32 v9, v11;
	_ =	sdelay $0x1  }
0x44: {  	v7 =	vadd.f32 v7, v61;
	v11 =	vperm.xlane v9, v3;
	_ =	sdelay $0x1  }
0x45: {  	v12 =	vperm.xlane v7, v3;
	v9 =	vadd.f32 v9, v11;
	_ =	sdelay $0x1  }
0x46: {  	v7 =	vadd.f32 v7, v12;
	v11 =	vperm.xlane v9, v4;
	_ =	sdelay $0x1  }
0x47: {  	v12 =	vperm.xlane v7, v4;
	v9 =	vadd.f32 v9, v11;
	_ =	sdelay $0x1  }
0x48: {  	v7 =	vadd.f32 v7, v12;
	v11 =	vperm.xlane v9, v5;
	_ =	sdelay $0x1  }
0x49: {  	v12 =	vperm.xlane v7, v5;
	v9 =	vadd.f32 v9, v11;
	_ =	sdelay $0x1  }
0x4a: {  	v7 =	vadd.f32 v7, v12;
	v9 =	vmul.f32 $1.250000000e-01, v9;
	_ =	sdelay $0x1  }
0x4b: {  	v7 =	vmul.f32 $1.250000000e-01, v7;
	v9 =	vadd.f32 $9.999999740e-06, v9;
	_ =	sdelay $0x1  }
0x4c: {  	v7 =	vadd.f32 $9.999999740e-06, v7;
	v11 =	vshrl.u32 v9, $0x1;
	v9 =	vmul.f32 $5.000000000e-01, v9  }
0x4d: {  	v11 =	vsub.s32 $0x5F3759DF, v11  }
0x4e: {  	v62 =	vshrl.u32 v7, $0x1;
	v7 =	vmul.f32 $5.000000000e-01, v7;
	v13 =	vmul.f32 v11, v9  }
0x4f: {  	v12 =	vsub.s32 $0x5F3759DF, v62  }
0x50: {  	v14 =	vmul.f32 v12, v7;
	v13 =	vmul.f32 v11, v13;
	_ =	sdelay $0x1  }
0x51: {  	v14 =	vmul.f32 v12, v14;
	v13 =	vsub.f32 $1.500000000e+00, v13;
	_ =	sdelay $0x1  }
0x52: {  	v14 =	vsub.f32 $1.500000000e+00, v14;
	v11 =	vmul.f32 v11, v13;
	_ =	sdelay $0x1  }
0x53: {  	v12 =	vmul.f32 v12, v14;
	v13 =	vmul.f32 v11, v9;
	_ =	sdelay $0x1  }
0x54: {  	v14 =	vmul.f32 v12, v7;
	v13 =	vmul.f32 v13, v11;
	_ =	sdelay $0x1  }
0x55: {  	v14 =	vmul.f32 v14, v12;
	v13 =	vsub.f32 $1.500000000e+00, v13;
	_ =	sdelay $0x1  }
0x56: {  	v14 =	vsub.f32 $1.500000000e+00, v14;
	v11 =	vmul.f32 v13, v11;
	_ =	sdelay $0x1  }
0x57: {  	v12 =	vmul.f32 v14, v12;
	v9 =	vmul.f32 v11, v9;
	_ =	sdelay $0x1  }
0x58: {  	v63 =	vmul.f32 v12, v7;
	v9 =	vmul.f32 v9, v11;
	_ =	sdelay $0x1  }
0x59: {  	v7 =	vld [tilespmem:$0x5A00];
	v13 =	vmul.f32 v63, v12;
	v9 =	vsub.f32 $1.500000000e+00, v9;
	_ =	sdelay $0x1  }
0x5a: {  	v13 =	vsub.f32 $1.500000000e+00, v13;
	v9 =	vmul.f32 v9, v11;
	_ =	sdelay $0x1  }
0x5b: {  	v11 =	vmul.f32 v13, v12;
	v9 =	vmul.f32 v9, v8  }
0x5c: {  	v8 =	vperm.xlane v7, v0  }
0x5d: {  	v10 =	vmul.f32 v11, v10;
	v9 =	vmul.f32 v9, v7;
	_ =	sdelay $0x1  }
0x5e: {  	v10 =	vmul.f32 v10, v7;
	v9 =	vadd.f32 v9, v8;
	_ =	sdelay $0x1  }
0x5f: {  	v10 =	vadd.f32 v10, v8;
	v9 =	vmax.f32 v9, $0.0e+00  }
0x60: {  	v9 =	vperm.xlane v9, v6  }
0x61: {  	v10 =	vmax.f32 v10, $0.0e+00  }
0x62: {  	v9 =	vsel vm0, v10, v9  }
0x63: {  	s19 =	simm.s32 $0x30;
	s18 =	simm.s32 $0x140;
	s17 =	simm.s32 $0x5000;
	[tilespmem:s15+$0x0] =	vst v9  }
.LBB2_2:
0x64: {  	p0 =	sne.s32 s18, $0x4FC0;
	v9 =	vld [tilespmem:s19+$0x2800];
	_ =	sdelay $0x1  }
0x65: {  	v10 =	vld [tilespmem:s19+$0x27F0];
	_ =	sdelay $0x2  }
0x66: {  	v9 =	vmax.f32 v9, $1.000000000e+00  }
0x67: {  	(erf) = vrcp.f32 v9  }
0x68: {  	v9 =	vld [tilespmem:s19+$0x13F0];
	v10 =	vmax.f32 v10, $1.000000000e+00  }
0x69: {  	v11 =	vld [tilespmem:s19+$0x1400];
	(erf) = vrcp.f32 v10  }
0x6a: {  	v10 =	vld [tilespmem:s19+$0x0]  }
0x6b: {  	v12 =	vld [tilespmem:s19+$0xFFFFFFF0]  }
0x6c: {  	v13 =	vld [tilespmem:s19+$0x3C00];
	_ =	sdelay $0x1  }
0x6d: {  	v14 =	vld [tilespmem:s19+$0x3BF0]  }
0x6e: {  	v10 =	vadd.f32 v11, v10  }
0x6f: {  	v11 =	vpop (erf)  }
0x70: {  	v9 =	vadd.f32 v9, v12;
	v12 =	vperm.xlane v13, v2;
	v10 =	vmul.f32 v11, v10  }
0x71: {  	v11 =	vpop (erf)  }
0x72: {  	v13 =	vperm.xlane v14, v2;
	v9 =	vmul.f32 v11, v9;
	v10 =	vadd.f32 v10, v12;
	_ =	sdelay $0x1  }
0x73: {  	v9 =	vadd.f32 v9, v13;
	v11 =	vnsel vm0, $0x0, v10  }
0x74: {  	v12 =	vperm.xlane v11, v1  }
0x75: {  	v13 =	vnsel vm0, $0x0, v9  }
0x76: {  	v14 =	vperm.xlane v13, v1;
	v11 =	vadd.f32 v11, v12;
	_ =	sdelay $0x1  }
0x77: {  	v12 =	vadd.f32 v13, v14;
	v13 =	vperm.xlane v11, v3;
	_ =	sdelay $0x1  }
0x78: {  	v14 =	vperm.xlane v12, v3;
	v11 =	vadd.f32 v11, v13;
	_ =	sdelay $0x1  }
0x79: {  	v12 =	vadd.f32 v12, v14;
	v13 =	vperm.xlane v11, v4;
	_ =	sdelay $0x1  }
0x7a: {  	v14 =	vperm.xlane v12, v4;
	v11 =	vadd.f32 v11, v13;
	_ =	sdelay $0x1  }
0x7b: {  	v12 =	vadd.f32 v12, v14;
	v13 =	vperm.xlane v11, v5;
	_ =	sdelay $0x1  }
0x7c: {  	v14 =	vperm.xlane v12, v5;
	v11 =	vadd.f32 v11, v13;
	_ =	sdelay $0x1  }
0x7d: {  	v12 =	vadd.f32 v12, v14;
	v11 =	vmul.f32 $1.250000000e-01, v11;
	_ =	sdelay $0x1  }
0x7e: {  	v12 =	vmul.f32 $1.250000000e-01, v12;
	v10 =	vsub.f32 v10, v11;
	_ =	sdelay $0x1  }
0x7f: {  	v9 =	vsub.f32 v9, v12;
	v10 =	vnsel vm0, $0x0, v10  }
0x80: {  	v11 =	vmul.f32 v10, v10  }
0x81: {  	v9 =	vnsel vm0, $0x0, v9  }
0x82: {  	v12 =	vmul.f32 v9, v9;
	v13 =	vperm.xlane v11, v1;
	_ =	sdelay $0x1  }
0x83: {  	v14 =	vperm.xlane v12, v1;
	v11 =	vadd.f32 v11, v13;
	_ =	sdelay $0x1  }
0x84: {  	v12 =	vadd.f32 v12, v14;
	v13 =	vperm.xlane v11, v3;
	_ =	sdelay $0x1  }
0x85: {  	v14 =	vperm.xlane v12, v3;
	v11 =	vadd.f32 v11, v13;
	_ =	sdelay $0x1  }
0x86: {  	v12 =	vadd.f32 v12, v14;
	v13 =	vperm.xlane v11, v4;
	_ =	sdelay $0x1  }
0x87: {  	v14 =	vperm.xlane v12, v4;
	v11 =	vadd.f32 v11, v13;
	_ =	sdelay $0x1  }
0x88: {  	v12 =	vadd.f32 v12, v14;
	v13 =	vperm.xlane v11, v5;
	_ =	sdelay $0x1  }
0x89: {  	v14 =	vperm.xlane v12, v5;
	v11 =	vadd.f32 v11, v13;
	_ =	sdelay $0x1  }
0x8a: {  	v12 =	vadd.f32 v12, v14;
	v11 =	vmul.f32 $1.250000000e-01, v11;
	_ =	sdelay $0x1  }
0x8b: {  	v12 =	vmul.f32 $1.250000000e-01, v12;
	v11 =	vadd.f32 $9.999999740e-06, v11;
	_ =	sdelay $0x1  }
0x8c: {  	v12 =	vadd.f32 $9.999999740e-06, v12;
	v13 =	vshrl.u32 v11, $0x1;
	v11 =	vmul.f32 $5.000000000e-01, v11  }
0x8d: {  	v13 =	vsub.s32 $0x5F3759DF, v13  }
0x8e: {  	v14 =	vshrl.u32 v12, $0x1;
	v12 =	vmul.f32 $5.000000000e-01, v12;
	v15 =	vmul.f32 v13, v11  }
0x8f: {  	v14 =	vsub.s32 $0x5F3759DF, v14  }
0x90: {  	v16 =	vmul.f32 v14, v12;
	v15 =	vmul.f32 v13, v15;
	_ =	sdelay $0x1  }
0x91: {  	v16 =	vmul.f32 v14, v16;
	v15 =	vsub.f32 $1.500000000e+00, v15;
	_ =	sdelay $0x1  }
0x92: {  	v16 =	vsub.f32 $1.500000000e+00, v16;
	v13 =	vmul.f32 v13, v15;
	_ =	sdelay $0x1  }
0x93: {  	v14 =	vmul.f32 v14, v16;
	v15 =	vmul.f32 v13, v11;
	_ =	sdelay $0x1  }
0x94: {  	v16 =	vmul.f32 v14, v12;
	v15 =	vmul.f32 v15, v13;
	_ =	sdelay $0x1  }
0x95: {  	v16 =	vmul.f32 v16, v14;
	v15 =	vsub.f32 $1.500000000e+00, v15;
	_ =	sdelay $0x1  }
0x96: {  	v16 =	vsub.f32 $1.500000000e+00, v16;
	v13 =	vmul.f32 v15, v13;
	_ =	sdelay $0x1  }
0x97: {  	v14 =	vmul.f32 v16, v14;
	v11 =	vmul.f32 v13, v11;
	_ =	sdelay $0x1  }
0x98: {  	v12 =	vmul.f32 v14, v12;
	v11 =	vmul.f32 v11, v13;
	_ =	sdelay $0x1  }
0x99: {  	v12 =	vmul.f32 v12, v14;
	v11 =	vsub.f32 $1.500000000e+00, v11;
	_ =	sdelay $0x1  }
0x9a: {  	v12 =	vsub.f32 $1.500000000e+00, v12;
	v11 =	vmul.f32 v11, v13;
	_ =	sdelay $0x1  }
0x9b: {  	v12 =	vmul.f32 v12, v14;
	v10 =	vmul.f32 v11, v10;
	_ =	sdelay $0x1  }
0x9c: {  	v9 =	vmul.f32 v12, v9;
	v10 =	vmul.f32 v10, v7;
	_ =	sdelay $0x1  }
0x9d: {  	v9 =	vmul.f32 v9, v7;
	v10 =	vadd.f32 v10, v8;
	_ =	sdelay $0x1  }
.Ltmp0:
0x9e: {  	v9 =	vadd.f32 v9, v8;
	v10 =	vmax.f32 v10, $0.0e+00;
	(pc) =	sbr.rel @p0 .LBB2_2-.Ltmp0, $4  }
0x9f: {  	v10 =	vperm.xlane v10, v6  }
0xa0: {  	v9 =	vmax.f32 v9, $0.0e+00  }
0xa1: {  	s17 =	sadd.s32 $0x10, s17;
	v9 =	vsel vm0, v9, v10  }
0xa2: {  	s19 =	sshra.s32 s18, $0x2;
	s18 =	sadd.s32 $0x80, s18;
	[tilespmem:s17+$0x0] =	vst v9  }
0xa3: {  	v9 =	vld [tilespmem:s19+$0x2800];
	_ =	sdelay $0x1  }
0xa4: {  	v10 =	vld [tilespmem:s19+$0x27F0];
	_ =	sdelay $0x2  }
0xa5: {  	v9 =	vmax.f32 v9, $1.000000000e+00  }
0xa6: {  	(erf) = vrcp.f32 v9  }
0xa7: {  	v46 =	vld [tilespmem:s19+$0x13F0];
	v10 =	vmax.f32 v10, $1.000000000e+00  }
0xa8: {  	v11 =	vld [tilespmem:s19+$0x1400];
	(erf) = vrcp.f32 v10  }
0xa9: {  	v47 =	vld [tilespmem:s19+$0x0]  }
0xaa: {  	v12 =	vld [tilespmem:s19+$0xFFFFFFF0]  }
0xab: {  	v13 =	vld [tilespmem:s19+$0x3C00];
	_ =	sdelay $0x1  }
0xac: {  	v14 =	vld [tilespmem:s19+$0x3BF0]  }
0xad: {  	v10 =	vadd.f32 v11, v47  }
0xae: {  	v48 =	vpop (erf)  }
0xaf: {  	v49 =	vperm.xlane v13, v2;
	v9 =	vadd.f32 v46, v12;
	v10 =	vmul.f32 v48, v10  }
0xb0: {  	v50 =	vpop (erf)  }
0xb1: {  	v51 =	vperm.xlane v14, v2;
	v9 =	vmul.f32 v50, v9;
	v10 =	vadd.f32 v10, v49;
	_ =	sdelay $0x1  }
0xb2: {  	v9 =	vadd.f32 v9, v51;
	v52 =	vnsel vm0, $0x0, v10  }
0xb3: {  	v53 =	vperm.xlane v52, v1  }
0xb4: {  	v13 =	vnsel vm0, $0x0, v9  }
0xb5: {  	v54 =	vperm.xlane v13, v1;
	v11 =	vadd.f32 v52, v53;
	_ =	sdelay $0x1  }
0xb6: {  	v55 =	vadd.f32 v13, v54;
	v56 =	vperm.xlane v11, v3;
	_ =	sdelay $0x1  }
0xb7: {  	v14 =	vperm.xlane v55, v3;
	v11 =	vadd.f32 v11, v56;
	_ =	sdelay $0x1  }
0xb8: {  	v12 =	vadd.f32 v55, v14;
	v13 =	vperm.xlane v11, v4;
	_ =	sdelay $0x1  }
0xb9: {  	v14 =	vperm.xlane v12, v4;
	v11 =	vadd.f32 v11, v13;
	_ =	sdelay $0x1  }
0xba: {  	v12 =	vadd.f32 v12, v14;
	v13 =	vperm.xlane v11, v5;
	_ =	sdelay $0x1  }
0xbb: {  	v14 =	vperm.xlane v12, v5;
	v11 =	vadd.f32 v11, v13;
	_ =	sdelay $0x1  }
0xbc: {  	v12 =	vadd.f32 v12, v14;
	v11 =	vmul.f32 $1.250000000e-01, v11;
	_ =	sdelay $0x1  }
0xbd: {  	v12 =	vmul.f32 $1.250000000e-01, v12;
	v10 =	vsub.f32 v10, v11;
	_ =	sdelay $0x1  }
0xbe: {  	v9 =	vsub.f32 v9, v12;
	v10 =	vnsel vm0, $0x0, v10  }
0xbf: {  	v57 =	vmul.f32 v10, v10  }
0xc0: {  	v9 =	vnsel vm0, $0x0, v9  }
0xc1: {  	v58 =	vmul.f32 v9, v9;
	v59 =	vperm.xlane v57, v1;
	_ =	sdelay $0x1  }
0xc2: {  	v60 =	vperm.xlane v58, v1;
	v11 =	vadd.f32 v57, v59;
	_ =	sdelay $0x1  }
0xc3: {  	v12 =	vadd.f32 v58, v60;
	v13 =	vperm.xlane v11, v3;
	_ =	sdelay $0x1  }
0xc4: {  	v14 =	vperm.xlane v12, v3;
	v11 =	vadd.f32 v11, v13;
	_ =	sdelay $0x1  }
0xc5: {  	v12 =	vadd.f32 v12, v14;
	v13 =	vperm.xlane v11, v4;
	_ =	sdelay $0x1  }
0xc6: {  	v14 =	vperm.xlane v12, v4;
	v11 =	vadd.f32 v11, v13;
	_ =	sdelay $0x1  }
0xc7: {  	v12 =	vadd.f32 v12, v14;
	v13 =	vperm.xlane v11, v5;
	_ =	sdelay $0x1  }
0xc8: {  	v14 =	vperm.xlane v12, v5;
	v11 =	vadd.f32 v11, v13;
	_ =	sdelay $0x1  }
0xc9: {  	v12 =	vadd.f32 v12, v14;
	v11 =	vmul.f32 $1.250000000e-01, v11;
	_ =	sdelay $0x1  }
0xca: {  	v12 =	vmul.f32 $1.250000000e-01, v12;
	v11 =	vadd.f32 $9.999999740e-06, v11;
	_ =	sdelay $0x1  }
0xcb: {  	v12 =	vadd.f32 $9.999999740e-06, v12;
	v61 =	vshrl.u32 v11, $0x1;
	v11 =	vmul.f32 $5.000000000e-01, v11  }
0xcc: {  	v13 =	vsub.s32 $0x5F3759DF, v61  }
0xcd: {  	v62 =	vshrl.u32 v12, $0x1;
	v12 =	vmul.f32 $5.000000000e-01, v12;
	v15 =	vmul.f32 v13, v11  }
0xce: {  	v14 =	vsub.s32 $0x5F3759DF, v62  }
0xcf: {  	v16 =	vmul.f32 v14, v12;
	v15 =	vmul.f32 v13, v15;
	_ =	sdelay $0x1  }
0xd0: {  	v16 =	vmul.f32 v14, v16;
	v15 =	vsub.f32 $1.500000000e+00, v15;
	_ =	sdelay $0x1  }
0xd1: {  	v16 =	vsub.f32 $1.500000000e+00, v16;
	v13 =	vmul.f32 v13, v15;
	_ =	sdelay $0x1  }
0xd2: {  	v14 =	vmul.f32 v14, v16;
	v15 =	vmul.f32 v13, v11;
	_ =	sdelay $0x1  }
0xd3: {  	v16 =	vmul.f32 v14, v12;
	v15 =	vmul.f32 v15, v13;
	_ =	sdelay $0x1  }
0xd4: {  	v16 =	vmul.f32 v16, v14;
	v15 =	vsub.f32 $1.500000000e+00, v15;
	_ =	sdelay $0x1  }
0xd5: {  	v16 =	vsub.f32 $1.500000000e+00, v16;
	v13 =	vmul.f32 v15, v13;
	_ =	sdelay $0x1  }
0xd6: {  	v14 =	vmul.f32 v16, v14;
	v11 =	vmul.f32 v13, v11;
	_ =	sdelay $0x1  }
0xd7: {  	v12 =	vmul.f32 v14, v12;
	v11 =	vmul.f32 v11, v13;
	_ =	sdelay $0x1  }
0xd8: {  	v12 =	vmul.f32 v12, v14;
	v11 =	vsub.f32 $1.500000000e+00, v11;
	_ =	sdelay $0x1  }
0xd9: {  	v12 =	vsub.f32 $1.500000000e+00, v12;
	v11 =	vmul.f32 v11, v13;
	_ =	sdelay $0x1  }
0xda: {  	v12 =	vmul.f32 v12, v14;
	v10 =	vmul.f32 v11, v10;
	_ =	sdelay $0x1  }
0xdb: {  	v9 =	vmul.f32 v12, v9;
	v10 =	vmul.f32 v10, v7;
	_ =	sdelay $0x1  }
0xdc: {  	v7 =	vmul.f32 v9, v7;
	v63 =	vadd.f32 v10, v8;
	_ =	sdelay $0x1  }
0xdd: {  	v7 =	vadd.f32 v7, v8;
	v8 =	vmax.f32 v63, $0.0e+00  }
0xde: {  	v8 =	vperm.xlane v8, v6  }
0xdf: {  	s16 =	sadd.s32 $0x1, s16;
	v7 =	vmax.f32 v7, $0.0e+00  }
0xe0: {  	s17 =	sadd.s32 $0x10, s17;
	p0 =	sne.s32 s16, s9;
	v7 =	vsel vm0, v7, v8  }
.Ltmp1:
0xe1: {  	[tilespmem:s17+$0x0] =	vst v7;
	(pc) =	sbr.rel @p0 .LBB2_1-.Ltmp1, $4  }
0xe2: {  	[hbm4b:s8+s3] =	stream.linear.scatter [tilespmem:s15], [sflag:$0x1], $0xA00, $0x38;
	[tilespmem:$0x5A10] =	vst v63  }
0xe3: {  	_ =	swait.ge [sflag:s10], $0xA00  }
0xe4: {  	[sflag:s10] =	ssyncset.done $0x0  }
0xe5: {  	[sflag:s10] =	ssyncadd.s32 $0xFFFFF600  }
0xe6: {  	_ =	sfence.sel $0x180000  }
0xe7: {  	[bflag:$0x0] =	sbarrier.arrive $0xFFFF  }
0xe8: {  	p0 =	sne.s32 s0, $0x0;
	_ =	strace $0x9000004D  }
0xe9: {  	s0 =	sadd.s32 @!p0 $0x100000, s1;
	[bflag:$0x2] =	sbarrier.arrive $0xFFFF  }
0xea: {  	[sflag:s0] =	ssyncadd.tile.s32 @!p0 $0x1;
	_ =	shalt  }
.Lfunc_end2:
_tile_overlayer_lowered:
.L_overlay_start_2:
0xeb: {  	(tag) =	ssettag $0x2  }
0xec: {  	s0 =	rddreg [dreg:$0x0];
	s2 =	stileid.u32  }
0xed: {  	s1 =	rddreg [dreg:$0x1];
	p0 =	sne.s32 s2, $0x0  }
0xee: {  	s3 =	rddreg [dreg:$0x2];
	[bflag:$0x3] =	sbarrier.arrive $0xFFFF;
	s2 =	simm.s32 @!p0 $0x1C01  }
0xef: {  	[timem:s3], [sflag:s2] =	dma.local @!p0 [hbm:s0], s1  }
0xf0: {  	s0 =	simm.s32 @!p0 $0x1  }
0xf1: {  	_ =	swait.ge @!p0 [sflag:s0], s1  }
0xf2: {  	s1 =	ssub.s32 @!p0 $0x0, s1;
	[sflag:s0] =	ssyncset.done @!p0 $0x0  }
0xf3: {  	[sflag:s0] =	ssyncadd.s32 @!p0 s1  }
0xf4: {  	[bflag:$0x3] =	sbarrier.arrive $0xFFFF  }
0xf5: {  	_ =	shalt  }

// kernel: kernel.6.cloned.1.call-start
scs
__scs_entry_jumppad:
0x0: {  	(pc) =	sbr.rel $0x88, $3  }
0x1: {  	(tag) =	ssettag $0x0;
	lr =	simm.s32 $0x1  }
0x2: {  	[smem:$0x3F99] =	sst lr;
	_ =	strace $0xD0000000  }
0x3: {  	_ = 	snop  }
0x4: {  	_ = 	snop  }
0x5: {  	_ = 	snop  }
0x6: {  	_ = 	snop  }
0x7: {  	_ = 	snop  }
__scs_overlays_trampoline_lowered:
0x8: {  	[smem:$0x3FA8] =	sst s0  }
0x9: {  	[smem:$0x3FA9] =	sst s1  }
0xa: {  	[smem:$0x3FAA] =	sst s2  }
0xb: {  	[smem:$0x3FAB] =	sst s3  }
0xc: {  	[smem:$0x3FAC] =	sst s4  }
0xd: {  	[smem:$0x3FAD] =	sst s5  }
0xe: {  	[smem:$0x3FAE] =	sst s6  }
0xf: {  	[smem:$0x3FAF] =	sst s7  }
0x10: {  	[smem:$0x3FB0] =	sst s8  }
0x11: {  	[smem:$0x3FB1] =	sst s9;
	s0 =	simm.s32 @!p0 $0x0  }
0x12: {  	s1 =	sld [smem:$0x3F97];
	s0 =	simm.s32 @p0 $0x1  }
0x13: {  	[smem:$0x3FB2] =	sst s0;
	s0 =	simm.s32 @!p1 $0x0  }
0x14: {  	s2 =	sld [smem:$0x3F96];
	s0 =	simm.s32 @p1 $0x1  }
0x15: {  	[smem:$0x3FB3] =	sst s0;
	s0 =	simm.s32 @!p2 $0x0  }
0x16: {  	s3 =	sld [smem:$0x3FDB];
	s0 =	simm.s32 @p2 $0x1  }
0x17: {  	s4 =	simm.s32 $0x1BF5;
	[smem:$0x3FB5] =	sst s0  }
0x18: {  	s0 =	sld [smem:$0x3F98];
	_ =	swait.ge [sflag:s4], $0x0  }
0x19: {  	s7 =	sld [smem:$0x3F99]  }
0x1a: {  	s8 =	sadd.s32 $0xFFFFE003, lr  }
0x1b: {  	s9 =	sadd.s32 $0xFFFFFEF7, lr;
	s5 =	simm.s32 $0xFFFFFFFF;
	p2 =	slt.u32 s8, $0xFFFFF086  }
0x1c: {  	p1 =	slt.u32 s9, $0xF7A;
	s5 =	simm.s32 @!p2 $0x0  }
0x1d: {  	s5 =	simm.s32 @p1 $0x1;
	p0 =	seq.s32 s7, s2  }
0x1e: {  	s7 =	smul.u32 @!p0 $0xF7A, s2;
	p2 =	seq.s32 @!p0 s5, $0x0  }
0x1f: {  	s9 =	smul.u32 $0xF7A, s1;
	s8 =	simm.s32 @!p0 $0x1BF5;
	p2 =	por !p2, p0  }
0x20: {  	[sflag:s8] =	ssyncset.s32 @!p0 $0xFFFFF086;
	s6 =	sadd.s32 @!p0 s3, s7;
	s7 =	simm.s32 @!p0 $0x108  }
0x21: {  	s3 =	sadd.s32 s3, s9;
	s6 =	sadd.s32 @!p0 $0x88, s6;
	s7 =	simm.s32 @p2 $0x1082  }
0x22: {  	[simem:s7], [sflag:s8] =	dma.local @!p0 [hbm:s6], $0xF7A  }
0x23: {  	s9 =	sor.u32 $0xD0000000, s2;
	s6 =	simm.s32 $0x108;
	_ =	swait.ge @!p0 [sflag:s8], $0x0  }
0x24: {  	s3 =	sadd.s32 $0x88, s3;
	s6 =	simm.s32 @!p1 $0x1082;
	[sflag:s4] =	ssyncset.s32 $0xFFFFF086  }
0x25: {  	[simem:s6], [sflag:s4] =	dma.local [hbm:s3], $0xF7A  }
0x26: {  	[smem:$0x3F99] =	sst s1;
	(tag) =	ssettag s2;
	_ =	strace s9  }
0x27: {  	s1 =	sld [smem:$0x3FA9]  }
0x28: {  	s2 =	sld [smem:$0x3FAA]  }
0x29: {  	s4 =	sld [smem:$0x3FAC]  }
0x2a: {  	p0 =	seq.s32 s5, $0x0;
	s5 =	sld [smem:$0x3FAD]  }
0x2b: {  	s6 =	sld [smem:$0x3FAE]  }
0x2c: {  	s7 =	sld [smem:$0x3FAF]  }
0x2d: {  	s3 =	simm.s32 $0x108;
	s8 =	sld [smem:$0x3FB0]  }
0x2e: {  	s3 =	simm.s32 @!p0 $0x1082;
	s9 =	sld [smem:$0x3FB1]  }
0x2f: {  	lr =	sadd.s32 s0, s3;
	s0 =	sld [smem:$0x3FA8]  }
0x30: {  	s3 =	sld [smem:$0x3FAB]  }
0x31: {  	[smem:$0x3FB4] =	sst s10  }
0x32: {  	s10 =	sld [smem:$0x3FB2];
	_ =	sdelay $0x3  }
0x33: {  	p0 =	seq.s32 s10, $0x1;
	s10 =	sld [smem:$0x3FB4];
	_ =	sdelay $0x3  }
0x34: {  	[smem:$0x3FB4] =	sst s10  }
0x35: {  	s10 =	sld [smem:$0x3FB3];
	_ =	sdelay $0x3  }
0x36: {  	p1 =	seq.s32 s10, $0x1;
	s10 =	sld [smem:$0x3FB4];
	_ =	sdelay $0x3  }
0x37: {  	[smem:$0x3FB4] =	sst s10  }
0x38: {  	s10 =	sld [smem:$0x3FB5]  }
0x39: {  	_ = 	snop;
	(pc) =	sbr.ind lr, $3  }
0x3a: {  	_ = 	snop  }
0x3b: {  	_ = 	snop  }
0x3c: {  	p2 =	seq.s32 s10, $0x1;
	s10 =	sld [smem:$0x3FB4]  }
0x3d: {  	_ =	shalt  }
0x3e: {  	_ =	shalt  }
0x3f: {  	_ =	shalt  }
0x40: {  	_ =	shalt  }
0x41: {  	_ =	shalt  }
0x42: {  	_ =	shalt  }
0x43: {  	_ =	shalt  }
0x44: {  	_ =	shalt  }
0x45: {  	_ =	shalt  }
0x46: {  	_ =	shalt  }
0x47: {  	_ =	shalt  }
0x48: {  	_ =	shalt  }
0x49: {  	_ =	shalt  }
0x4a: {  	_ =	shalt  }
0x4b: {  	_ =	shalt  }
0x4c: {  	_ =	shalt  }
0x4d: {  	_ =	shalt  }
0x4e: {  	_ =	shalt  }
0x4f: {  	_ =	shalt  }
0x50: {  	_ =	shalt  }
0x51: {  	_ =	shalt  }
0x52: {  	_ =	shalt  }
0x53: {  	_ =	shalt  }
0x54: {  	_ =	shalt  }
0x55: {  	_ =	shalt  }
0x56: {  	_ =	shalt  }
0x57: {  	_ =	shalt  }
0x58: {  	_ =	shalt  }
0x59: {  	_ =	shalt  }
0x5a: {  	_ =	shalt  }
0x5b: {  	_ =	shalt  }
0x5c: {  	_ =	shalt  }
0x5d: {  	_ =	shalt  }
0x5e: {  	_ =	shalt  }
0x5f: {  	_ =	shalt  }
0x60: {  	_ =	shalt  }
0x61: {  	_ =	shalt  }
0x62: {  	_ =	shalt  }
0x63: {  	_ =	shalt  }
0x64: {  	_ =	shalt  }
0x65: {  	_ =	shalt  }
0x66: {  	_ =	shalt  }
0x67: {  	_ =	shalt  }
0x68: {  	_ =	shalt  }
0x69: {  	_ =	shalt  }
0x6a: {  	_ =	shalt  }
0x6b: {  	_ =	shalt  }
0x6c: {  	_ =	shalt  }
0x6d: {  	_ =	shalt  }
0x6e: {  	_ =	shalt  }
0x6f: {  	_ =	shalt  }
0x70: {  	_ =	shalt  }
0x71: {  	_ =	shalt  }
0x72: {  	_ =	shalt  }
0x73: {  	_ =	shalt  }
0x74: {  	_ =	shalt  }
0x75: {  	_ =	shalt  }
0x76: {  	_ =	shalt  }
0x77: {  	_ =	shalt  }
0x78: {  	_ =	shalt  }
0x79: {  	_ =	shalt  }
0x7a: {  	_ =	shalt  }
0x7b: {  	_ =	shalt  }
0x7c: {  	_ =	shalt  }
0x7d: {  	_ =	shalt  }
0x7e: {  	_ =	shalt  }
0x7f: {  	_ =	shalt  }
0x80: {  	_ =	shalt  }
0x81: {  	_ =	shalt  }
0x82: {  	_ =	shalt  }
0x83: {  	_ =	shalt  }
0x84: {  	_ =	shalt  }
0x85: {  	_ =	shalt  }
0x86: {  	_ =	shalt  }
0x87: {  	_ =	shalt  }
.Lfunc_end0:
.L_simem_size_0:
called_computation_lowered:
.L_overlay_start_0:
0x88: {  	s2 =	sld [smem:$0x3FD9]  }
0x89: {  	s3 =	sld [smem:$0x3FFE];
	_ =	sdelay $0x1  }
0x8a: {  	s1 =	srdreg.scid  }
0x8b: {  	s0 =	sand.u32 $0x1, s1  }
0x8c: {  	s16 =	sshll.u32 s0, $0xA;
	s2 =	sadd.s32 s3, s2  }
0x8d: {  	s2 =	sadd.s32 s2, s16  }
0x8e: {  	[smem:$0x3FC0] =	sst s2  }
0x8f: {  	_ = 	snop  }
0x90: {  	(tm) =	ssettm $0x1  }
0x91: {  	s17 =	sld [smem:$0x3FFB];
	_ =	sdelay $0x3  }
0x92: {  	_ =	strace s17  }
0x93: {  	s2 =	sld [smem:$0x3FFC];
	_ =	sdelay $0x3  }
0x94: {  	_ =	strace s2  }
0x95: {  	s2 =	sld [smem:$0x3FFD];
	_ =	sdelay $0x3  }
0x96: {  	_ =	strace s2  }
0x97: {  	_ =	strace $0x8FFFFFFF  }
0x98: {  	s18 =	sld [smem:$0x3FDB];
	_ =	sdelay $0x1  }
0x99: {  	s19 =	simm.s32 $_scs_section_size  }
0x9a: {  	s4 =	simm.s32 $_size__tile_overlayer_lowered;
	s5 =	simm.s32 $_tile_overlayer_lowered  }
0x9b: {  	s22 =	simm.s32 $0x1BFF;
	s21 =	sshll.u32 s5, $0x1;
	s2 =	sadd.s32 s19, s18  }
0x9c: {  	s6 =	simm.s32 $0x0;
	s20 =	sshll.u32 s4, $0x1;
	s4 =	sadd.s32 s21, s2  }
0x9d: {  	[timem:s6], [sflag:s22] =	dma.local [hbm:s4], s20  }
0x9e: {  	_ =	swait.ge [sflag:s22], s20  }
0x9f: {  	s3 =	ssub.s32 $0x0, s20;
	[sflag:s22] =	ssyncset.done $0x0  }
0xa0: {  	[sflag:s22] =	ssyncadd.s32 s3;
	_ =	sdelay $0x1  }
0xa1: {  	s23 =	simm.s32 $0x1B8B  }
0xa2: {  	_ =	swait.ge [sflag:s23], $0x1  }
0xa3: {  	[sflag:s23] =	ssyncset.done $0x0  }
0xa4: {  	s25 =	simm.s32 $0x1B8E;
	s24 =	sld [smem:$0x3FFE];
	[sflag:s23] =	ssyncadd.s32 $0xFFFFFFFF  }
0xa5: {  	s26 =	simm.s32 $execute0_lowered;
	[smem:$0x3FD2] =	sst s25  }
0xa6: {  	s4 =	sshll.u32 s26, $0x1;
	_ =	strace $0x80000046;
	[dreg:$0x1] =	wrdreg $0xFFFFFFFF  }
0xa7: {  	s28 =	simm.s32 $_size_execute0_lowered;
	s2 =	sadd.s32 s2, s4;
	[dreg:$0x0] =	wrdreg $0x0  }
0xa8: {  	s4 =	sshll.u32 s28, $0x1;
	[dreg:$0x2] =	wrdreg s2  }
0xa9: {  	[dreg:$0x3] =	wrdreg s4  }
0xaa: {  	[dreg:$0x4] =	wrdreg $0xC0  }
0xab: {  	_ =	task [dreg:s6], $0x5FFFF  }
0xac: {  	[dreg:$0x1] =	wrdreg $0xFFFFFFFF  }
0xad: {  	[dreg:$0x0] =	wrdreg $0x60  }
0xae: {  	[dreg:$0x2] =	wrdreg s24  }
0xaf: {  	[dreg:$0x3] =	wrdreg $0x0  }
0xb0: {  	[dreg:$0x4] =	wrdreg $0x28000  }
0xb1: {  	[dreg:$0x5] =	wrdreg $0x9  }
0xb2: {  	_ =	task.clear_ibuf [dreg:s6], $0x6FFFF;
	_ =	strace $0x90000046  }
0xb3: {  	s29 =	simm.s32 $0x9;
	_ =	strace $0x80000048  }
0xb4: {  	_ =	swait.ge [sflag:s29], $0x1  }
0xb5: {  	[sflag:s29] =	ssyncadd.s32 $0xFFFFFFFF  }
0xb6: {  	_ =	strace $0x90000048  }
0xb7: {  	_ =	sfence  }
0xb8: {  	s30 =	sld [smem:$0x0];
	_ =	sdelay $0x2  }
0xb9: {  	s31 =	sshll.u32 s1, $0xD;
	s1 =	sshrl.u32 s1, $0x2  }
0xba: {  	s3 =	sand.u32 $0x4000, s31;
	s1 =	sadd.s32 s1, s30  }
0xbb: {  	s0 =	sor.u32 s3, s0;
	s1 =	sshll.u32 s1, $0x11  }
0xbc: {  	s0 =	sor.u32 s1, s0  }
0xbd: {  	s0 =	sadd.s32 $0x8F2B, s0  }
0xbe: {  	[sflag:s0] =	ssyncadd.remote.s32 $0x1  }
0xbf: {  	_ =	sfence.sel $0xFFFF  }
0xc0: {  	[dreg:$0x0] =	wrdreg $0xFFFFFFFF;
	(pc) =	sbr.abs _section_cstart, $3  }
0xc1: {  	[dreg:$0x1] =	wrdreg $0xFFFFFFFF  }
0xc2: {  	_ =	task.clear_ibuf [dreg:s6], $0x2FFFF;
	_ =	strace $0x9FFFFFFF  }
0xc3: {  	(tm) =	ssettm $0x7FFFFFFF  }
tec
execute0_lowered:
.L_overlay_start_1:
0x0: {  	(tag) =	ssettag $0x1  }
0x1: {  	s0 =	srdreg.scid  }
0x2: {  	s1 =	rddreg [dreg:$0x0];
	s6 =	stileid.u32  }
0x3: {  	s2 =	rddreg [dreg:$0x1];
	s28 =	simm.s32 $0x1;
	s0 =	sand.u32 $0x1, s0  }
0x4: {  	s29 =	simm.s32 $0x7D0;
	s30 =	simm.s32 $0x2;
	s3 =	sshll.u32 s0, $0x4  }
0x5: {  	s31 =	simm.s32 $0xF410;
	s10 =	simm.s32 $0x8;
	s4 =	sor.u32 s6, s3  }
0x6: {  	s11 =	simm.s32 $0xA;
	s12 =	simm.s32 $0x7;
	s5 =	smul.u32 $0x2710, s4  }
0x7: {  	s13 =	simm.s32 $0x4;
	s14 =	simm.s32 $0x9;
	s7 =	smul.u32 $0x2800, s6  }
0x8: {  	s15 =	simm.s32 $0xB;
	s16 =	smul.u32 $0x28000, s0;
	s5 =	sshrl.u32 s5, $0x3  }
0x9: {  	s3 =	rddreg [dreg:$0x2];
	s4 =	simm.s32 $0x0;
	s8 =	sadd.s32 s5, s1  }
0xa: {  	s0 =	ssub.s32 $0x2, s0;
	[smem:$0x7FF] =	sst s4;
	s17 =	sadd.s32 $0x2200, s8  }
0xb: {  	_ =	strace $0x80000047;
	s18 =	sadd.s32 $0xBE40, s8;
	[dreg:$0x4] =	wrdreg s17  }
0xc: {  	s9 =	sshrl.u32 s0, $0x1;
	s19 =	sadd.s32 $0x22FA, s8;
	[dreg:$0x5] =	wrdreg s18  }
0xd: {  	s6 =	sadd.s32 s7, s16;
	s20 =	sadd.s32 $0xBF3A, s8;
	[dreg:$0x6] =	wrdreg s19  }
0xe: {  	s0 =	ssub.s32 s0, s9;
	s21 =	sadd.s32 $0x23F4, s8;
	[dreg:$0x7] =	wrdreg s20  }
0xf: {  	s9 =	simm.s32 $0x6F40;
	s22 =	sadd.s32 $0xC034, s8;
	[dreg:$0x8] =	wrdreg s21  }
0x10: {  	s16 =	simm.s32 $0x5;
	s23 =	sadd.s32 $0x24EE, s8;
	[dreg:$0x9] =	wrdreg s22  }
0x11: {  	s6 =	sshrl.u32 s6, $0x3;
	s24 =	sadd.s32 $0xC12E, s8;
	[dreg:$0xa] =	wrdreg s23  }
0x12: {  	s5 =	sadd.s32 $0x15C00, s1;
	s25 =	sadd.s32 $0x25E8, s8;
	[dreg:$0xb] =	wrdreg s24  }
0x13: {  	s1 =	sadd.s32 s6, s1;
	s8 =	sadd.s32 $0xC228, s8;
	[dreg:$0xc] =	wrdreg s25  }
0x14: {  	s6 =	sadd.s32 s7, s2;
	s26 =	sadd.s32 $0x1AC00, s1;
	[dreg:$0xd] =	wrdreg s8  }
0x15: {  	s7 =	sadd.s32 s7, s3;
	s1 =	sadd.s32 $0x24C00, s1;
	[dreg:$0xe] =	wrdreg s26  }
0x16: {  	[dreg:$0xf] =	wrdreg s1;
	s20 =	smax.u32 s0, $0x1;
	s21 =	simm.s32 $0x7710  }
0x17: {  	s22 =	simm.s32 $0xC;
	s23 =	simm.s32 $0x5000;
	s24 =	simm.s32 $0x5FA0  }
0x18: {  	s25 =	simm.s32 $0x57D0;
	s26 =	simm.s32 $0x6770;
	s1 =	simm.s32 $0x6  }
0x19: {  	v0 =	vimm.f32 $0.0e+00;
	v1 =	vimm.f32 $1.000000000e+00;
	s0 =	simm.s32 $0x3;
	s8 =	simm.s32 $0x17110;
	s17 =	simm.s32 $0x0  }
.LBB2_1:
0x1a: {  	s18 =	simm.s32 $0x0  }
.LBB2_2:
0x1b: {  	p0 =	sne.s32 s18, $0x9FC0  }
.Ltmp0:
0x1c: {  	_ = 	snop;
	(pc) =	sbr.rel @p0 .LBB2_2-.Ltmp0, $3  }
0x1d: {  	_ =	sdelay $0x1  }
0x1e: {  	s19 =	sshra.s32 s18, $0x2  }
0x1f: {  	s18 =	sadd.s32 $0x40, s18;
	[tilespmem:s19+$0x7710] =	vst v0  }
0x20: {  	s18 =	simm.s32 $0x40;
	s19 =	simm.s32 $0x0  }
.LBB2_4:
0x21: {  	p0 =	sne.s32 s18, $0x1F3C0;
	[tilespmem:s19+$0x17110] =	vst v1;
	s19 =	smov.u32 s18;
	s18 =	sadd.s32 $0x40, s18  }
.Ltmp1:
0x22: {  	(pc) =	sbr.rel @p0 .LBB2_4-.Ltmp1, $2  }
0x23: {  	_ =	sdelay $0x2  }
0x24: {  	s19 =	sshra.s32 s19, $0x2  }
0x25: {  	[tilespmem:s19+$0x17110] =	vst v1  }
0x26: {  	[spmem:s6] =	stream.linear.scatter [tilespmem:s21], [sflag:$0xC], $0x2800, $0x38;
	[tilespmem:$0x1EE10] =	vst v63  }
0x27: {  	_ =	swait.ge [sflag:s22], $0x2800  }
0x28: {  	[sflag:s22] =	ssyncset.done $0x0  }
0x29: {  	[sflag:s22] =	ssyncadd.s32 $0xFFFFD800  }
0x2a: {  	[spmem:s7] =	stream.linear.scatter [tilespmem:s21], [sflag:$0xC], $0x2800, $0x38;
	[tilespmem:$0x1EE10] =	vst v63  }
0x2b: {  	_ =	swait.ge [sflag:s22], $0x2800  }
0x2c: {  	[sflag:s22] =	ssyncset.done $0x0  }
0x2d: {  	[sflag:s22] =	ssyncadd.s32 $0xFFFFD800  }
0x2e: {  	[bflag:$0x0] =	sbarrier.arrive $0xFFFF  }
0x2f: {  	s18 =	rddreg [dreg:$0x4]  }
0x30: {  	[tilespmem:s23], [sflag:$0x1] =	stream.linear.gather [hbm4b:s18+s4], $0x7D0, $0x38;
	[tilespmem:$0x1EE10] =	vst v63  }
0x31: {  	s19 =	rddreg [dreg:$0x5]  }
0x32: {  	[tilespmem:s24], [sflag:$0x3] =	stream.linear.gather [hbm4b:s19+s4], $0x7D0, $0x38;
	[tilespmem:$0x1EE10] =	vst v63  }
0x33: {  	s19 =	rddreg [dreg:$0x6]  }
0x34: {  	[tilespmem:s25], [sflag:$0x2] =	stream.linear.gather [hbm4b:s19+s4], $0x7D0, $0x38;
	[tilespmem:$0x1EE10] =	vst v63  }
0x35: {  	s19 =	rddreg [dreg:$0x7]  }
0x36: {  	[tilespmem:s26], [sflag:$0x4] =	stream.linear.gather [hbm4b:s19+s4], $0x7D0, $0x38;
	[tilespmem:$0x1EE10] =	vst v63  }
0x37: {  	_ =	swait.ge [sflag:s28], $0x7D0  }
0x38: {  	[sflag:s28] =	ssyncset.done $0x0  }
0x39: {  	[sflag:s28] =	ssyncadd.s32 $0xFFFFF830  }
0x3a: {  	[tilespmem:s21], [sflag:$0x6] =	stream.indirect.gather [hbm4b:s5+s29], $0x10, s23, s29, $0xb8;
	[tilespmem:$0x1EE10] =	vst v63  }
0x3b: {  	_ =	swait.ge [sflag:s30], $0x7D0  }
0x3c: {  	[sflag:s30] =	ssyncset.done $0x0  }
0x3d: {  	[sflag:s30] =	ssyncadd.s32 $0xFFFFF830  }
0x3e: {  	[tilespmem:s31], [sflag:$0x7] =	stream.indirect.gather [hbm4b:s5+s29], $0x10, s25, s29, $0xb8;
	[tilespmem:$0x1EE10] =	vst v63  }
0x3f: {  	_ =	swait.ge [sflag:s1], $0x7D00  }
0x40: {  	[sflag:s1] =	ssyncset.done $0x0  }
0x41: {  	[sflag:s1] =	ssyncadd.s32 $0xFFFF8300  }
0x42: {  	_ =	swait.ge [sflag:s0], $0x7D0  }
0x43: {  	[sflag:s0] =	ssyncset.done $0x0  }
0x44: {  	[sflag:s0] =	ssyncadd.s32 $0xFFFFF830  }
0x45: {  	[spmem:s2] =	stream.indirect.scatter.add.f32 [tilespmem:s21], [sflag:$0x8], $0x10, s24, s29, $0xb8;
	[tilespmem:$0x1EE10] =	vst v63  }
0x46: {  	_ = 	snop  }
0x47: {  	[spmem:s3] =	stream.indirect.scatter.add.f32 [tilespmem:s8], [sflag:$0xA], $0x10, s24, s29, $0xb8;
	[tilespmem:$0x1EE10] =	vst v63  }
0x48: {  	s19 =	rddreg [dreg:$0x8]  }
0x49: {  	[tilespmem:s23], [sflag:$0x1] =	stream.linear.gather [hbm4b:s19+s4], $0x7D0, $0x38;
	[tilespmem:$0x1EE10] =	vst v63  }
0x4a: {  	s19 =	rddreg [dreg:$0x9]  }
0x4b: {  	[tilespmem:s9], [sflag:$0x5] =	stream.linear.gather [hbm4b:s19+s4], $0x7D0, $0x38;
	[tilespmem:$0x1EE10] =	vst v63  }
0x4c: {  	_ =	swait.ge [sflag:s10], $0x7D00  }
0x4d: {  	[sflag:s10] =	ssyncset.done $0x0  }
0x4e: {  	[sflag:s10] =	ssyncadd.s32 $0xFFFF8300  }
0x4f: {  	_ =	swait.ge [sflag:s11], $0x7D00  }
0x50: {  	[sflag:s11] =	ssyncset.done $0x0  }
0x51: {  	[sflag:s11] =	ssyncadd.s32 $0xFFFF8300  }
0x52: {  	_ =	swait.ge [sflag:s28], $0x7D0  }
0x53: {  	[sflag:s28] =	ssyncset.done $0x0  }
0x54: {  	[sflag:s28] =	ssyncadd.s32 $0xFFFFF830  }
0x55: {  	[tilespmem:s21], [sflag:$0x6] =	stream.indirect.gather [hbm4b:s5+s29], $0x10, s23, s29, $0xb8;
	[tilespmem:$0x1EE10] =	vst v63  }
0x56: {  	_ =	swait.ge [sflag:s12], $0x7D00  }
0x57: {  	[sflag:s12] =	ssyncset.done $0x0  }
0x58: {  	[sflag:s12] =	ssyncadd.s32 $0xFFFF8300  }
0x59: {  	_ =	swait.ge [sflag:s13], $0x7D0  }
0x5a: {  	[sflag:s13] =	ssyncset.done $0x0  }
0x5b: {  	[sflag:s13] =	ssyncadd.s32 $0xFFFFF830  }
0x5c: {  	[spmem:s2] =	stream.indirect.scatter.add.f32 [tilespmem:s31], [sflag:$0x9], $0x10, s26, s29, $0xb8;
	[tilespmem:$0x1EE10] =	vst v63  }
0x5d: {  	_ = 	snop  }
0x5e: {  	[spmem:s3] =	stream.indirect.scatter.add.f32 [tilespmem:s8], [sflag:$0xB], $0x10, s26, s29, $0xb8;
	[tilespmem:$0x1EE10] =	vst v63  }
0x5f: {  	s19 =	rddreg [dreg:$0xa]  }
0x60: {  	[tilespmem:s25], [sflag:$0x2] =	stream.linear.gather [hbm4b:s19+s4], $0x7D0, $0x38;
	[tilespmem:$0x1EE10] =	vst v63  }
0x61: {  	s19 =	rddreg [dreg:$0xb]  }
0x62: {  	[tilespmem:s24], [sflag:$0x3] =	stream.linear.gather [hbm4b:s19+s4], $0x7D0, $0x38;
	[tilespmem:$0x1EE10] =	vst v63  }
0x63: {  	_ =	swait.ge [sflag:s14], $0x7D00  }
0x64: {  	[sflag:s14] =	ssyncset.done $0x0  }
0x65: {  	[sflag:s14] =	ssyncadd.s32 $0xFFFF8300  }
0x66: {  	_ =	swait.ge [sflag:s15], $0x7D00  }
0x67: {  	[sflag:s15] =	ssyncset.done $0x0  }
0x68: {  	[sflag:s15] =	ssyncadd.s32 $0xFFFF8300  }
0x69: {  	_ =	swait.ge [sflag:s30], $0x7D0  }
0x6a: {  	[sflag:s30] =	ssyncset.done $0x0  }
0x6b: {  	[sflag:s30] =	ssyncadd.s32 $0xFFFFF830  }
0x6c: {  	[tilespmem:s31], [sflag:$0x7] =	stream.indirect.gather [hbm4b:s5+s29], $0x10, s25, s29, $0xb8;
	[tilespmem:$0x1EE10] =	vst v63  }
0x6d: {  	_ =	swait.ge [sflag:s1], $0x7D00  }
0x6e: {  	[sflag:s1] =	ssyncset.done $0x0  }
0x6f: {  	[sflag:s1] =	ssyncadd.s32 $0xFFFF8300  }
0x70: {  	_ =	swait.ge [sflag:s16], $0x7D0  }
0x71: {  	[sflag:s16] =	ssyncset.done $0x0  }
0x72: {  	[sflag:s16] =	ssyncadd.s32 $0xFFFFF830  }
0x73: {  	[spmem:s2] =	stream.indirect.scatter.add.f32 [tilespmem:s21], [sflag:$0x8], $0x10, s9, s29, $0xb8;
	[tilespmem:$0x1EE10] =	vst v63  }
0x74: {  	_ = 	snop  }
0x75: {  	[spmem:s3] =	stream.indirect.scatter.add.f32 [tilespmem:s8], [sflag:$0xA], $0x10, s9, s29, $0xb8;
	[tilespmem:$0x1EE10] =	vst v63  }
0x76: {  	s19 =	rddreg [dreg:$0xc]  }
0x77: {  	[tilespmem:s23], [sflag:$0x1] =	stream.linear.gather [hbm4b:s19+s4], $0x7D0, $0x38;
	[tilespmem:$0x1EE10] =	vst v63  }
0x78: {  	s19 =	rddreg [dreg:$0xd]  }
0x79: {  	[tilespmem:s26], [sflag:$0x4] =	stream.linear.gather [hbm4b:s19+s4], $0x7D0, $0x38;
	[tilespmem:$0x1EE10] =	vst v63  }
0x7a: {  	_ =	swait.ge [sflag:s10], $0x7D00  }
0x7b: {  	[sflag:s10] =	ssyncset.done $0x0  }
0x7c: {  	[sflag:s10] =	ssyncadd.s32 $0xFFFF8300  }
0x7d: {  	_ =	swait.ge [sflag:s11], $0x7D00  }
0x7e: {  	[sflag:s11] =	ssyncset.done $0x0  }
0x7f: {  	[sflag:s11] =	ssyncadd.s32 $0xFFFF8300  }
0x80: {  	_ =	swait.ge [sflag:s28], $0x7D0  }
0x81: {  	[sflag:s28] =	ssyncset.done $0x0  }
0x82: {  	[sflag:s28] =	ssyncadd.s32 $0xFFFFF830  }
0x83: {  	[tilespmem:s21], [sflag:$0x6] =	stream.indirect.gather [hbm4b:s5+s29], $0x10, s23, s29, $0xb8;
	[tilespmem:$0x1EE10] =	vst v63  }
0x84: {  	_ =	swait.ge [sflag:s12], $0x7D00  }
0x85: {  	[sflag:s12] =	ssyncset.done $0x0  }
0x86: {  	[sflag:s12] =	ssyncadd.s32 $0xFFFF8300  }
0x87: {  	_ =	swait.ge [sflag:s0], $0x7D0  }
0x88: {  	[sflag:s0] =	ssyncset.done $0x0  }
0x89: {  	[sflag:s0] =	ssyncadd.s32 $0xFFFFF830  }
0x8a: {  	[spmem:s2] =	stream.indirect.scatter.add.f32 [tilespmem:s31], [sflag:$0x9], $0x10, s24, s29, $0xb8;
	[tilespmem:$0x1EE10] =	vst v63  }
0x8b: {  	_ = 	snop  }
0x8c: {  	[spmem:s3] =	stream.indirect.scatter.add.f32 [tilespmem:s8], [sflag:$0xB], $0x10, s24, s29, $0xb8;
	[tilespmem:$0x1EE10] =	vst v63  }
0x8d: {  	_ =	swait.ge [sflag:s1], $0x7D00  }
0x8e: {  	[sflag:s1] =	ssyncset.done $0x0  }
0x8f: {  	[sflag:s1] =	ssyncadd.s32 $0xFFFF8300  }
0x90: {  	_ =	swait.ge [sflag:s13], $0x7D0  }
0x91: {  	[sflag:s13] =	ssyncset.done $0x0  }
0x92: {  	[sflag:s13] =	ssyncadd.s32 $0xFFFFF830  }
0x93: {  	[spmem:s2] =	stream.indirect.scatter.add.f32 [tilespmem:s21], [sflag:$0x8], $0x10, s26, s29, $0xb8;
	[tilespmem:$0x1EE10] =	vst v63  }
0x94: {  	_ = 	snop  }
0x95: {  	[spmem:s3] =	stream.indirect.scatter.add.f32 [tilespmem:s8], [sflag:$0xA], $0x10, s26, s29, $0xb8;
	[tilespmem:$0x1EE10] =	vst v63  }
0x96: {  	_ =	swait.ge [sflag:s14], $0x7D00  }
0x97: {  	[sflag:s14] =	ssyncset.done $0x0  }
0x98: {  	[sflag:s14] =	ssyncadd.s32 $0xFFFF8300  }
0x99: {  	_ =	swait.ge [sflag:s15], $0x7D00  }
0x9a: {  	[sflag:s15] =	ssyncset.done $0x0  }
0x9b: {  	[sflag:s15] =	ssyncadd.s32 $0xFFFF8300  }
0x9c: {  	_ =	swait.ge [sflag:s10], $0x7D00  }
0x9d: {  	[sflag:s10] =	ssyncset.done $0x0  }
0x9e: {  	[sflag:s10] =	ssyncadd.s32 $0xFFFF8300  }
0x9f: {  	_ =	swait.ge [sflag:s11], $0x7D00  }
0xa0: {  	[sflag:s11] =	ssyncset.done $0x0  }
0xa1: {  	[sflag:s11] =	ssyncadd.s32 $0xFFFF8300  }
0xa2: {  	[bflag:$0x0] =	sbarrier.arrive $0xFFFF  }
0xa3: {  	[tilespmem:s21], [sflag:$0xC] =	stream.linear.gather [spmem:s6], $0x2800, $0x38;
	[tilespmem:$0x1EE10] =	vst v63  }
0xa4: {  	_ =	swait.ge [sflag:s22], $0x2800  }
0xa5: {  	[sflag:s22] =	ssyncset.done $0x0  }
0xa6: {  	s19 =	rddreg [dreg:$0xe];
	[sflag:s22] =	ssyncadd.s32 $0xFFFFD800  }
0xa7: {  	[hbm4b:s19+s4] =	stream.linear.scatter [tilespmem:s21], [sflag:$0xC], $0x2800, $0x38;
	[tilespmem:$0x1EE10] =	vst v63  }
0xa8: {  	_ =	swait.ge [sflag:s22], $0x2800  }
0xa9: {  	[sflag:s22] =	ssyncset.done $0x0  }
0xaa: {  	[sflag:s22] =	ssyncadd.s32 $0xFFFFD800  }
0xab: {  	[tilespmem:s21], [sflag:$0xC] =	stream.linear.gather [spmem:s7], $0x2800, $0x38;
	[tilespmem:$0x1EE10] =	vst v63  }
0xac: {  	s17 =	sadd.s32 $0x1, s17;
	_ =	swait.ge [sflag:s22], $0x2800  }
0xad: {  	p0 =	sne.s32 s17, s20;
	[sflag:s22] =	ssyncset.done $0x0  }
.Ltmp2:
0xae: {  	s19 =	rddreg [dreg:$0xf];
	[sflag:s22] =	ssyncadd.s32 $0xFFFFD800;
	(pc) =	sbr.rel @p0 .LBB2_1-.Ltmp2, $4  }
0xaf: {  	[hbm4b:s19+s4] =	stream.linear.scatter [tilespmem:s21], [sflag:$0xC], $0x2800, $0x38;
	[tilespmem:$0x1EE10] =	vst v63  }
0xb0: {  	_ =	swait.ge [sflag:s22], $0x2800  }
0xb1: {  	[sflag:s22] =	ssyncset.done $0x0  }
0xb2: {  	[sflag:s22] =	ssyncadd.s32 $0xFFFFD800  }
0xb3: {  	_ =	sfence.sel $0x180000  }
0xb4: {  	[bflag:$0x0] =	sbarrier.arrive $0xFFFF  }
0xb5: {  	_ =	strace $0x90000047  }
0xb6: {  	s0 =	stileid.u32;
	[bflag:$0x2] =	sbarrier.arrive $0xFFFF  }
0xb7: {  	p0 =	sne.s32 s0, $0x0;
	s0 =	rddreg [dreg:$0x3]  }
0xb8: {  	s0 =	sadd.s32 @!p0 $0x100000, s0  }
0xb9: {  	[sflag:s0] =	ssyncadd.tile.s32 @!p0 $0x1;
	_ =	shalt  }
.Lfunc_end2:
_tile_overlayer_lowered:
.L_overlay_start_2:
0xba: {  	(tag) =	ssettag $0x2  }
0xbb: {  	s0 =	rddreg [dreg:$0x0];
	s2 =	stileid.u32  }
0xbc: {  	s1 =	rddreg [dreg:$0x1];
	p0 =	sne.s32 s2, $0x0  }
0xbd: {  	s3 =	rddreg [dreg:$0x2];
	[bflag:$0x3] =	sbarrier.arrive $0xFFFF;
	s2 =	simm.s32 @!p0 $0x1C0C  }
0xbe: {  	[timem:s3], [sflag:s2] =	dma.local @!p0 [hbm:s0], s1  }
0xbf: {  	s0 =	simm.s32 @!p0 $0xC  }
0xc0: {  	_ =	swait.ge @!p0 [sflag:s0], s1  }
0xc1: {  	s1 =	ssub.s32 @!p0 $0x0, s1;
	[sflag:s0] =	ssyncset.done @!p0 $0x0  }
0xc2: {  	[sflag:s0] =	ssyncadd.s32 @!p0 s1  }
0xc3: {  	[bflag:$0x3] =	sbarrier.arrive $0xFFFF  }
0xc4: {  	_ =	shalt  }

// kernel: kernel.9.cloned.1.call-start
scs
__scs_entry_jumppad:
0x0: {  	(pc) =	sbr.rel $0x88, $3  }
0x1: {  	(tag) =	ssettag $0x0;
	lr =	simm.s32 $0x1  }
0x2: {  	[smem:$0x3F99] =	sst lr;
	_ =	strace $0xD0000000  }
0x3: {  	_ = 	snop  }
0x4: {  	_ = 	snop  }
0x5: {  	_ = 	snop  }
0x6: {  	_ = 	snop  }
0x7: {  	_ = 	snop  }
__scs_overlays_trampoline_lowered:
0x8: {  	[smem:$0x3FA8] =	sst s0  }
0x9: {  	[smem:$0x3FA9] =	sst s1  }
0xa: {  	[smem:$0x3FAA] =	sst s2  }
0xb: {  	[smem:$0x3FAB] =	sst s3  }
0xc: {  	[smem:$0x3FAC] =	sst s4  }
0xd: {  	[smem:$0x3FAD] =	sst s5  }
0xe: {  	[smem:$0x3FAE] =	sst s6  }
0xf: {  	[smem:$0x3FAF] =	sst s7  }
0x10: {  	[smem:$0x3FB0] =	sst s8  }
0x11: {  	[smem:$0x3FB1] =	sst s9;
	s0 =	simm.s32 @!p0 $0x0  }
0x12: {  	s1 =	sld [smem:$0x3F97];
	s0 =	simm.s32 @p0 $0x1  }
0x13: {  	[smem:$0x3FB2] =	sst s0;
	s0 =	simm.s32 @!p1 $0x0  }
0x14: {  	s2 =	sld [smem:$0x3F96];
	s0 =	simm.s32 @p1 $0x1  }
0x15: {  	[smem:$0x3FB3] =	sst s0;
	s0 =	simm.s32 @!p2 $0x0  }
0x16: {  	s3 =	sld [smem:$0x3FDB];
	s0 =	simm.s32 @p2 $0x1  }
0x17: {  	s4 =	simm.s32 $0x1BF5;
	[smem:$0x3FB5] =	sst s0  }
0x18: {  	s0 =	sld [smem:$0x3F98];
	_ =	swait.ge [sflag:s4], $0x0  }
0x19: {  	s7 =	sld [smem:$0x3F99]  }
0x1a: {  	s8 =	sadd.s32 $0xFFFFE003, lr  }
0x1b: {  	s9 =	sadd.s32 $0xFFFFFEF7, lr;
	s5 =	simm.s32 $0xFFFFFFFF;
	p2 =	slt.u32 s8, $0xFFFFF086  }
0x1c: {  	p1 =	slt.u32 s9, $0xF7A;
	s5 =	simm.s32 @!p2 $0x0  }
0x1d: {  	s5 =	simm.s32 @p1 $0x1;
	p0 =	seq.s32 s7, s2  }
0x1e: {  	s7 =	smul.u32 @!p0 $0xF7A, s2;
	p2 =	seq.s32 @!p0 s5, $0x0  }
0x1f: {  	s9 =	smul.u32 $0xF7A, s1;
	s8 =	simm.s32 @!p0 $0x1BF5;
	p2 =	por !p2, p0  }
0x20: {  	[sflag:s8] =	ssyncset.s32 @!p0 $0xFFFFF086;
	s6 =	sadd.s32 @!p0 s3, s7;
	s7 =	simm.s32 @!p0 $0x108  }
0x21: {  	s3 =	sadd.s32 s3, s9;
	s6 =	sadd.s32 @!p0 $0x88, s6;
	s7 =	simm.s32 @p2 $0x1082  }
0x22: {  	[simem:s7], [sflag:s8] =	dma.local @!p0 [hbm:s6], $0xF7A  }
0x23: {  	s9 =	sor.u32 $0xD0000000, s2;
	s6 =	simm.s32 $0x108;
	_ =	swait.ge @!p0 [sflag:s8], $0x0  }
0x24: {  	s3 =	sadd.s32 $0x88, s3;
	s6 =	simm.s32 @!p1 $0x1082;
	[sflag:s4] =	ssyncset.s32 $0xFFFFF086  }
0x25: {  	[simem:s6], [sflag:s4] =	dma.local [hbm:s3], $0xF7A  }
0x26: {  	[smem:$0x3F99] =	sst s1;
	(tag) =	ssettag s2;
	_ =	strace s9  }
0x27: {  	s1 =	sld [smem:$0x3FA9]  }
0x28: {  	s2 =	sld [smem:$0x3FAA]  }
0x29: {  	s4 =	sld [smem:$0x3FAC]  }
0x2a: {  	p0 =	seq.s32 s5, $0x0;
	s5 =	sld [smem:$0x3FAD]  }
0x2b: {  	s6 =	sld [smem:$0x3FAE]  }
0x2c: {  	s7 =	sld [smem:$0x3FAF]  }
0x2d: {  	s3 =	simm.s32 $0x108;
	s8 =	sld [smem:$0x3FB0]  }
0x2e: {  	s3 =	simm.s32 @!p0 $0x1082;
	s9 =	sld [smem:$0x3FB1]  }
0x2f: {  	lr =	sadd.s32 s0, s3;
	s0 =	sld [smem:$0x3FA8]  }
0x30: {  	s3 =	sld [smem:$0x3FAB]  }
0x31: {  	[smem:$0x3FB4] =	sst s10  }
0x32: {  	s10 =	sld [smem:$0x3FB2];
	_ =	sdelay $0x3  }
0x33: {  	p0 =	seq.s32 s10, $0x1;
	s10 =	sld [smem:$0x3FB4];
	_ =	sdelay $0x3  }
0x34: {  	[smem:$0x3FB4] =	sst s10  }
0x35: {  	s10 =	sld [smem:$0x3FB3];
	_ =	sdelay $0x3  }
0x36: {  	p1 =	seq.s32 s10, $0x1;
	s10 =	sld [smem:$0x3FB4];
	_ =	sdelay $0x3  }
0x37: {  	[smem:$0x3FB4] =	sst s10  }
0x38: {  	s10 =	sld [smem:$0x3FB5]  }
0x39: {  	_ = 	snop;
	(pc) =	sbr.ind lr, $3  }
0x3a: {  	_ = 	snop  }
0x3b: {  	_ = 	snop  }
0x3c: {  	p2 =	seq.s32 s10, $0x1;
	s10 =	sld [smem:$0x3FB4]  }
0x3d: {  	_ =	shalt  }
0x3e: {  	_ =	shalt  }
0x3f: {  	_ =	shalt  }
0x40: {  	_ =	shalt  }
0x41: {  	_ =	shalt  }
0x42: {  	_ =	shalt  }
0x43: {  	_ =	shalt  }
0x44: {  	_ =	shalt  }
0x45: {  	_ =	shalt  }
0x46: {  	_ =	shalt  }
0x47: {  	_ =	shalt  }
0x48: {  	_ =	shalt  }
0x49: {  	_ =	shalt  }
0x4a: {  	_ =	shalt  }
0x4b: {  	_ =	shalt  }
0x4c: {  	_ =	shalt  }
0x4d: {  	_ =	shalt  }
0x4e: {  	_ =	shalt  }
0x4f: {  	_ =	shalt  }
0x50: {  	_ =	shalt  }
0x51: {  	_ =	shalt  }
0x52: {  	_ =	shalt  }
0x53: {  	_ =	shalt  }
0x54: {  	_ =	shalt  }
0x55: {  	_ =	shalt  }
0x56: {  	_ =	shalt  }
0x57: {  	_ =	shalt  }
0x58: {  	_ =	shalt  }
0x59: {  	_ =	shalt  }
0x5a: {  	_ =	shalt  }
0x5b: {  	_ =	shalt  }
0x5c: {  	_ =	shalt  }
0x5d: {  	_ =	shalt  }
0x5e: {  	_ =	shalt  }
0x5f: {  	_ =	shalt  }
0x60: {  	_ =	shalt  }
0x61: {  	_ =	shalt  }
0x62: {  	_ =	shalt  }
0x63: {  	_ =	shalt  }
0x64: {  	_ =	shalt  }
0x65: {  	_ =	shalt  }
0x66: {  	_ =	shalt  }
0x67: {  	_ =	shalt  }
0x68: {  	_ =	shalt  }
0x69: {  	_ =	shalt  }
0x6a: {  	_ =	shalt  }
0x6b: {  	_ =	shalt  }
0x6c: {  	_ =	shalt  }
0x6d: {  	_ =	shalt  }
0x6e: {  	_ =	shalt  }
0x6f: {  	_ =	shalt  }
0x70: {  	_ =	shalt  }
0x71: {  	_ =	shalt  }
0x72: {  	_ =	shalt  }
0x73: {  	_ =	shalt  }
0x74: {  	_ =	shalt  }
0x75: {  	_ =	shalt  }
0x76: {  	_ =	shalt  }
0x77: {  	_ =	shalt  }
0x78: {  	_ =	shalt  }
0x79: {  	_ =	shalt  }
0x7a: {  	_ =	shalt  }
0x7b: {  	_ =	shalt  }
0x7c: {  	_ =	shalt  }
0x7d: {  	_ =	shalt  }
0x7e: {  	_ =	shalt  }
0x7f: {  	_ =	shalt  }
0x80: {  	_ =	shalt  }
0x81: {  	_ =	shalt  }
0x82: {  	_ =	shalt  }
0x83: {  	_ =	shalt  }
0x84: {  	_ =	shalt  }
0x85: {  	_ =	shalt  }
0x86: {  	_ =	shalt  }
0x87: {  	_ =	shalt  }
.Lfunc_end0:
.L_simem_size_0:
called_computation.1_lowered:
.L_overlay_start_0:
0x88: {  	s2 =	sld [smem:$0x3FD9]  }
0x89: {  	s3 =	sld [smem:$0x3FFE];
	_ =	sdelay $0x1  }
0x8a: {  	s1 =	srdreg.scid  }
0x8b: {  	s0 =	sand.u32 $0x1, s1  }
0x8c: {  	s16 =	sshll.u32 s0, $0xA;
	s2 =	sadd.s32 s3, s2  }
0x8d: {  	s2 =	sadd.s32 s2, s16  }
0x8e: {  	[smem:$0x3FC0] =	sst s2  }
0x8f: {  	_ = 	snop  }
0x90: {  	(tm) =	ssettm $0x1  }
0x91: {  	s17 =	sld [smem:$0x3FFB];
	_ =	sdelay $0x3  }
0x92: {  	_ =	strace s17  }
0x93: {  	s2 =	sld [smem:$0x3FFC];
	_ =	sdelay $0x3  }
0x94: {  	_ =	strace s2  }
0x95: {  	s2 =	sld [smem:$0x3FFD];
	_ =	sdelay $0x3  }
0x96: {  	_ =	strace s2  }
0x97: {  	_ =	strace $0x8FFFFFFF  }
0x98: {  	s18 =	sld [smem:$0x3FDB];
	_ =	sdelay $0x1  }
0x99: {  	s19 =	simm.s32 $_scs_section_size  }
0x9a: {  	s4 =	simm.s32 $_size__tile_overlayer_lowered;
	s5 =	simm.s32 $_tile_overlayer_lowered  }
0x9b: {  	s22 =	simm.s32 $0x1BFF;
	s21 =	sshll.u32 s5, $0x1;
	s2 =	sadd.s32 s19, s18  }
0x9c: {  	s6 =	simm.s32 $0x0;
	s20 =	sshll.u32 s4, $0x1;
	s4 =	sadd.s32 s21, s2  }
0x9d: {  	[timem:s6], [sflag:s22] =	dma.local [hbm:s4], s20  }
0x9e: {  	_ =	swait.ge [sflag:s22], s20  }
0x9f: {  	s3 =	ssub.s32 $0x0, s20;
	[sflag:s22] =	ssyncset.done $0x0  }
0xa0: {  	[sflag:s22] =	ssyncadd.s32 s3;
	_ =	sdelay $0x1  }
0xa1: {  	s23 =	simm.s32 $0x1B8B  }
0xa2: {  	_ =	swait.ge [sflag:s23], $0x1  }
0xa3: {  	[sflag:s23] =	ssyncset.done $0x0  }
0xa4: {  	s25 =	simm.s32 $0x1B8E;
	s24 =	sld [smem:$0x3FFE];
	[sflag:s23] =	ssyncadd.s32 $0xFFFFFFFF  }
0xa5: {  	s26 =	simm.s32 $execute0_lowered;
	[smem:$0x3FD2] =	sst s25  }
0xa6: {  	s4 =	sshll.u32 s26, $0x1;
	_ =	strace $0x80000049;
	[dreg:$0x1] =	wrdreg $0xFFFFFFFF  }
0xa7: {  	s28 =	simm.s32 $_size_execute0_lowered;
	s2 =	sadd.s32 s2, s4;
	[dreg:$0x0] =	wrdreg $0x0  }
0xa8: {  	s4 =	sshll.u32 s28, $0x1;
	[dreg:$0x2] =	wrdreg s2  }
0xa9: {  	[dreg:$0x3] =	wrdreg s4  }
0xaa: {  	[dreg:$0x4] =	wrdreg $0xC0  }
0xab: {  	_ =	task [dreg:s6], $0x5FFFF  }
0xac: {  	[dreg:$0x1] =	wrdreg $0xFFFFFFFF  }
0xad: {  	[dreg:$0x0] =	wrdreg $0x60  }
0xae: {  	[dreg:$0x2] =	wrdreg s24  }
0xaf: {  	[dreg:$0x3] =	wrdreg $0x0  }
0xb0: {  	[dreg:$0x4] =	wrdreg $0x28000  }
0xb1: {  	[dreg:$0x5] =	wrdreg $0x9  }
0xb2: {  	_ =	task.clear_ibuf [dreg:s6], $0x6FFFF;
	_ =	strace $0x90000049  }
0xb3: {  	s29 =	simm.s32 $0x9;
	_ =	strace $0x8000004B  }
0xb4: {  	_ =	swait.ge [sflag:s29], $0x1  }
0xb5: {  	[sflag:s29] =	ssyncadd.s32 $0xFFFFFFFF  }
0xb6: {  	_ =	strace $0x9000004B  }
0xb7: {  	_ =	sfence  }
0xb8: {  	s30 =	sld [smem:$0x0];
	_ =	sdelay $0x2  }
0xb9: {  	s31 =	sshll.u32 s1, $0xD;
	s1 =	sshrl.u32 s1, $0x2  }
0xba: {  	s3 =	sand.u32 $0x4000, s31;
	s1 =	sadd.s32 s1, s30  }
0xbb: {  	s0 =	sor.u32 s3, s0;
	s1 =	sshll.u32 s1, $0x11  }
0xbc: {  	s0 =	sor.u32 s1, s0  }
0xbd: {  	s0 =	sadd.s32 $0x8F2B, s0  }
0xbe: {  	[sflag:s0] =	ssyncadd.remote.s32 $0x1  }
0xbf: {  	_ =	sfence.sel $0xFFFF  }
0xc0: {  	[dreg:$0x0] =	wrdreg $0xFFFFFFFF;
	(pc) =	sbr.abs _section_cstart, $3  }
0xc1: {  	[dreg:$0x1] =	wrdreg $0xFFFFFFFF  }
0xc2: {  	_ =	task.clear_ibuf [dreg:s6], $0x2FFFF;
	_ =	strace $0x9FFFFFFF  }
0xc3: {  	(tm) =	ssettm $0x7FFFFFFF  }
tec
execute0_lowered:
.L_overlay_start_1:
0x0: {  	(tag) =	ssettag $0x1  }
0x1: {  	s0 =	srdreg.scid;
	s1 =	rddreg [dreg:$0x0]  }
0x2: {  	s6 =	stileid.u32;
	s2 =	rddreg [dreg:$0x1];
	s29 =	simm.s32 $0xF410  }
0x3: {  	s31 =	simm.s32 $0x5000;
	s28 =	simm.s32 $0x6770;
	s0 =	sand.u32 $0x1, s0  }
0x4: {  	s30 =	simm.s32 $0x1;
	s3 =	sshll.u32 s0, $0x4;
	s7 =	smul.u32 $0x28000, s0  }
0x5: {  	s8 =	sadd.s32 $0x1AC00, s1;
	s4 =	sor.u32 s6, s3;
	s6 =	smul.u32 $0x2800, s6  }
0x6: {  	s3 =	rddreg [dreg:$0x2];
	s5 =	smul.u32 $0x2710, s4;
	s4 =	simm.s32 $0x0  }
0x7: {  	s9 =	sadd.s32 $0x24C00, s1;
	s10 =	ssub.s32 $0x2, s0;
	[smem:$0x7FF] =	sst s4  }
0x8: {  	s7 =	sadd.s32 s6, s7;
	s11 =	sshrl.u32 s6, $0x3;
	s16 =	sadd.s32 s6, s2  }
0x9: {  	_ =	strace $0x8000004A;
	s5 =	sshrl.u32 s5, $0x3;
	s7 =	sshrl.u32 s7, $0x3  }
0xa: {  	s26 =	sadd.s32 $0x5000, s11;
	s13 =	sadd.s32 s8, s11;
	[dreg:$0x8] =	wrdreg s16  }
0xb: {  	s14 =	sadd.s32 s9, s11;
	s5 =	sadd.s32 s5, s1;
	[dreg:$0x4] =	wrdreg s13  }
0xc: {  	s7 =	sadd.s32 s7, s1;
	s8 =	sadd.s32 s8, s26;
	[dreg:$0x6] =	wrdreg s14  }
0xd: {  	s1 =	sadd.s32 s11, s1;
	s15 =	sadd.s32 s9, s26;
	[dreg:$0x5] =	wrdreg s8  }
0xe: {  	p0 =	sne.s32 s0, $0x0;
	[dreg:$0x7] =	wrdreg s15;
	s17 =	sadd.s32 $0x15C00, s1  }
0xf: {  	s0 =	simm.s32 $0x57D0;
	s1 =	sadd.s32 $0x38C00, s1;
	[dreg:$0x9] =	wrdreg s17  }
0x10: {  	s12 =	sshrl.u32 s10, $0x1;
	s18 =	sadd.s32 $0x2200, s5;
	[dreg:$0xa] =	wrdreg s1  }
0x11: {  	s12 =	ssub.s32 s10, s12;
	s19 =	sadd.s32 $0xBE40, s5;
	[dreg:$0xb] =	wrdreg s18  }
0x12: {  	s10 =	sadd.s32 s6, s3;
	s20 =	sadd.s32 $0x22FA, s5;
	[dreg:$0xc] =	wrdreg s19  }
0x13: {  	s6 =	simm.s32 $0x2;
	s21 =	sadd.s32 $0xBF3A, s5;
	[dreg:$0xd] =	wrdreg s20  }
0x14: {  	s16 =	simm.s32 $0x0;
	s22 =	sadd.s32 $0x23F4, s5;
	[dreg:$0xe] =	wrdreg s21  }
0x15: {  	s9 =	simm.s32 $0x6F40;
	s23 =	sadd.s32 $0xC034, s5;
	[dreg:$0xf] =	wrdreg s22  }
0x16: {  	s11 =	simm.s32 $0x8;
	s24 =	sadd.s32 $0x24EE, s5;
	[dreg:$0x10] =	wrdreg s23  }
0x17: {  	s13 =	simm.s32 $0x4;
	s25 =	sadd.s32 $0xC12E, s5;
	[dreg:$0x11] =	wrdreg s24  }
0x18: {  	s14 =	simm.s32 $0x9;
	s26 =	sadd.s32 $0x25E8, s5;
	[dreg:$0x12] =	wrdreg s25  }
0x19: {  	s8 =	simm.s32 $0x3;
	s15 =	simm.s32 $0x5;
	[dreg:$0x13] =	wrdreg s26  }
0x1a: {  	s22 =	sadd.s32 $0xC228, s5;
	s23 =	sadd.s32 $0x2EC00, s7;
	s24 =	smax.u32 s12, $0x1  }
0x1b: {  	s25 =	simm.s32 $0x7710;
	s26 =	simm.s32 $0xA;
	s1 =	simm.s32 $0x5FA0  }
0x1c: {  	v0 =	vimm.f32 $0.0e+00;
	s5 =	simm.s32 $0x7D0;
	s7 =	simm.s32 $0x6;
	s12 =	simm.s32 $0x7  }
.LBB2_1:
0x1d: {  	s17 =	rddreg [dreg:$0x4]  }
0x1e: {  	[tilespmem:s25], [sflag:$0xA] =	stream.linear.gather [hbm4b:s17+s4], $0x2800, $0x38;
	[tilespmem:$0x17110] =	vst v63  }
0x1f: {  	_ =	swait.ge [sflag:s26], $0x2800  }
0x20: {  	[sflag:s26] =	ssyncset.done $0x0  }
0x21: {  	s18 =	simm.s32 $0x9F10;
	s21 =	rddreg [dreg:$0x5];
	[sflag:s26] =	ssyncadd.s32 $0xFFFFD800  }
0x22: {  	[tilespmem:s18], [sflag:$0xA] =	stream.linear.gather [hbm4b:s21+s4], $0x2800, $0x38;
	[tilespmem:$0x17110] =	vst v63  }
0x23: {  	_ =	swait.ge [sflag:s26], $0x2800  }
0x24: {  	[sflag:s26] =	ssyncset.done $0x0  }
0x25: {  	s19 =	rddreg [dreg:$0x6];
	[sflag:s26] =	ssyncadd.s32 $0xFFFFD800  }
0x26: {  	[tilespmem:s29], [sflag:$0xA] =	stream.linear.gather [hbm4b:s19+s4], $0x2800, $0x38;
	[tilespmem:$0x17110] =	vst v63  }
0x27: {  	_ =	swait.ge [sflag:s26], $0x2800  }
0x28: {  	[sflag:s26] =	ssyncset.done $0x0  }
0x29: {  	s21 =	simm.s32 $0x11C10;
	s20 =	rddreg [dreg:$0x7];
	[sflag:s26] =	ssyncadd.s32 $0xFFFFD800  }
0x2a: {  	[tilespmem:s21], [sflag:$0xA] =	stream.linear.gather [hbm4b:s20+s4], $0x2800, $0x38;
	[tilespmem:$0x17110] =	vst v63  }
0x2b: {  	_ =	swait.ge [sflag:s26], $0x2800  }
0x2c: {  	[sflag:s26] =	ssyncset.done $0x0  }
0x2d: {  	s18 =	simm.s32 $0x0;
	[sflag:s26] =	ssyncadd.s32 $0xFFFFD800  }
0x2e: {  	v1 =	vld [tilespmem:s18+$0xF410]  }
0x2f: {  	v2 =	vld [tilespmem:s18+$0x11C10];
	_ =	sdelay $0x4  }
0x30: {  	v2 =	vadd.f32 v2, v1;
	_ =	sdelay $0x1  }
0x31: {  	v1 =	vmax.f32 v2, $1.000000000e+00  }
0x32: {  	s17 =	simm.s32 $0x10;
	[tilespmem:s18+$0xF410] =	vst v0;
	v3 =	vld [tilespmem:s18+$0x9F10];
	(erf) = vrcp.f32 v1  }
0x33: {  	v4 =	vld [tilespmem:s17+$0x11C10]  }
0x34: {  	v1 =	vld [tilespmem:s17+$0xF410];
	[tilespmem:s17+$0xF410] =	vst v0  }
0x35: {  	v5 =	vld [tilespmem:s18+$0x7710];
	_ =	sdelay $0x3  }
0x36: {  	v1 =	vadd.f32 v4, v1  }
0x37: {  	v3 =	vadd.f32 v3, v5  }
0x38: {  	[tilespmem:s18+$0x9F10] =	vst v2;
	v4 =	vmax.f32 v1, $1.000000000e+00;
	v5 =	vpop (erf)  }
0x39: {  	s19 =	simm.s32 $0x20;
	s20 =	simm.s32 $0xC0;
	v2 =	vld [tilespmem:s17+$0x9F10];
	(erf) = vrcp.f32 v4;
	v3 =	vmul.f32 v5, v3  }
.LBB2_2:
0x3a: {  	p1 =	sne.s32 s20, $0x9FC0;
	v4 =	vld [tilespmem:s19+$0xF410];
	s21 =	smov.u32 s20;
	s20 =	sadd.s32 $0x40, s20  }
0x3b: {  	v5 =	vld [tilespmem:s19+$0x11C10];
	[tilespmem:s18+$0x7710] =	vst v3;
	s18 =	smov.u32 s17;
	s17 =	smov.u32 s19  }
0x3c: {  	[tilespmem:s17+$0xF410] =	vst v0;
	v3 =	vld [tilespmem:s18+$0x7710];
	_ =	sdelay $0x2  }
.Ltmp0:
0x3d: {  	(pc) =	sbr.rel @p1 .LBB2_2-.Ltmp0, $4  }
0x3e: {  	v4 =	vadd.f32 v5, v4  }
0x3f: {  	v3 =	vadd.f32 v2, v3  }
0x40: {  	v5 =	vmax.f32 v4, $1.000000000e+00;
	[tilespmem:s18+$0x9F10] =	vst v1;
	v6 =	vpop (erf);
	v1 =	vmov v4  }
0x41: {  	s19 =	sshra.s32 s21, $0x2;
	v2 =	vld [tilespmem:s17+$0x9F10];
	(erf) = vrcp.f32 v5;
	v3 =	vmul.f32 v6, v3  }
0x42: {  	v4 =	vld [tilespmem:s19+$0xF410]  }
0x43: {  	v5 =	vld [tilespmem:s19+$0x11C10];
	[tilespmem:s18+$0x7710] =	vst v3  }
0x44: {  	[tilespmem:s19+$0xF410] =	vst v0  }
0x45: {  	v3 =	vld [tilespmem:s17+$0x7710];
	_ =	sdelay $0x3  }
0x46: {  	v4 =	vadd.f32 v5, v4  }
0x47: {  	v2 =	vadd.f32 v2, v3  }
0x48: {  	v3 =	vmax.f32 v4, $1.000000000e+00;
	v63 =	vpop (erf)  }
0x49: {  	[tilespmem:s17+$0x9F10] =	vst v1;
	(erf) = vrcp.f32 v3;
	v1 =	vmul.f32 v63, v2;
	_ =	sdelay $0x1  }
0x4a: {  	v2 =	vld [tilespmem:s19+$0x9F10];
	[tilespmem:s17+$0x7710] =	vst v1  }
0x4b: {  	v1 =	vld [tilespmem:s19+$0x7710];
	_ =	sdelay $0x4  }
0x4c: {  	v1 =	vadd.f32 v2, v1  }
0x4d: {  	v2 =	vpop (erf)  }
0x4e: {  	v1 =	vmul.f32 v2, v1  }
0x4f: {  	[tilespmem:s19+$0x9F10] =	vst v4  }
0x50: {  	s20 =	rddreg [dreg:$0x8];
	[tilespmem:s19+$0x7710] =	vst v1  }
0x51: {  	[spmem:s20] =	stream.linear.scatter [tilespmem:s25], [sflag:$0xA], $0x2800, $0x38;
	[tilespmem:$0x17110] =	vst v63  }
0x52: {  	_ =	swait.ge [sflag:s26], $0x2800  }
0x53: {  	[sflag:s26] =	ssyncset.done $0x0  }
0x54: {  	[sflag:s26] =	ssyncadd.s32 $0xFFFFD800  }
0x55: {  	[spmem:s10] =	stream.linear.scatter [tilespmem:s29], [sflag:$0xA], $0x2800, $0x38;
	[tilespmem:$0x17110] =	vst v63  }
0x56: {  	_ =	swait.ge [sflag:s26], $0x2800  }
0x57: {  	s18 =	simm.s32 @!p0 $0x7710;
	[sflag:s26] =	ssyncset.done $0x0  }
0x58: {  	s17 =	simm.s32 @!p0 $0x0;
	s19 =	rddreg [dreg:$0x9];
	[sflag:s26] =	ssyncadd.s32 $0xFFFFD800  }
0x59: {  	[hbm4b:s19+s17] =	stream.linear.scatter @!p0 [tilespmem:s18], [sflag:$0xA], $0x2800, $0x38;
	[tilespmem:$0x17110] =	vst v63  }
0x5a: {  	s18 =	simm.s32 @!p0 $0xA  }
0x5b: {  	_ =	swait.ge @!p0 [sflag:s18], $0x2800  }
0x5c: {  	[sflag:s18] =	ssyncset.done @!p0 $0x0  }
0x5d: {  	s19 =	simm.s32 @!p0 $0x9F10;
	s20 =	rddreg [dreg:$0xa];
	[sflag:s18] =	ssyncadd.s32 @!p0 $0xFFFFD800  }
0x5e: {  	[hbm4b:s20+s17] =	stream.linear.scatter @!p0 [tilespmem:s19], [sflag:$0xA], $0x2800, $0x38;
	[tilespmem:$0x17110] =	vst v63  }
0x5f: {  	_ =	swait.ge @!p0 [sflag:s18], $0x2800  }
0x60: {  	[sflag:s18] =	ssyncset.done @!p0 $0x0  }
0x61: {  	[sflag:s18] =	ssyncadd.s32 @!p0 $0xFFFFD800  }
0x62: {  	[bflag:$0x0] =	sbarrier.arrive $0xFFFF  }
0x63: {  	s21 =	rddreg [dreg:$0xb]  }
0x64: {  	[tilespmem:s31], [sflag:$0x1] =	stream.linear.gather [hbm4b:s21+s4], $0x7D0, $0x38;
	[tilespmem:$0x17110] =	vst v63  }
0x65: {  	s18 =	rddreg [dreg:$0xc]  }
0x66: {  	[tilespmem:s1], [sflag:$0x3] =	stream.linear.gather [hbm4b:s18+s4], $0x7D0, $0x38;
	[tilespmem:$0x17110] =	vst v63  }
0x67: {  	s19 =	rddreg [dreg:$0xd]  }
0x68: {  	[tilespmem:s0], [sflag:$0x2] =	stream.linear.gather [hbm4b:s19+s4], $0x7D0, $0x38;
	[tilespmem:$0x17110] =	vst v63  }
0x69: {  	s20 =	rddreg [dreg:$0xe]  }
0x6a: {  	[tilespmem:s28], [sflag:$0x4] =	stream.linear.gather [hbm4b:s20+s4], $0x7D0, $0x38;
	[tilespmem:$0x17110] =	vst v63  }
0x6b: {  	_ =	swait.ge [sflag:s30], $0x7D0  }
0x6c: {  	[sflag:s30] =	ssyncset.done $0x0  }
0x6d: {  	[sflag:s30] =	ssyncadd.s32 $0xFFFFF830  }
0x6e: {  	[tilespmem:s25], [sflag:$0x6] =	stream.indirect.gather [spmem:s2], $0x10, s31, s5, $0xb8;
	[tilespmem:$0x17110] =	vst v63  }
0x6f: {  	_ =	swait.ge [sflag:s6], $0x7D0  }
0x70: {  	[sflag:s6] =	ssyncset.done $0x0  }
0x71: {  	[sflag:s6] =	ssyncadd.s32 $0xFFFFF830  }
0x72: {  	[tilespmem:s29], [sflag:$0x7] =	stream.indirect.gather [spmem:s2], $0x10, s0, s5, $0xb8;
	[tilespmem:$0x17110] =	vst v63  }
0x73: {  	_ =	swait.ge [sflag:s7], $0x7D00  }
0x74: {  	[sflag:s7] =	ssyncset.done $0x0  }
0x75: {  	[sflag:s7] =	ssyncadd.s32 $0xFFFF8300  }
0x76: {  	_ =	swait.ge [sflag:s8], $0x7D0  }
0x77: {  	[sflag:s8] =	ssyncset.done $0x0  }
0x78: {  	[sflag:s8] =	ssyncadd.s32 $0xFFFFF830  }
0x79: {  	[spmem:s3] =	stream.indirect.scatter.add.f32 [tilespmem:s25], [sflag:$0x8], $0x10, s1, s5, $0xb8;
	[tilespmem:$0x17110] =	vst v63  }
0x7a: {  	s21 =	rddreg [dreg:$0xf]  }
0x7b: {  	[tilespmem:s31], [sflag:$0x1] =	stream.linear.gather [hbm4b:s21+s4], $0x7D0, $0x38;
	[tilespmem:$0x17110] =	vst v63  }
0x7c: {  	s18 =	rddreg [dreg:$0x10]  }
0x7d: {  	[tilespmem:s9], [sflag:$0x5] =	stream.linear.gather [hbm4b:s18+s4], $0x7D0, $0x38;
	[tilespmem:$0x17110] =	vst v63  }
0x7e: {  	_ =	swait.ge [sflag:s11], $0x7D00  }
0x7f: {  	[sflag:s11] =	ssyncset.done $0x0  }
0x80: {  	[sflag:s11] =	ssyncadd.s32 $0xFFFF8300  }
0x81: {  	_ =	swait.ge [sflag:s30], $0x7D0  }
0x82: {  	[sflag:s30] =	ssyncset.done $0x0  }
0x83: {  	[sflag:s30] =	ssyncadd.s32 $0xFFFFF830  }
0x84: {  	[tilespmem:s25], [sflag:$0x6] =	stream.indirect.gather [spmem:s2], $0x10, s31, s5, $0xb8;
	[tilespmem:$0x17110] =	vst v63  }
0x85: {  	_ =	swait.ge [sflag:s12], $0x7D00  }
0x86: {  	[sflag:s12] =	ssyncset.done $0x0  }
0x87: {  	[sflag:s12] =	ssyncadd.s32 $0xFFFF8300  }
0x88: {  	_ =	swait.ge [sflag:s13], $0x7D0  }
0x89: {  	[sflag:s13] =	ssyncset.done $0x0  }
0x8a: {  	[sflag:s13] =	ssyncadd.s32 $0xFFFFF830  }
0x8b: {  	[spmem:s3] =	stream.indirect.scatter.add.f32 [tilespmem:s29], [sflag:$0x9], $0x10, s28, s5, $0xb8;
	[tilespmem:$0x17110] =	vst v63  }
0x8c: {  	s19 =	rddreg [dreg:$0x11]  }
0x8d: {  	[tilespmem:s0], [sflag:$0x2] =	stream.linear.gather [hbm4b:s19+s4], $0x7D0, $0x38;
	[tilespmem:$0x17110] =	vst v63  }
0x8e: {  	s20 =	rddreg [dreg:$0x12]  }
0x8f: {  	[tilespmem:s1], [sflag:$0x3] =	stream.linear.gather [hbm4b:s20+s4], $0x7D0, $0x38;
	[tilespmem:$0x17110] =	vst v63  }
0x90: {  	_ =	swait.ge [sflag:s14], $0x7D00  }
0x91: {  	[sflag:s14] =	ssyncset.done $0x0  }
0x92: {  	[sflag:s14] =	ssyncadd.s32 $0xFFFF8300  }
0x93: {  	_ =	swait.ge [sflag:s6], $0x7D0  }
0x94: {  	[sflag:s6] =	ssyncset.done $0x0  }
0x95: {  	[sflag:s6] =	ssyncadd.s32 $0xFFFFF830  }
0x96: {  	[tilespmem:s29], [sflag:$0x7] =	stream.indirect.gather [spmem:s2], $0x10, s0, s5, $0xb8;
	[tilespmem:$0x17110] =	vst v63  }
0x97: {  	_ =	swait.ge [sflag:s7], $0x7D00  }
0x98: {  	[sflag:s7] =	ssyncset.done $0x0  }
0x99: {  	[sflag:s7] =	ssyncadd.s32 $0xFFFF8300  }
0x9a: {  	_ =	swait.ge [sflag:s15], $0x7D0  }
0x9b: {  	[sflag:s15] =	ssyncset.done $0x0  }
0x9c: {  	[sflag:s15] =	ssyncadd.s32 $0xFFFFF830  }
0x9d: {  	[spmem:s3] =	stream.indirect.scatter.add.f32 [tilespmem:s25], [sflag:$0x8], $0x10, s9, s5, $0xb8;
	[tilespmem:$0x17110] =	vst v63  }
0x9e: {  	s21 =	rddreg [dreg:$0x13]  }
0x9f: {  	[tilespmem:s31], [sflag:$0x1] =	stream.linear.gather [hbm4b:s21+s4], $0x7D0, $0x38;
	[tilespmem:$0x17110] =	vst v63  }
0xa0: {  	_ = 	snop  }
0xa1: {  	[tilespmem:s28], [sflag:$0x4] =	stream.linear.gather [hbm4b:s22+s4], $0x7D0, $0x38;
	[tilespmem:$0x17110] =	vst v63  }
0xa2: {  	_ =	swait.ge [sflag:s11], $0x7D00  }
0xa3: {  	[sflag:s11] =	ssyncset.done $0x0  }
0xa4: {  	[sflag:s11] =	ssyncadd.s32 $0xFFFF8300  }
0xa5: {  	_ =	swait.ge [sflag:s30], $0x7D0  }
0xa6: {  	[sflag:s30] =	ssyncset.done $0x0  }
0xa7: {  	[sflag:s30] =	ssyncadd.s32 $0xFFFFF830  }
0xa8: {  	[tilespmem:s25], [sflag:$0x6] =	stream.indirect.gather [spmem:s2], $0x10, s31, s5, $0xb8;
	[tilespmem:$0x17110] =	vst v63  }
0xa9: {  	_ =	swait.ge [sflag:s12], $0x7D00  }
0xaa: {  	[sflag:s12] =	ssyncset.done $0x0  }
0xab: {  	[sflag:s12] =	ssyncadd.s32 $0xFFFF8300  }
0xac: {  	_ =	swait.ge [sflag:s8], $0x7D0  }
0xad: {  	[sflag:s8] =	ssyncset.done $0x0  }
0xae: {  	[sflag:s8] =	ssyncadd.s32 $0xFFFFF830  }
0xaf: {  	[spmem:s3] =	stream.indirect.scatter.add.f32 [tilespmem:s29], [sflag:$0x9], $0x10, s1, s5, $0xb8;
	[tilespmem:$0x17110] =	vst v63  }
0xb0: {  	_ =	swait.ge [sflag:s7], $0x7D00  }
0xb1: {  	[sflag:s7] =	ssyncset.done $0x0  }
0xb2: {  	[sflag:s7] =	ssyncadd.s32 $0xFFFF8300  }
0xb3: {  	_ =	swait.ge [sflag:s13], $0x7D0  }
0xb4: {  	[sflag:s13] =	ssyncset.done $0x0  }
0xb5: {  	[sflag:s13] =	ssyncadd.s32 $0xFFFFF830  }
0xb6: {  	[spmem:s3] =	stream.indirect.scatter.add.f32 [tilespmem:s25], [sflag:$0x8], $0x10, s28, s5, $0xb8;
	[tilespmem:$0x17110] =	vst v63  }
0xb7: {  	_ =	swait.ge [sflag:s14], $0x7D00  }
0xb8: {  	[sflag:s14] =	ssyncset.done $0x0  }
0xb9: {  	[sflag:s14] =	ssyncadd.s32 $0xFFFF8300  }
0xba: {  	_ =	swait.ge [sflag:s11], $0x7D00  }
0xbb: {  	[sflag:s11] =	ssyncset.done $0x0  }
0xbc: {  	[sflag:s11] =	ssyncadd.s32 $0xFFFF8300  }
0xbd: {  	[bflag:$0x0] =	sbarrier.arrive $0xFFFF  }
0xbe: {  	[tilespmem:s25], [sflag:$0xA] =	stream.linear.gather [spmem:s10], $0x2800, $0x38;
	[tilespmem:$0x17110] =	vst v63  }
0xbf: {  	s16 =	sadd.s32 $0x1, s16;
	_ =	swait.ge [sflag:s26], $0x2800  }
0xc0: {  	p1 =	sne.s32 s16, s24;
	[sflag:s26] =	ssyncset.done $0x0  }
.Ltmp1:
0xc1: {  	[sflag:s26] =	ssyncadd.s32 $0xFFFFD800;
	(pc) =	sbr.rel @p1 .LBB2_1-.Ltmp1, $4  }
0xc2: {  	[hbm4b:s23+s4] =	stream.linear.scatter [tilespmem:s25], [sflag:$0xA], $0x2800, $0x38;
	[tilespmem:$0x17110] =	vst v63  }
0xc3: {  	_ =	swait.ge [sflag:s26], $0x2800  }
0xc4: {  	[sflag:s26] =	ssyncset.done $0x0  }
0xc5: {  	[sflag:s26] =	ssyncadd.s32 $0xFFFFD800  }
0xc6: {  	_ =	sfence.sel $0x180000  }
0xc7: {  	[bflag:$0x0] =	sbarrier.arrive $0xFFFF  }
0xc8: {  	_ =	strace $0x9000004A  }
0xc9: {  	s0 =	stileid.u32;
	[bflag:$0x2] =	sbarrier.arrive $0xFFFF  }
0xca: {  	p0 =	sne.s32 s0, $0x0;
	s0 =	rddreg [dreg:$0x3]  }
0xcb: {  	s0 =	sadd.s32 @!p0 $0x100000, s0  }
0xcc: {  	[sflag:s0] =	ssyncadd.tile.s32 @!p0 $0x1;
	_ =	shalt  }
.Lfunc_end2:
_tile_overlayer_lowered:
.L_overlay_start_2:
0xcd: {  	(tag) =	ssettag $0x2  }
0xce: {  	s0 =	rddreg [dreg:$0x0];
	s2 =	stileid.u32  }
0xcf: {  	s1 =	rddreg [dreg:$0x1];
	p0 =	sne.s32 s2, $0x0  }
0xd0: {  	s3 =	rddreg [dreg:$0x2];
	[bflag:$0x3] =	sbarrier.arrive $0xFFFF;
	s2 =	simm.s32 @!p0 $0x1C0A  }
0xd1: {  	[timem:s3], [sflag:s2] =	dma.local @!p0 [hbm:s0], s1  }
0xd2: {  	s0 =	simm.s32 @!p0 $0xA  }
0xd3: {  	_ =	swait.ge @!p0 [sflag:s0], s1  }
0xd4: {  	s1 =	ssub.s32 @!p0 $0x0, s1;
	[sflag:s0] =	ssyncset.done @!p0 $0x0  }
0xd5: {  	[sflag:s0] =	ssyncadd.s32 @!p0 s1  }
0xd6: {  	[bflag:$0x3] =	sbarrier.arrive $0xFFFF  }
0xd7: {  	_ =	shalt  }

</sc_bundles>
